<compile_context>
chip_gen: v7x
topology: tpu7x:2x2x1
jax: 0.10.2.dev20260603
libtpu: 0.0.44.dev20260713+nightly
codegen_flags: <defaults>
</compile_context>

<pallas_src>
import jax
import jax.numpy as jnp
from jax import lax
from jax.experimental import pallas as pl
from jax.experimental.pallas import tpu as pltpu
from jax.experimental.pallas import tpu_sc as plsc

N = 10000
NPAD = 10240
E = 160000
DIN = 256
H = 128
OUT = 64
ALPHA = 0.5

NC = 2
NS = 16
NW = NC * NS
CHUNK = 128
CHUNKS_PER_W = 40
TOTC = NW * CHUNKS_PER_W
ROWS_PER_TILE = NPAD // NS
CA = 64
CB = 80 - CA
CMAX = max(CA, CB)

_mesh = plsc.VectorSubcoreMesh(core_axis_name="c", subcore_axis_name="s")



def _deg_body(dst_hbm, zeros_hbm, ones_hbm, out_hbm, idx_v, ones_v, acc_sh, sem):
    c = lax.axis_index("c")
    s = lax.axis_index("s")
    wid = c * NS + s
    pltpu.sync_copy(zeros_hbm, acc_sh.at[pl.ds(s * ROWS_PER_TILE, ROWS_PER_TILE)])
    pltpu.sync_copy(dst_hbm.at[pl.ds(wid * CHUNKS_PER_W, CHUNKS_PER_W)], idx_v)
    pltpu.sync_copy(ones_hbm, ones_v)
    plsc.subcore_barrier()

    @pl.loop(0, CHUNKS_PER_W)
    def _(j):
        pltpu.sync_copy(ones_v, acc_sh.at[idx_v.at[j]], add=True)

    plsc.subcore_barrier()
    pltpu.sync_copy(acc_sh.at[pl.ds(s * ROWS_PER_TILE, ROWS_PER_TILE)],
                    out_hbm.at[c, pl.ds(s * ROWS_PER_TILE, ROWS_PER_TILE)])


_deg_call = pl.kernel(
    _deg_body,
    out_type=jax.ShapeDtypeStruct((NC, NPAD), jnp.float32),
    mesh=_mesh,
    scratch_types=[
        pltpu.VMEM((CHUNKS_PER_W, CHUNK), jnp.int32),
        pltpu.VMEM((CHUNK,), jnp.float32),
        pltpu.VMEM_SHARED((NPAD,), jnp.float32),
        pltpu.SemaphoreType.DMA,
    ],
)


def _prop_pipeline(n, y_hbm, src_v, dst_v, rows0_v, rows1_v, acc_sh,
                   sem0, sem1, ssem0, ssem1):
    def _gather(j, rows, sem):
        pltpu.async_copy(y_hbm.at[src_v.at[j]], rows, sem)

    def _gwait(j, rows, sem):
        pltpu.make_async_copy(y_hbm.at[src_v.at[j]], rows, sem).wait()

    def _scat(j, rows, sem):
        pltpu.async_copy(rows, acc_sh.at[dst_v.at[j]], sem, add=True)

    def _swait(j, rows, sem):
        pltpu.make_async_copy(rows, acc_sh.at[dst_v.at[j]], sem).wait()

    _gather(0, rows0_v, sem0)
    _gather(1, rows1_v, sem1)

    @pl.loop(0, n - 2, step=2)
    def _(j):
        _gwait(j, rows0_v, sem0)
        _scat(j, rows0_v, ssem0)
        _gwait(j + 1, rows1_v, sem1)
        _scat(j + 1, rows1_v, ssem1)
        _swait(j, rows0_v, ssem0)
        _gather(j + 2, rows0_v, sem0)
        _swait(j + 1, rows1_v, ssem1)
        _gather(j + 3, rows1_v, sem1)

    _J = n - 2
    _gwait(_J, rows0_v, sem0)
    _scat(_J, rows0_v, ssem0)
    _gwait(_J + 1, rows1_v, sem1)
    _scat(_J + 1, rows1_v, ssem1)
    _swait(_J, rows0_v, ssem0)
    _swait(_J + 1, rows1_v, ssem1)


def _prop_body(y_hbm, src_hbm, dst_hbm, out_hbm,
               src_v, dst_v, rows0_v, rows1_v, acc_sh, sem0, sem1, ssem0, ssem1):
    c = lax.axis_index("c")
    s = lax.axis_index("s")
    base = jnp.where(c == 0, s * CA, NS * CA + s * CB)

    @pl.loop(0, CHUNK)
    def _(i):
        for k in range(H // 16):
            rows0_v[i, pl.ds(k * 16, 16)] = jnp.zeros((16,), jnp.float32)

    for t in range(ROWS_PER_TILE // CHUNK):
        pltpu.sync_copy(rows0_v,
                        acc_sh.at[pl.ds(s * ROWS_PER_TILE + t * CHUNK, CHUNK)])
    pltpu.sync_copy(src_hbm.at[pl.ds(base, CMAX)], src_v)
    pltpu.sync_copy(dst_hbm.at[pl.ds(base, CMAX)], dst_v)
    plsc.subcore_barrier()

    args = (y_hbm, src_v, dst_v, rows0_v, rows1_v, acc_sh, sem0, sem1,
            ssem0, ssem1)
    if CA == CB:
        _prop_pipeline(CA, *args)
    else:
        @pl.when(c == 0)
        def _():
            _prop_pipeline(CA, *args)

        @pl.when(c == 1)
        def _():
            _prop_pipeline(CB, *args)

    plsc.subcore_barrier()
    pltpu.sync_copy(acc_sh.at[pl.ds(s * ROWS_PER_TILE, ROWS_PER_TILE)],
                    out_hbm.at[c, pl.ds(s * ROWS_PER_TILE, ROWS_PER_TILE)])


_prop_call = pl.kernel(
    _prop_body,
    out_type=jax.ShapeDtypeStruct((NC, NPAD, H), jnp.float32),
    mesh=_mesh,
    scratch_types=[
        pltpu.VMEM((CMAX, CHUNK), jnp.int32),
        pltpu.VMEM((CMAX, CHUNK), jnp.int32),
        pltpu.VMEM((CHUNK, H), jnp.float32),
        pltpu.VMEM((CHUNK, H), jnp.float32),
        pltpu.VMEM_SHARED((NPAD, H), jnp.float32),
        pltpu.SemaphoreType.DMA,
        pltpu.SemaphoreType.DMA,
        pltpu.SemaphoreType.DMA,
        pltpu.SemaphoreType.DMA,
    ],
)



BR = 512
GRID = NPAD // BR


def _ln(u, g, b):
    mu = jnp.mean(u, axis=-1, keepdims=True)
    var = jnp.mean((u - mu) ** 2, axis=-1, keepdims=True)
    return (u - mu) * lax.rsqrt(var + 1e-5) * g + b


def _tc1_body(x_ref, wi_ref, bi_ref, dega_ref, degb_ref,
              x0_ref, y0_ref, dinv_ref):
    x0 = jnp.maximum(
        jnp.dot(x_ref[...], wi_ref[...], preferred_element_type=jnp.float32)
        + bi_ref[...], 0.0)
    deg = dega_ref[...] + degb_ref[...] + 1.0
    dinv = lax.rsqrt(deg)
    x0_ref[...] = x0
    y0_ref[...] = dinv * x0
    dinv_ref[...] = dinv


_tc1_call = pl.pallas_call(
    _tc1_body,
    grid=(GRID,),
    in_specs=[
        pl.BlockSpec((BR, DIN), lambda i: (i, 0)),
        pl.BlockSpec((DIN, H), lambda i: (0, 0)),
        pl.BlockSpec((1, H), lambda i: (0, 0)),
        pl.BlockSpec((BR, 1), lambda i: (i, 0)),
        pl.BlockSpec((BR, 1), lambda i: (i, 0)),
    ],
    out_specs=[
        pl.BlockSpec((BR, H), lambda i: (i, 0)),
        pl.BlockSpec((BR, H), lambda i: (i, 0)),
        pl.BlockSpec((BR, 1), lambda i: (i, 0)),
    ],
    out_shape=[
        jax.ShapeDtypeStruct((NPAD, H), jnp.float32),
        jax.ShapeDtypeStruct((NPAD, H), jnp.float32),
        jax.ShapeDtypeStruct((NPAD, 1), jnp.float32),
    ],
)


def _tc2_body(a0_ref, a1_ref, x0_ref, dinv_ref, w1_ref, g1_ref, be1_ref,
              h1_ref, y1_ref):
    dv = dinv_ref[...]
    x0 = x0_ref[...]
    h = dv * (a0_ref[...] + a1_ref[...]) + (dv * dv) * x0
    t = (1.0 - ALPHA) * h + ALPHA * x0
    u = jnp.dot(t, w1_ref[...], preferred_element_type=jnp.float32)
    h1 = jnp.maximum(_ln(u, g1_ref[...], be1_ref[...]), 0.0)
    h1_ref[...] = h1
    y1_ref[...] = dv * h1


_tc2_call = pl.pallas_call(
    _tc2_body,
    grid=(GRID,),
    in_specs=[
        pl.BlockSpec((BR, H), lambda i: (i, 0)),
        pl.BlockSpec((BR, H), lambda i: (i, 0)),
        pl.BlockSpec((BR, H), lambda i: (i, 0)),
        pl.BlockSpec((BR, 1), lambda i: (i, 0)),
        pl.BlockSpec((H, H), lambda i: (0, 0)),
        pl.BlockSpec((1, H), lambda i: (0, 0)),
        pl.BlockSpec((1, H), lambda i: (0, 0)),
    ],
    out_specs=[
        pl.BlockSpec((BR, H), lambda i: (i, 0)),
        pl.BlockSpec((BR, H), lambda i: (i, 0)),
    ],
    out_shape=[
        jax.ShapeDtypeStruct((NPAD, H), jnp.float32),
        jax.ShapeDtypeStruct((NPAD, H), jnp.float32),
    ],
)


def _tc3_body(a0_ref, a1_ref, h1_ref, x0_ref, dinv_ref, w2_ref, g2_ref,
              be2_ref, wr1_ref, br1_ref, gr_ref, ber_ref, wr2_ref, br2_ref,
              o_ref):
    dv = dinv_ref[...]
    h1 = h1_ref[...]
    h = dv * (a0_ref[...] + a1_ref[...]) + (dv * dv) * h1
    t = (1.0 - ALPHA) * h + ALPHA * x0_ref[...]
    u = jnp.dot(t, w2_ref[...], preferred_element_type=jnp.float32)
    h2 = jnp.maximum(_ln(u, g2_ref[...], be2_ref[...]), 0.0)
    z = jnp.dot(h2, wr1_ref[...], preferred_element_type=jnp.float32) + br1_ref[...]
    z = jnp.maximum(_ln(z, gr_ref[...], ber_ref[...]), 0.0)
    o_ref[...] = (jnp.dot(z, wr2_ref[...], preferred_element_type=jnp.float32)
                  + br2_ref[...])


_tc3_call = pl.pallas_call(
    _tc3_body,
    grid=(GRID,),
    in_specs=[
        pl.BlockSpec((BR, H), lambda i: (i, 0)),
        pl.BlockSpec((BR, H), lambda i: (i, 0)),
        pl.BlockSpec((BR, H), lambda i: (i, 0)),
        pl.BlockSpec((BR, H), lambda i: (i, 0)),
        pl.BlockSpec((BR, 1), lambda i: (i, 0)),
        pl.BlockSpec((H, H), lambda i: (0, 0)),
        pl.BlockSpec((1, H), lambda i: (0, 0)),
        pl.BlockSpec((1, H), lambda i: (0, 0)),
        pl.BlockSpec((H, 32), lambda i: (0, 0)),
        pl.BlockSpec((1, 32), lambda i: (0, 0)),
        pl.BlockSpec((1, 32), lambda i: (0, 0)),
        pl.BlockSpec((1, 32), lambda i: (0, 0)),
        pl.BlockSpec((32, OUT), lambda i: (0, 0)),
        pl.BlockSpec((1, OUT), lambda i: (0, 0)),
    ],
    out_specs=pl.BlockSpec((BR, OUT), lambda i: (i, 0)),
    out_shape=jax.ShapeDtypeStruct((NPAD, OUT), jnp.float32),
)



def kernel(x, edge_index, edge_weight, W_in, b_in, W1, g1, be1, W2, g2, be2,
           Wr1, br1, gr, ber, Wr2, br2):
    pad = (TOTC + CMAX) * CHUNK - E
    src_p = jnp.concatenate(
        [edge_index[0], jnp.zeros((pad,), jnp.int32)]).reshape(TOTC + CMAX, CHUNK)
    dst_p = jnp.concatenate(
        [edge_index[1], jnp.full((pad,), N, jnp.int32)]).reshape(TOTC + CMAX, CHUNK)
    x_pad = jnp.pad(x, ((0, NPAD - N), (0, 0)))

    z_deg = jnp.zeros((ROWS_PER_TILE,), jnp.float32)
    ones_c = jnp.ones((CHUNK,), jnp.float32)

    degp = _deg_call(dst_p, z_deg, ones_c)
    x0, y0, dinv = _tc1_call(x_pad, W_in, b_in[None], degp[0][:, None],
                             degp[1][:, None])

    acc1 = _prop_call(y0, src_p, dst_p)
    h1, y1 = _tc2_call(acc1[0], acc1[1], x0, dinv, W1, g1[None], be1[None])

    acc2 = _prop_call(y1, src_p, dst_p)
    out = _tc3_call(acc2[0], acc2[1], h1, x0, dinv, W2, g2[None], be2[None],
                    Wr1, br1[None], gr[None], ber[None], Wr2, br2[None])
    return out[:N]

# --- scband reference (transcript-rebuilt; emitter-appended) ---
"""Pipeline reference for scband-gcnii-11252814315557 (READ-ONLY COPY).

The authoritative reference and input builder live on the scoring server;
editing this copy changes nothing except your own understanding.
"""

import jax, jax.numpy as jnp
import numpy as np

N = 10000
E = 160000
D_IN = 256
H = 128
OUT = 64
ALPHA = 0.5


def setup_inputs(seed: int = 0) -> dict:
    key = jax.random.key(seed)
    ks = jax.random.split(key, 12)

    def p(k, shape, scale=0.05):
        return jax.random.normal(k, shape, dtype=jnp.float32) * scale

    inp = {}
    inp["x"] = jax.random.normal(ks[0], (N, D_IN), dtype=jnp.float32)
    inp["edge_index"] = jax.random.randint(ks[1], (2, E), 0, N, dtype=jnp.int32)
    inp["edge_weight"] = jax.random.uniform(ks[2], (E,), dtype=jnp.float32)
    # parameters
    inp["W_in"] = p(ks[3], (D_IN, H))
    inp["b_in"] = jnp.zeros((H,), jnp.float32)
    inp["W1"] = p(ks[4], (H, H))
    inp["g1"] = jnp.ones((H,), jnp.float32)
    inp["be1"] = jnp.zeros((H,), jnp.float32)
    inp["W2"] = p(ks[5], (H, H))
    inp["g2"] = jnp.ones((H,), jnp.float32)
    inp["be2"] = jnp.zeros((H,), jnp.float32)
    inp["Wr1"] = p(ks[6], (H, 32))
    inp["br1"] = jnp.zeros((32,), jnp.float32)
    inp["gr"] = jnp.ones((32,), jnp.float32)
    inp["ber"] = jnp.zeros((32,), jnp.float32)
    inp["Wr2"] = p(ks[7], (32, OUT))
    inp["br2"] = jnp.zeros((OUT,), jnp.float32)
    return inp


def _layer_norm(h, g, b, eps=1e-5):
    mu = jnp.mean(h, axis=-1, keepdims=True)
    var = jnp.mean((h - mu) ** 2, axis=-1, keepdims=True)
    return (h - mu) / jnp.sqrt(var + eps) * g + b


def _gcn2_conv(x, x0, src, dst, norm, W1, alpha):
    # propagate: sum_j norm_ij * x_j  (GCN normalization w/ self loops)
    h = jax.ops.segment_sum(norm[:, None] * x[src], dst, num_segments=N)
    out = (1.0 - alpha) * h + alpha * x0
    # theta=None -> beta=1.0, shared weights: out = out @ W1
    return out @ W1


def reference(x, edge_index, edge_weight, W_in, b_in, W1, g1, be1, W2, g2, be2, Wr1, br1, gr, ber, Wr2, br2):
    # gcn_norm with added self-loops; edge_weight arg is unused by the torch forward
    loop = jnp.arange(N, dtype=edge_index.dtype)
    src = jnp.concatenate([edge_index[0], loop])
    dst = jnp.concatenate([edge_index[1], loop])
    w = jnp.ones(src.shape[0], jnp.float32)
    deg = jnp.zeros((N,), jnp.float32).at[dst].add(w)
    dinv = jnp.where(deg > 0, 1.0 / jnp.sqrt(jnp.maximum(deg, 1e-12)), 0.0)
    norm = dinv[src] * w * dinv[dst]

    x0 = jax.nn.relu(x @ W_in + b_in)
    h1 = jax.nn.relu(_layer_norm(_gcn2_conv(x0, x0, src, dst, norm, W1, ALPHA), g1, be1))
    h2 = jax.nn.relu(_layer_norm(_gcn2_conv(h1, x0, src, dst, norm, W2, ALPHA), g2, be2))
    # batch is None -> no global_mean_pool; readout MLP
    z = jax.nn.relu(_layer_norm(h2 @ Wr1 + br1, gr, ber))
    return z @ Wr2 + br2

if __name__ == "__main__":
    import jax
    _d = setup_inputs()
    print(jax.jit(kernel)(*tuple(_d.values())))

</pallas_src>

<mosaic_0001>
#map = affine_map<(d0, d1) -> (0, 0)>
#map1 = affine_map<(d0, d1) -> (0, 0, 0)>
module attributes {stable_mosaic.version = 14 : i64} {
  func.func @_prop_body(%arg0: i32, %arg1: i32, %arg2: memref<10240x128xf32, #tpu.memory_space<hbm>>, %arg3: memref<1344x128xi32, #tpu.memory_space<hbm>>, %arg4: memref<1344x128xi32, #tpu.memory_space<hbm>>, %arg5: memref<2x10240x128xf32, #tpu.memory_space<hbm>>, %arg6: memref<64x128xi32, #tpu.memory_space<vmem>>, %arg7: memref<64x128xi32, #tpu.memory_space<vmem>>, %arg8: memref<128x128xf32, #tpu.memory_space<vmem>>, %arg9: memref<128x128xf32, #tpu.memory_space<vmem>>, %arg10: memref<10240x128xf32, #tpu.memory_space<vmem_shared>>, %arg11: memref<!tpu.dma_semaphore, #tpu.memory_space<semaphore_mem>>, %arg12: memref<!tpu.dma_semaphore, #tpu.memory_space<semaphore_mem>>, %arg13: memref<!tpu.dma_semaphore, #tpu.memory_space<semaphore_mem>>, %arg14: memref<!tpu.dma_semaphore, #tpu.memory_space<semaphore_mem>>) attributes {dimension_semantics = [#tpu.dimension_semantics<core_parallel>, #tpu.dimension_semantics<subcore_parallel>], iteration_bounds = array<i64: 2, 16>, scalar_prefetch = 0 : i64, scratch_operands = 9 : i64, tpu.core_type = #tpu.core_type<sc_vector_subcore>, window_params = [{transform_indices = #map}, {transform_indices = #map}, {transform_indices = #map}, {transform_indices = #map1}]} {
    %eq3A = arith.constant 0 : i32
    %eq3A_0 = arith.cmpi eq, %arg0, %eq3A : i32
    %mul3A = arith.constant 64 : i32
    %mul3A_1 = arith.muli %arg1, %mul3A : i32
    %mul3A_2 = arith.constant 16 : i32
    %mul3A_3 = arith.muli %arg1, %mul3A_2 : i32
    %add3A = arith.constant 1024 : i32
    %add3A_4 = arith.addi %add3A, %mul3A_3 : i32
    %select_n3A = arith.select %eq3A_0, %mul3A_1, %add3A_4 : i32
    %scan3A = arith.constant 0 : i32
    %scan3A_5 = arith.constant 128 : i32
    %scan3A_6 = arith.addi %scan3A, %scan3A_5 : i32
    %scan3A_7 = arith.constant 1 : i32
    scf.for %scan3A_42 = %scan3A to %scan3A_6 step %scan3A_7  : i32 {
      %mul3A_43 = arith.constant 1 : i32
      %mul3A_44 = arith.muli %scan3A_42, %mul3A_43 : i32
      %add3A_45 = arith.constant 0 : i32
      %add3A_46 = arith.addi %add3A_45, %mul3A_44 : i32
      %broadcast_in_dim3A = arith.constant 0.000000e+00 : f32
      %broadcast_in_dim3A_47 = vector.broadcast %broadcast_in_dim3A : f32 to vector<16xf32>
      %swap3A = arith.index_cast %add3A_46 : i32 to index
      %swap3A_48 = arith.constant 0 : index
      %swap3A_49 = tpu.vector_load %arg8[%swap3A, %swap3A_48] {strides = array<i32>} : memref<128x128xf32, #tpu.memory_space<vmem>>, vector<1x16xf32>,
      %swap3A_50 = vector.shape_cast %swap3A_49 : vector<1x16xf32> to vector<16xf32>
      %swap3A_51 = vector.shape_cast %broadcast_in_dim3A_47 : vector<16xf32> to vector<1x16xf32>
      tpu.vector_store %arg8[%swap3A, %swap3A_48], %swap3A_51 {strides = array<i32>} : memref<128x128xf32, #tpu.memory_space<vmem>>, vector<1x16xf32>,
      %broadcast_in_dim3A_52 = arith.constant 0.000000e+00 : f32
      %broadcast_in_dim3A_53 = vector.broadcast %broadcast_in_dim3A_52 : f32 to vector<16xf32>
      %swap3A_54 = arith.index_cast %add3A_46 : i32 to index
      %swap3A_55 = arith.constant 16 : index
      %swap3A_56 = tpu.vector_load %arg8[%swap3A_54, %swap3A_55] {strides = array<i32>} : memref<128x128xf32, #tpu.memory_space<vmem>>, vector<1x16xf32>,
      %swap3A_57 = vector.shape_cast %swap3A_56 : vector<1x16xf32> to vector<16xf32>
      %swap3A_58 = vector.shape_cast %broadcast_in_dim3A_53 : vector<16xf32> to vector<1x16xf32>
      tpu.vector_store %arg8[%swap3A_54, %swap3A_55], %swap3A_58 {strides = array<i32>} : memref<128x128xf32, #tpu.memory_space<vmem>>, vector<1x16xf32>,
      %broadcast_in_dim3A_59 = arith.constant 0.000000e+00 : f32
      %broadcast_in_dim3A_60 = vector.broadcast %broadcast_in_dim3A_59 : f32 to vector<16xf32>
      %swap3A_61 = arith.index_cast %add3A_46 : i32 to index
      %swap3A_62 = arith.constant 32 : index
      %swap3A_63 = tpu.vector_load %arg8[%swap3A_61, %swap3A_62] {strides = array<i32>} : memref<128x128xf32, #tpu.memory_space<vmem>>, vector<1x16xf32>,
      %swap3A_64 = vector.shape_cast %swap3A_63 : vector<1x16xf32> to vector<16xf32>
      %swap3A_65 = vector.shape_cast %broadcast_in_dim3A_60 : vector<16xf32> to vector<1x16xf32>
      tpu.vector_store %arg8[%swap3A_61, %swap3A_62], %swap3A_65 {strides = array<i32>} : memref<128x128xf32, #tpu.memory_space<vmem>>, vector<1x16xf32>,
      %broadcast_in_dim3A_66 = arith.constant 0.000000e+00 : f32
      %broadcast_in_dim3A_67 = vector.broadcast %broadcast_in_dim3A_66 : f32 to vector<16xf32>
      %swap3A_68 = arith.index_cast %add3A_46 : i32 to index
      %swap3A_69 = arith.constant 48 : index
      %swap3A_70 = tpu.vector_load %arg8[%swap3A_68, %swap3A_69] {strides = array<i32>} : memref<128x128xf32, #tpu.memory_space<vmem>>, vector<1x16xf32>,
      %swap3A_71 = vector.shape_cast %swap3A_70 : vector<1x16xf32> to vector<16xf32>
      %swap3A_72 = vector.shape_cast %broadcast_in_dim3A_67 : vector<16xf32> to vector<1x16xf32>
      tpu.vector_store %arg8[%swap3A_68, %swap3A_69], %swap3A_72 {strides = array<i32>} : memref<128x128xf32, #tpu.memory_space<vmem>>, vector<1x16xf32>,
      %broadcast_in_dim3A_73 = arith.constant 0.000000e+00 : f32
      %broadcast_in_dim3A_74 = vector.broadcast %broadcast_in_dim3A_73 : f32 to vector<16xf32>
      %swap3A_75 = arith.index_cast %add3A_46 : i32 to index
      %swap3A_76 = arith.constant 64 : index
      %swap3A_77 = tpu.vector_load %arg8[%swap3A_75, %swap3A_76] {strides = array<i32>} : memref<128x128xf32, #tpu.memory_space<vmem>>, vector<1x16xf32>,
      %swap3A_78 = vector.shape_cast %swap3A_77 : vector<1x16xf32> to vector<16xf32>
      %swap3A_79 = vector.shape_cast %broadcast_in_dim3A_74 : vector<16xf32> to vector<1x16xf32>
      tpu.vector_store %arg8[%swap3A_75, %swap3A_76], %swap3A_79 {strides = array<i32>} : memref<128x128xf32, #tpu.memory_space<vmem>>, vector<1x16xf32>,
      %broadcast_in_dim3A_80 = arith.constant 0.000000e+00 : f32
      %broadcast_in_dim3A_81 = vector.broadcast %broadcast_in_dim3A_80 : f32 to vector<16xf32>
      %swap3A_82 = arith.index_cast %add3A_46 : i32 to index
      %swap3A_83 = arith.constant 80 : index
      %swap3A_84 = tpu.vector_load %arg8[%swap3A_82, %swap3A_83] {strides = array<i32>} : memref<128x128xf32, #tpu.memory_space<vmem>>, vector<1x16xf32>,
      %swap3A_85 = vector.shape_cast %swap3A_84 : vector<1x16xf32> to vector<16xf32>
      %swap3A_86 = vector.shape_cast %broadcast_in_dim3A_81 : vector<16xf32> to vector<1x16xf32>
      tpu.vector_store %arg8[%swap3A_82, %swap3A_83], %swap3A_86 {strides = array<i32>} : memref<128x128xf32, #tpu.memory_space<vmem>>, vector<1x16xf32>,
      %broadcast_in_dim3A_87 = arith.constant 0.000000e+00 : f32
      %broadcast_in_dim3A_88 = vector.broadcast %broadcast_in_dim3A_87 : f32 to vector<16xf32>
      %swap3A_89 = arith.index_cast %add3A_46 : i32 to index
      %swap3A_90 = arith.constant 96 : index
      %swap3A_91 = tpu.vector_load %arg8[%swap3A_89, %swap3A_90] {strides = array<i32>} : memref<128x128xf32, #tpu.memory_space<vmem>>, vector<1x16xf32>,
      %swap3A_92 = vector.shape_cast %swap3A_91 : vector<1x16xf32> to vector<16xf32>
      %swap3A_93 = vector.shape_cast %broadcast_in_dim3A_88 : vector<16xf32> to vector<1x16xf32>
      tpu.vector_store %arg8[%swap3A_89, %swap3A_90], %swap3A_93 {strides = array<i32>} : memref<128x128xf32, #tpu.memory_space<vmem>>, vector<1x16xf32>,
      %broadcast_in_dim3A_94 = arith.constant 0.000000e+00 : f32
      %broadcast_in_dim3A_95 = vector.broadcast %broadcast_in_dim3A_94 : f32 to vector<16xf32>
      %swap3A_96 = arith.index_cast %add3A_46 : i32 to index
      %swap3A_97 = arith.constant 112 : index
      %swap3A_98 = tpu.vector_load %arg8[%swap3A_96, %swap3A_97] {strides = array<i32>} : memref<128x128xf32, #tpu.memory_space<vmem>>, vector<1x16xf32>,
      %swap3A_99 = vector.shape_cast %swap3A_98 : vector<1x16xf32> to vector<16xf32>
      %swap3A_100 = vector.shape_cast %broadcast_in_dim3A_95 : vector<16xf32> to vector<1x16xf32>
      tpu.vector_store %arg8[%swap3A_96, %swap3A_97], %swap3A_100 {strides = array<i32>} : memref<128x128xf32, #tpu.memory_space<vmem>>, vector<1x16xf32>,
    }
    %scan3A_8 = arith.constant 128 : i32
    %mul3A_9 = arith.constant 640 : i32
    %mul3A_10 = arith.muli %arg1, %mul3A_9 : i32
    %add3A_11 = arith.constant 0 : i32
    %add3A_12 = arith.addi %mul3A_10, %add3A_11 : i32
    "tpu.region"() ({
      %run_scoped3A = tpu.sem_alloc : memref<!tpu.dma_semaphore, #tpu.memory_space<semaphore_mem>>
      %dma_start3A = arith.constant 0 : i32
      %dma_start3A_42 = tpu.memref_slice %arg10[%add3A_12, %dma_start3A] : memref<10240x128xf32, #tpu.memory_space<vmem_shared>> -> memref<128x128xf32, #tpu.memory_space<vmem_shared>>
      %dma_start3A_43 = arith.constant 0 : i32
      %dma_start3A_44 = tpu.memref_slice %arg10[%add3A_12, %dma_start3A_43] : memref<10240x128xf32, #tpu.memory_space<vmem_shared>> -> memref<128x128xf32, #tpu.memory_space<vmem_shared>>
      tpu.enqueue_dma source(%arg8 : memref<128x128xf32, #tpu.memory_space<vmem>>) target(%dma_start3A_44 : memref<128x128xf32, #tpu.memory_space<vmem_shared>>) target_semaphore(%run_scoped3A : memref<!tpu.dma_semaphore, #tpu.memory_space<semaphore_mem>>)
      %dma_wait3A = arith.constant 0 : i32
      %dma_wait3A_45 = tpu.memref_slice %arg10[%add3A_12, %dma_wait3A] : memref<10240x128xf32, #tpu.memory_space<vmem_shared>> -> memref<128x128xf32, #tpu.memory_space<vmem_shared>>
      %dma_wait3A_46 = arith.constant 0 : i32
      %dma_wait3A_47 = tpu.memref_slice %arg10[%add3A_12, %dma_wait3A_46] : memref<10240x128xf32, #tpu.memory_space<vmem_shared>> -> memref<128x128xf32, #tpu.memory_space<vmem_shared>>
      tpu.wait_dma2 semaphore(%run_scoped3A : memref<!tpu.dma_semaphore, #tpu.memory_space<semaphore_mem>>) src(%arg8 : memref<128x128xf32, #tpu.memory_space<vmem>>) dst(%dma_wait3A_47 : memref<128x128xf32, #tpu.memory_space<vmem_shared>>)
      tpu.yield
    }) : () -> ()
    %mul3A_13 = arith.constant 640 : i32
    %mul3A_14 = arith.muli %arg1, %mul3A_13 : i32
    %add3A_15 = arith.constant 128 : i32
    %add3A_16 = arith.addi %mul3A_14, %add3A_15 : i32
    "tpu.region"() ({
      %run_scoped3A = tpu.sem_alloc : memref<!tpu.dma_semaphore, #tpu.memory_space<semaphore_mem>>
      %dma_start3A = arith.constant 0 : i32
      %dma_start3A_42 = tpu.memref_slice %arg10[%add3A_16, %dma_start3A] : memref<10240x128xf32, #tpu.memory_space<vmem_shared>> -> memref<128x128xf32, #tpu.memory_space<vmem_shared>>
      %dma_start3A_43 = arith.constant 0 : i32
      %dma_start3A_44 = tpu.memref_slice %arg10[%add3A_16, %dma_start3A_43] : memref<10240x128xf32, #tpu.memory_space<vmem_shared>> -> memref<128x128xf32, #tpu.memory_space<vmem_shared>>
      tpu.enqueue_dma source(%arg8 : memref<128x128xf32, #tpu.memory_space<vmem>>) target(%dma_start3A_44 : memref<128x128xf32, #tpu.memory_space<vmem_shared>>) target_semaphore(%run_scoped3A : memref<!tpu.dma_semaphore, #tpu.memory_space<semaphore_mem>>)
      %dma_wait3A = arith.constant 0 : i32
      %dma_wait3A_45 = tpu.memref_slice %arg10[%add3A_16, %dma_wait3A] : memref<10240x128xf32, #tpu.memory_space<vmem_shared>> -> memref<128x128xf32, #tpu.memory_space<vmem_shared>>
      %dma_wait3A_46 = arith.constant 0 : i32
      %dma_wait3A_47 = tpu.memref_slice %arg10[%add3A_16, %dma_wait3A_46] : memref<10240x128xf32, #tpu.memory_space<vmem_shared>> -> memref<128x128xf32, #tpu.memory_space<vmem_shared>>
      tpu.wait_dma2 semaphore(%run_scoped3A : memref<!tpu.dma_semaphore, #tpu.memory_space<semaphore_mem>>) src(%arg8 : memref<128x128xf32, #tpu.memory_space<vmem>>) dst(%dma_wait3A_47 : memref<128x128xf32, #tpu.memory_space<vmem_shared>>)
      tpu.yield
    }) : () -> ()
    %mul3A_17 = arith.constant 640 : i32
    %mul3A_18 = arith.muli %arg1, %mul3A_17 : i32
    %add3A_19 = arith.constant 256 : i32
    %add3A_20 = arith.addi %mul3A_18, %add3A_19 : i32
    "tpu.region"() ({
      %run_scoped3A = tpu.sem_alloc : memref<!tpu.dma_semaphore, #tpu.memory_space<semaphore_mem>>
      %dma_start3A = arith.constant 0 : i32
      %dma_start3A_42 = tpu.memref_slice %arg10[%add3A_20, %dma_start3A] : memref<10240x128xf32, #tpu.memory_space<vmem_shared>> -> memref<128x128xf32, #tpu.memory_space<vmem_shared>>
      %dma_start3A_43 = arith.constant 0 : i32
      %dma_start3A_44 = tpu.memref_slice %arg10[%add3A_20, %dma_start3A_43] : memref<10240x128xf32, #tpu.memory_space<vmem_shared>> -> memref<128x128xf32, #tpu.memory_space<vmem_shared>>
      tpu.enqueue_dma source(%arg8 : memref<128x128xf32, #tpu.memory_space<vmem>>) target(%dma_start3A_44 : memref<128x128xf32, #tpu.memory_space<vmem_shared>>) target_semaphore(%run_scoped3A : memref<!tpu.dma_semaphore, #tpu.memory_space<semaphore_mem>>)
      %dma_wait3A = arith.constant 0 : i32
      %dma_wait3A_45 = tpu.memref_slice %arg10[%add3A_20, %dma_wait3A] : memref<10240x128xf32, #tpu.memory_space<vmem_shared>> -> memref<128x128xf32, #tpu.memory_space<vmem_shared>>
      %dma_wait3A_46 = arith.constant 0 : i32
      %dma_wait3A_47 = tpu.memref_slice %arg10[%add3A_20, %dma_wait3A_46] : memref<10240x128xf32, #tpu.memory_space<vmem_shared>> -> memref<128x128xf32, #tpu.memory_space<vmem_shared>>
      tpu.wait_dma2 semaphore(%run_scoped3A : memref<!tpu.dma_semaphore, #tpu.memory_space<semaphore_mem>>) src(%arg8 : memref<128x128xf32, #tpu.memory_space<vmem>>) dst(%dma_wait3A_47 : memref<128x128xf32, #tpu.memory_space<vmem_shared>>)
      tpu.yield
    }) : () -> ()
    %mul3A_21 = arith.constant 640 : i32
    %mul3A_22 = arith.muli %arg1, %mul3A_21 : i32
    %add3A_23 = arith.constant 384 : i32
    %add3A_24 = arith.addi %mul3A_22, %add3A_23 : i32
    "tpu.region"() ({
      %run_scoped3A = tpu.sem_alloc : memref<!tpu.dma_semaphore, #tpu.memory_space<semaphore_mem>>
      %dma_start3A = arith.constant 0 : i32
      %dma_start3A_42 = tpu.memref_slice %arg10[%add3A_24, %dma_start3A] : memref<10240x128xf32, #tpu.memory_space<vmem_shared>> -> memref<128x128xf32, #tpu.memory_space<vmem_shared>>
      %dma_start3A_43 = arith.constant 0 : i32
      %dma_start3A_44 = tpu.memref_slice %arg10[%add3A_24, %dma_start3A_43] : memref<10240x128xf32, #tpu.memory_space<vmem_shared>> -> memref<128x128xf32, #tpu.memory_space<vmem_shared>>
      tpu.enqueue_dma source(%arg8 : memref<128x128xf32, #tpu.memory_space<vmem>>) target(%dma_start3A_44 : memref<128x128xf32, #tpu.memory_space<vmem_shared>>) target_semaphore(%run_scoped3A : memref<!tpu.dma_semaphore, #tpu.memory_space<semaphore_mem>>)
      %dma_wait3A = arith.constant 0 : i32
      %dma_wait3A_45 = tpu.memref_slice %arg10[%add3A_24, %dma_wait3A] : memref<10240x128xf32, #tpu.memory_space<vmem_shared>> -> memref<128x128xf32, #tpu.memory_space<vmem_shared>>
      %dma_wait3A_46 = arith.constant 0 : i32
      %dma_wait3A_47 = tpu.memref_slice %arg10[%add3A_24, %dma_wait3A_46] : memref<10240x128xf32, #tpu.memory_space<vmem_shared>> -> memref<128x128xf32, #tpu.memory_space<vmem_shared>>
      tpu.wait_dma2 semaphore(%run_scoped3A : memref<!tpu.dma_semaphore, #tpu.memory_space<semaphore_mem>>) src(%arg8 : memref<128x128xf32, #tpu.memory_space<vmem>>) dst(%dma_wait3A_47 : memref<128x128xf32, #tpu.memory_space<vmem_shared>>)
      tpu.yield
    }) : () -> ()
    %mul3A_25 = arith.constant 640 : i32
    %mul3A_26 = arith.muli %arg1, %mul3A_25 : i32
    %add3A_27 = arith.constant 512 : i32
    %add3A_28 = arith.addi %mul3A_26, %add3A_27 : i32
    "tpu.region"() ({
      %run_scoped3A = tpu.sem_alloc : memref<!tpu.dma_semaphore, #tpu.memory_space<semaphore_mem>>
      %dma_start3A = arith.constant 0 : i32
      %dma_start3A_42 = tpu.memref_slice %arg10[%add3A_28, %dma_start3A] : memref<10240x128xf32, #tpu.memory_space<vmem_shared>> -> memref<128x128xf32, #tpu.memory_space<vmem_shared>>
      %dma_start3A_43 = arith.constant 0 : i32
      %dma_start3A_44 = tpu.memref_slice %arg10[%add3A_28, %dma_start3A_43] : memref<10240x128xf32, #tpu.memory_space<vmem_shared>> -> memref<128x128xf32, #tpu.memory_space<vmem_shared>>
      tpu.enqueue_dma source(%arg8 : memref<128x128xf32, #tpu.memory_space<vmem>>) target(%dma_start3A_44 : memref<128x128xf32, #tpu.memory_space<vmem_shared>>) target_semaphore(%run_scoped3A : memref<!tpu.dma_semaphore, #tpu.memory_space<semaphore_mem>>)
      %dma_wait3A = arith.constant 0 : i32
      %dma_wait3A_45 = tpu.memref_slice %arg10[%add3A_28, %dma_wait3A] : memref<10240x128xf32, #tpu.memory_space<vmem_shared>> -> memref<128x128xf32, #tpu.memory_space<vmem_shared>>
      %dma_wait3A_46 = arith.constant 0 : i32
      %dma_wait3A_47 = tpu.memref_slice %arg10[%add3A_28, %dma_wait3A_46] : memref<10240x128xf32, #tpu.memory_space<vmem_shared>> -> memref<128x128xf32, #tpu.memory_space<vmem_shared>>
      tpu.wait_dma2 semaphore(%run_scoped3A : memref<!tpu.dma_semaphore, #tpu.memory_space<semaphore_mem>>) src(%arg8 : memref<128x128xf32, #tpu.memory_space<vmem>>) dst(%dma_wait3A_47 : memref<128x128xf32, #tpu.memory_space<vmem_shared>>)
      tpu.yield
    }) : () -> ()
    "tpu.region"() ({
      %run_scoped3A = tpu.sem_alloc : memref<!tpu.dma_semaphore, #tpu.memory_space<semaphore_mem>>
      %dma_start3A = arith.constant 0 : i32
      %dma_start3A_42 = tpu.memref_slice %arg3[%select_n3A, %dma_start3A] : memref<1344x128xi32, #tpu.memory_space<hbm>> -> memref<64x128xi32, #tpu.memory_space<hbm>>
      %dma_start3A_43 = arith.constant 0 : i32
      %dma_start3A_44 = tpu.memref_slice %arg3[%select_n3A, %dma_start3A_43] : memref<1344x128xi32, #tpu.memory_space<hbm>> -> memref<64x128xi32, #tpu.memory_space<hbm>>
      tpu.enqueue_dma source(%dma_start3A_44 : memref<64x128xi32, #tpu.memory_space<hbm>>) target(%arg6 : memref<64x128xi32, #tpu.memory_space<vmem>>) target_semaphore(%run_scoped3A : memref<!tpu.dma_semaphore, #tpu.memory_space<semaphore_mem>>)
      %dma_wait3A = arith.constant 0 : i32
      %dma_wait3A_45 = tpu.memref_slice %arg3[%select_n3A, %dma_wait3A] : memref<1344x128xi32, #tpu.memory_space<hbm>> -> memref<64x128xi32, #tpu.memory_space<hbm>>
      %dma_wait3A_46 = arith.constant 0 : i32
      %dma_wait3A_47 = tpu.memref_slice %arg3[%select_n3A, %dma_wait3A_46] : memref<1344x128xi32, #tpu.memory_space<hbm>> -> memref<64x128xi32, #tpu.memory_space<hbm>>
      tpu.wait_dma2 semaphore(%run_scoped3A : memref<!tpu.dma_semaphore, #tpu.memory_space<semaphore_mem>>) src(%dma_wait3A_47 : memref<64x128xi32, #tpu.memory_space<hbm>>) dst(%arg6 : memref<64x128xi32, #tpu.memory_space<vmem>>)
      tpu.yield
    }) : () -> ()
    "tpu.region"() ({
      %run_scoped3A = tpu.sem_alloc : memref<!tpu.dma_semaphore, #tpu.memory_space<semaphore_mem>>
      %dma_start3A = arith.constant 0 : i32
      %dma_start3A_42 = tpu.memref_slice %arg4[%select_n3A, %dma_start3A] : memref<1344x128xi32, #tpu.memory_space<hbm>> -> memref<64x128xi32, #tpu.memory_space<hbm>>
      %dma_start3A_43 = arith.constant 0 : i32
      %dma_start3A_44 = tpu.memref_slice %arg4[%select_n3A, %dma_start3A_43] : memref<1344x128xi32, #tpu.memory_space<hbm>> -> memref<64x128xi32, #tpu.memory_space<hbm>>
      tpu.enqueue_dma source(%dma_start3A_44 : memref<64x128xi32, #tpu.memory_space<hbm>>) target(%arg7 : memref<64x128xi32, #tpu.memory_space<vmem>>) target_semaphore(%run_scoped3A : memref<!tpu.dma_semaphore, #tpu.memory_space<semaphore_mem>>)
      %dma_wait3A = arith.constant 0 : i32
      %dma_wait3A_45 = tpu.memref_slice %arg4[%select_n3A, %dma_wait3A] : memref<1344x128xi32, #tpu.memory_space<hbm>> -> memref<64x128xi32, #tpu.memory_space<hbm>>
      %dma_wait3A_46 = arith.constant 0 : i32
      %dma_wait3A_47 = tpu.memref_slice %arg4[%select_n3A, %dma_wait3A_46] : memref<1344x128xi32, #tpu.memory_space<hbm>> -> memref<64x128xi32, #tpu.memory_space<hbm>>
      tpu.wait_dma2 semaphore(%run_scoped3A : memref<!tpu.dma_semaphore, #tpu.memory_space<semaphore_mem>>) src(%dma_wait3A_47 : memref<64x128xi32, #tpu.memory_space<hbm>>) dst(%arg7 : memref<64x128xi32, #tpu.memory_space<vmem>>)
      tpu.yield
    }) : () -> ()
    %barrier3A = arith.constant 0 : index
    tpu.barrier barrier_id(%barrier3A)
    %eq3A_29 = arith.constant 0 : i32
    %eq3A_30 = arith.cmpi eq, %arg0, %eq3A_29 : i32
    %convert_element_type3A = arith.extui %eq3A_30 : i1 to i32
    %cond3A = arith.constant 0 : i32
    %cond3A_31 = arith.cmpi ne, %convert_element_type3A, %cond3A : i32
    scf.if %cond3A_31 {
      %dma_start3A = arith.constant 0 : i32
      %dma_start3A_42 = arith.constant 0 : i32
      %dma_start3A_43 = tpu.memref_slice %arg6[%dma_start3A, %dma_start3A_42] : memref<64x128xi32, #tpu.memory_space<vmem>> -> memref<1x128xi32, #tpu.memory_space<vmem>>
      %dma_start3A_44 = tpu.memref_squeeze %dma_start3A_43 : memref<1x128xi32, #tpu.memory_space<vmem>> -> memref<128xi32, #tpu.memory_space<vmem>>
      %dma_start3A_45 = arith.constant 0 : i32
      %dma_start3A_46 = arith.constant 0 : i32
      %dma_start3A_47 = tpu.memref_slice %arg2[%dma_start3A_45, %dma_start3A_46] : memref<10240x128xf32, #tpu.memory_space<hbm>> -> memref<10240x128xf32, #tpu.memory_space<hbm>>
      tpu.enqueue_indirect_dma source(%dma_start3A_47 : memref<10240x128xf32, #tpu.memory_space<hbm>>) target(%arg8 : memref<128x128xf32, #tpu.memory_space<vmem>>) offsets(%dma_start3A_44 : memref<128xi32, #tpu.memory_space<vmem>>) semaphore(%arg11 : memref<!tpu.dma_semaphore, #tpu.memory_space<semaphore_mem>>)
      %dma_start3A_48 = arith.constant 1 : i32
      %dma_start3A_49 = arith.constant 0 : i32
      %dma_start3A_50 = tpu.memref_slice %arg6[%dma_start3A_48, %dma_start3A_49] : memref<64x128xi32, #tpu.memory_space<vmem>> -> memref<1x128xi32, #tpu.memory_space<vmem>>
      %dma_start3A_51 = tpu.memref_squeeze %dma_start3A_50 : memref<1x128xi32, #tpu.memory_space<vmem>> -> memref<128xi32, #tpu.memory_space<vmem>>
      %dma_start3A_52 = arith.constant 0 : i32
      %dma_start3A_53 = arith.constant 0 : i32
      %dma_start3A_54 = tpu.memref_slice %arg2[%dma_start3A_52, %dma_start3A_53] : memref<10240x128xf32, #tpu.memory_space<hbm>> -> memref<10240x128xf32, #tpu.memory_space<hbm>>
      tpu.enqueue_indirect_dma source(%dma_start3A_54 : memref<10240x128xf32, #tpu.memory_space<hbm>>) target(%arg9 : memref<128x128xf32, #tpu.memory_space<vmem>>) offsets(%dma_start3A_51 : memref<128xi32, #tpu.memory_space<vmem>>) semaphore(%arg12 : memref<!tpu.dma_semaphore, #tpu.memory_space<semaphore_mem>>)
      %scan3A_55 = arith.constant 0 : i32
      %scan3A_56 = arith.constant 31 : i32
      %scan3A_57 = arith.addi %scan3A_55, %scan3A_56 : i32
      %scan3A_58 = arith.constant 1 : i32
      scf.for %scan3A_101 = %scan3A_55 to %scan3A_57 step %scan3A_58  : i32 {
        %mul3A_102 = arith.constant 2 : i32
        %mul3A_103 = arith.muli %scan3A_101, %mul3A_102 : i32
        %add3A_104 = arith.constant 0 : i32
        %add3A_105 = arith.addi %add3A_104, %mul3A_103 : i32
        %dma_wait3A_106 = arith.constant 0 : i32
        %dma_wait3A_107 = tpu.memref_slice %arg6[%add3A_105, %dma_wait3A_106] : memref<64x128xi32, #tpu.memory_space<vmem>> -> memref<1x128xi32, #tpu.memory_space<vmem>>
        %dma_wait3A_108 = tpu.memref_squeeze %dma_wait3A_107 : memref<1x128xi32, #tpu.memory_space<vmem>> -> memref<128xi32, #tpu.memory_space<vmem>>
        %dma_wait3A_109 = arith.constant 0 : i32
        %dma_wait3A_110 = arith.constant 0 : i32
        %dma_wait3A_111 = tpu.memref_slice %arg2[%dma_wait3A_109, %dma_wait3A_110] : memref<10240x128xf32, #tpu.memory_space<hbm>> -> memref<10240x128xf32, #tpu.memory_space<hbm>>
        tpu.wait_indirect_dma semaphore(%arg11 : memref<!tpu.dma_semaphore, #tpu.memory_space<semaphore_mem>>) src(%dma_wait3A_111 : memref<10240x128xf32, #tpu.memory_space<hbm>>) dst(%arg8 : memref<128x128xf32, #tpu.memory_space<vmem>>)
        %dma_start3A_112 = arith.constant 0 : i32
        %dma_start3A_113 = tpu.memref_slice %arg7[%add3A_105, %dma_start3A_112] : memref<64x128xi32, #tpu.memory_space<vmem>> -> memref<1x128xi32, #tpu.memory_space<vmem>>
        %dma_start3A_114 = tpu.memref_squeeze %dma_start3A_113 : memref<1x128xi32, #tpu.memory_space<vmem>> -> memref<128xi32, #tpu.memory_space<vmem>>
        %dma_start3A_115 = arith.constant 0 : i32
        %dma_start3A_116 = arith.constant 0 : i32
        %dma_start3A_117 = tpu.memref_slice %arg10[%dma_start3A_115, %dma_start3A_116] : memref<10240x128xf32, #tpu.memory_space<vmem_shared>> -> memref<10240x128xf32, #tpu.memory_space<vmem_shared>>
        tpu.enqueue_indirect_dma source(%arg8 : memref<128x128xf32, #tpu.memory_space<vmem>>) target(%dma_start3A_117 : memref<10240x128xf32, #tpu.memory_space<vmem_shared>>) offsets(%dma_start3A_114 : memref<128xi32, #tpu.memory_space<vmem>>) semaphore(%arg13 : memref<!tpu.dma_semaphore, #tpu.memory_space<semaphore_mem>>) {add = true}
        %add3A_118 = arith.constant 1 : i32
        %add3A_119 = arith.addi %add3A_105, %add3A_118 : i32
        %dma_wait3A_120 = arith.constant 0 : i32
        %dma_wait3A_121 = tpu.memref_slice %arg6[%add3A_119, %dma_wait3A_120] : memref<64x128xi32, #tpu.memory_space<vmem>> -> memref<1x128xi32, #tpu.memory_space<vmem>>
        %dma_wait3A_122 = tpu.memref_squeeze %dma_wait3A_121 : memref<1x128xi32, #tpu.memory_space<vmem>> -> memref<128xi32, #tpu.memory_space<vmem>>
        %dma_wait3A_123 = arith.constant 0 : i32
        %dma_wait3A_124 = arith.constant 0 : i32
        %dma_wait3A_125 = tpu.memref_slice %arg2[%dma_wait3A_123, %dma_wait3A_124] : memref<10240x128xf32, #tpu.memory_space<hbm>> -> memref<10240x128xf32, #tpu.memory_space<hbm>>
        tpu.wait_indirect_dma semaphore(%arg12 : memref<!tpu.dma_semaphore, #tpu.memory_space<semaphore_mem>>) src(%dma_wait3A_125 : memref<10240x128xf32, #tpu.memory_space<hbm>>) dst(%arg9 : memref<128x128xf32, #tpu.memory_space<vmem>>)
        %add3A_126 = arith.constant 1 : i32
        %add3A_127 = arith.addi %add3A_105, %add3A_126 : i32
        %dma_start3A_128 = arith.constant 0 : i32
        %dma_start3A_129 = tpu.memref_slice %arg7[%add3A_127, %dma_start3A_128] : memref<64x128xi32, #tpu.memory_space<vmem>> -> memref<1x128xi32, #tpu.memory_space<vmem>>
        %dma_start3A_130 = tpu.memref_squeeze %dma_start3A_129 : memref<1x128xi32, #tpu.memory_space<vmem>> -> memref<128xi32, #tpu.memory_space<vmem>>
        %dma_start3A_131 = arith.constant 0 : i32
        %dma_start3A_132 = arith.constant 0 : i32
        %dma_start3A_133 = tpu.memref_slice %arg10[%dma_start3A_131, %dma_start3A_132] : memref<10240x128xf32, #tpu.memory_space<vmem_shared>> -> memref<10240x128xf32, #tpu.memory_space<vmem_shared>>
        tpu.enqueue_indirect_dma source(%arg9 : memref<128x128xf32, #tpu.memory_space<vmem>>) target(%dma_start3A_133 : memref<10240x128xf32, #tpu.memory_space<vmem_shared>>) offsets(%dma_start3A_130 : memref<128xi32, #tpu.memory_space<vmem>>) semaphore(%arg14 : memref<!tpu.dma_semaphore, #tpu.memory_space<semaphore_mem>>) {add = true}
        %dma_wait3A_134 = arith.constant 0 : i32
        %dma_wait3A_135 = tpu.memref_slice %arg7[%add3A_105, %dma_wait3A_134] : memref<64x128xi32, #tpu.memory_space<vmem>> -> memref<1x128xi32, #tpu.memory_space<vmem>>
        %dma_wait3A_136 = tpu.memref_squeeze %dma_wait3A_135 : memref<1x128xi32, #tpu.memory_space<vmem>> -> memref<128xi32, #tpu.memory_space<vmem>>
        %dma_wait3A_137 = arith.constant 0 : i32
        %dma_wait3A_138 = arith.constant 0 : i32
        %dma_wait3A_139 = tpu.memref_slice %arg10[%dma_wait3A_137, %dma_wait3A_138] : memref<10240x128xf32, #tpu.memory_space<vmem_shared>> -> memref<10240x128xf32, #tpu.memory_space<vmem_shared>>
        tpu.wait_indirect_dma semaphore(%arg13 : memref<!tpu.dma_semaphore, #tpu.memory_space<semaphore_mem>>) src(%arg8 : memref<128x128xf32, #tpu.memory_space<vmem>>) dst(%dma_wait3A_139 : memref<10240x128xf32, #tpu.memory_space<vmem_shared>>)
        %add3A_140 = arith.constant 2 : i32
        %add3A_141 = arith.addi %add3A_105, %add3A_140 : i32
        %dma_start3A_142 = arith.constant 0 : i32
        %dma_start3A_143 = tpu.memref_slice %arg6[%add3A_141, %dma_start3A_142] : memref<64x128xi32, #tpu.memory_space<vmem>> -> memref<1x128xi32, #tpu.memory_space<vmem>>
        %dma_start3A_144 = tpu.memref_squeeze %dma_start3A_143 : memref<1x128xi32, #tpu.memory_space<vmem>> -> memref<128xi32, #tpu.memory_space<vmem>>
        %dma_start3A_145 = arith.constant 0 : i32
        %dma_start3A_146 = arith.constant 0 : i32
        %dma_start3A_147 = tpu.memref_slice %arg2[%dma_start3A_145, %dma_start3A_146] : memref<10240x128xf32, #tpu.memory_space<hbm>> -> memref<10240x128xf32, #tpu.memory_space<hbm>>
        tpu.enqueue_indirect_dma source(%dma_start3A_147 : memref<10240x128xf32, #tpu.memory_space<hbm>>) target(%arg8 : memref<128x128xf32, #tpu.memory_space<vmem>>) offsets(%dma_start3A_144 : memref<128xi32, #tpu.memory_space<vmem>>) semaphore(%arg11 : memref<!tpu.dma_semaphore, #tpu.memory_space<semaphore_mem>>)
        %add3A_148 = arith.constant 1 : i32
        %add3A_149 = arith.addi %add3A_105, %add3A_148 : i32
        %dma_wait3A_150 = arith.constant 0 : i32
        %dma_wait3A_151 = tpu.memref_slice %arg7[%add3A_149, %dma_wait3A_150] : memref<64x128xi32, #tpu.memory_space<vmem>> -> memref<1x128xi32, #tpu.memory_space<vmem>>
        %dma_wait3A_152 = tpu.memref_squeeze %dma_wait3A_151 : memref<1x128xi32, #tpu.memory_space<vmem>> -> memref<128xi32, #tpu.memory_space<vmem>>
        %dma_wait3A_153 = arith.constant 0 : i32
        %dma_wait3A_154 = arith.constant 0 : i32
        %dma_wait3A_155 = tpu.memref_slice %arg10[%dma_wait3A_153, %dma_wait3A_154] : memref<10240x128xf32, #tpu.memory_space<vmem_shared>> -> memref<10240x128xf32, #tpu.memory_space<vmem_shared>>
        tpu.wait_indirect_dma semaphore(%arg14 : memref<!tpu.dma_semaphore, #tpu.memory_space<semaphore_mem>>) src(%arg9 : memref<128x128xf32, #tpu.memory_space<vmem>>) dst(%dma_wait3A_155 : memref<10240x128xf32, #tpu.memory_space<vmem_shared>>)
        %add3A_156 = arith.constant 3 : i32
        %add3A_157 = arith.addi %add3A_105, %add3A_156 : i32
        %dma_start3A_158 = arith.constant 0 : i32
        %dma_start3A_159 = tpu.memref_slice %arg6[%add3A_157, %dma_start3A_158] : memref<64x128xi32, #tpu.memory_space<vmem>> -> memref<1x128xi32, #tpu.memory_space<vmem>>
        %dma_start3A_160 = tpu.memref_squeeze %dma_start3A_159 : memref<1x128xi32, #tpu.memory_space<vmem>> -> memref<128xi32, #tpu.memory_space<vmem>>
        %dma_start3A_161 = arith.constant 0 : i32
        %dma_start3A_162 = arith.constant 0 : i32
        %dma_start3A_163 = tpu.memref_slice %arg2[%dma_start3A_161, %dma_start3A_162] : memref<10240x128xf32, #tpu.memory_space<hbm>> -> memref<10240x128xf32, #tpu.memory_space<hbm>>
        tpu.enqueue_indirect_dma source(%dma_start3A_163 : memref<10240x128xf32, #tpu.memory_space<hbm>>) target(%arg9 : memref<128x128xf32, #tpu.memory_space<vmem>>) offsets(%dma_start3A_160 : memref<128xi32, #tpu.memory_space<vmem>>) semaphore(%arg12 : memref<!tpu.dma_semaphore, #tpu.memory_space<semaphore_mem>>)
      }
      %scan3A_59 = arith.constant 31 : i32
      %dma_wait3A = arith.constant 62 : i32
      %dma_wait3A_60 = arith.constant 0 : i32
      %dma_wait3A_61 = tpu.memref_slice %arg6[%dma_wait3A, %dma_wait3A_60] : memref<64x128xi32, #tpu.memory_space<vmem>> -> memref<1x128xi32, #tpu.memory_space<vmem>>
      %dma_wait3A_62 = tpu.memref_squeeze %dma_wait3A_61 : memref<1x128xi32, #tpu.memory_space<vmem>> -> memref<128xi32, #tpu.memory_space<vmem>>
      %dma_wait3A_63 = arith.constant 0 : i32
      %dma_wait3A_64 = arith.constant 0 : i32
      %dma_wait3A_65 = tpu.memref_slice %arg2[%dma_wait3A_63, %dma_wait3A_64] : memref<10240x128xf32, #tpu.memory_space<hbm>> -> memref<10240x128xf32, #tpu.memory_space<hbm>>
      tpu.wait_indirect_dma semaphore(%arg11 : memref<!tpu.dma_semaphore, #tpu.memory_space<semaphore_mem>>) src(%dma_wait3A_65 : memref<10240x128xf32, #tpu.memory_space<hbm>>) dst(%arg8 : memref<128x128xf32, #tpu.memory_space<vmem>>)
      %dma_start3A_66 = arith.constant 62 : i32
      %dma_start3A_67 = arith.constant 0 : i32
      %dma_start3A_68 = tpu.memref_slice %arg7[%dma_start3A_66, %dma_start3A_67] : memref<64x128xi32, #tpu.memory_space<vmem>> -> memref<1x128xi32, #tpu.memory_space<vmem>>
      %dma_start3A_69 = tpu.memref_squeeze %dma_start3A_68 : memref<1x128xi32, #tpu.memory_space<vmem>> -> memref<128xi32, #tpu.memory_space<vmem>>
      %dma_start3A_70 = arith.constant 0 : i32
      %dma_start3A_71 = arith.constant 0 : i32
      %dma_start3A_72 = tpu.memref_slice %arg10[%dma_start3A_70, %dma_start3A_71] : memref<10240x128xf32, #tpu.memory_space<vmem_shared>> -> memref<10240x128xf32, #tpu.memory_space<vmem_shared>>
      tpu.enqueue_indirect_dma source(%arg8 : memref<128x128xf32, #tpu.memory_space<vmem>>) target(%dma_start3A_72 : memref<10240x128xf32, #tpu.memory_space<vmem_shared>>) offsets(%dma_start3A_69 : memref<128xi32, #tpu.memory_space<vmem>>) semaphore(%arg13 : memref<!tpu.dma_semaphore, #tpu.memory_space<semaphore_mem>>) {add = true}
      %dma_wait3A_73 = arith.constant 63 : i32
      %dma_wait3A_74 = arith.constant 0 : i32
      %dma_wait3A_75 = tpu.memref_slice %arg6[%dma_wait3A_73, %dma_wait3A_74] : memref<64x128xi32, #tpu.memory_space<vmem>> -> memref<1x128xi32, #tpu.memory_space<vmem>>
      %dma_wait3A_76 = tpu.memref_squeeze %dma_wait3A_75 : memref<1x128xi32, #tpu.memory_space<vmem>> -> memref<128xi32, #tpu.memory_space<vmem>>
      %dma_wait3A_77 = arith.constant 0 : i32
      %dma_wait3A_78 = arith.constant 0 : i32
      %dma_wait3A_79 = tpu.memref_slice %arg2[%dma_wait3A_77, %dma_wait3A_78] : memref<10240x128xf32, #tpu.memory_space<hbm>> -> memref<10240x128xf32, #tpu.memory_space<hbm>>
      tpu.wait_indirect_dma semaphore(%arg12 : memref<!tpu.dma_semaphore, #tpu.memory_space<semaphore_mem>>) src(%dma_wait3A_79 : memref<10240x128xf32, #tpu.memory_space<hbm>>) dst(%arg9 : memref<128x128xf32, #tpu.memory_space<vmem>>)
      %dma_start3A_80 = arith.constant 63 : i32
      %dma_start3A_81 = arith.constant 0 : i32
      %dma_start3A_82 = tpu.memref_slice %arg7[%dma_start3A_80, %dma_start3A_81] : memref<64x128xi32, #tpu.memory_space<vmem>> -> memref<1x128xi32, #tpu.memory_space<vmem>>
      %dma_start3A_83 = tpu.memref_squeeze %dma_start3A_82 : memref<1x128xi32, #tpu.memory_space<vmem>> -> memref<128xi32, #tpu.memory_space<vmem>>
      %dma_start3A_84 = arith.constant 0 : i32
      %dma_start3A_85 = arith.constant 0 : i32
      %dma_start3A_86 = tpu.memref_slice %arg10[%dma_start3A_84, %dma_start3A_85] : memref<10240x128xf32, #tpu.memory_space<vmem_shared>> -> memref<10240x128xf32, #tpu.memory_space<vmem_shared>>
      tpu.enqueue_indirect_dma source(%arg9 : memref<128x128xf32, #tpu.memory_space<vmem>>) target(%dma_start3A_86 : memref<10240x128xf32, #tpu.memory_space<vmem_shared>>) offsets(%dma_start3A_83 : memref<128xi32, #tpu.memory_space<vmem>>) semaphore(%arg14 : memref<!tpu.dma_semaphore, #tpu.memory_space<semaphore_mem>>) {add = true}
      %dma_wait3A_87 = arith.constant 62 : i32
      %dma_wait3A_88 = arith.constant 0 : i32
      %dma_wait3A_89 = tpu.memref_slice %arg7[%dma_wait3A_87, %dma_wait3A_88] : memref<64x128xi32, #tpu.memory_space<vmem>> -> memref<1x128xi32, #tpu.memory_space<vmem>>
      %dma_wait3A_90 = tpu.memref_squeeze %dma_wait3A_89 : memref<1x128xi32, #tpu.memory_space<vmem>> -> memref<128xi32, #tpu.memory_space<vmem>>
      %dma_wait3A_91 = arith.constant 0 : i32
      %dma_wait3A_92 = arith.constant 0 : i32
      %dma_wait3A_93 = tpu.memref_slice %arg10[%dma_wait3A_91, %dma_wait3A_92] : memref<10240x128xf32, #tpu.memory_space<vmem_shared>> -> memref<10240x128xf32, #tpu.memory_space<vmem_shared>>
      tpu.wait_indirect_dma semaphore(%arg13 : memref<!tpu.dma_semaphore, #tpu.memory_space<semaphore_mem>>) src(%arg8 : memref<128x128xf32, #tpu.memory_space<vmem>>) dst(%dma_wait3A_93 : memref<10240x128xf32, #tpu.memory_space<vmem_shared>>)
      %dma_wait3A_94 = arith.constant 63 : i32
      %dma_wait3A_95 = arith.constant 0 : i32
      %dma_wait3A_96 = tpu.memref_slice %arg7[%dma_wait3A_94, %dma_wait3A_95] : memref<64x128xi32, #tpu.memory_space<vmem>> -> memref<1x128xi32, #tpu.memory_space<vmem>>
      %dma_wait3A_97 = tpu.memref_squeeze %dma_wait3A_96 : memref<1x128xi32, #tpu.memory_space<vmem>> -> memref<128xi32, #tpu.memory_space<vmem>>
      %dma_wait3A_98 = arith.constant 0 : i32
      %dma_wait3A_99 = arith.constant 0 : i32
      %dma_wait3A_100 = tpu.memref_slice %arg10[%dma_wait3A_98, %dma_wait3A_99] : memref<10240x128xf32, #tpu.memory_space<vmem_shared>> -> memref<10240x128xf32, #tpu.memory_space<vmem_shared>>
      tpu.wait_indirect_dma semaphore(%arg14 : memref<!tpu.dma_semaphore, #tpu.memory_space<semaphore_mem>>) src(%arg9 : memref<128x128xf32, #tpu.memory_space<vmem>>) dst(%dma_wait3A_100 : memref<10240x128xf32, #tpu.memory_space<vmem_shared>>)
    } else {
    }
    %eq3A_32 = arith.constant 1 : i32
    %eq3A_33 = arith.cmpi eq, %arg0, %eq3A_32 : i32
    %convert_element_type3A_34 = arith.extui %eq3A_33 : i1 to i32
    %cond3A_35 = arith.constant 0 : i32
    %cond3A_36 = arith.cmpi ne, %convert_element_type3A_34, %cond3A_35 : i32
    scf.if %cond3A_36 {
      %dma_start3A = arith.constant 0 : i32
      %dma_start3A_42 = arith.constant 0 : i32
      %dma_start3A_43 = tpu.memref_slice %arg6[%dma_start3A, %dma_start3A_42] : memref<64x128xi32, #tpu.memory_space<vmem>> -> memref<1x128xi32, #tpu.memory_space<vmem>>
      %dma_start3A_44 = tpu.memref_squeeze %dma_start3A_43 : memref<1x128xi32, #tpu.memory_space<vmem>> -> memref<128xi32, #tpu.memory_space<vmem>>
      %dma_start3A_45 = arith.constant 0 : i32
      %dma_start3A_46 = arith.constant 0 : i32
      %dma_start3A_47 = tpu.memref_slice %arg2[%dma_start3A_45, %dma_start3A_46] : memref<10240x128xf32, #tpu.memory_space<hbm>> -> memref<10240x128xf32, #tpu.memory_space<hbm>>
      tpu.enqueue_indirect_dma source(%dma_start3A_47 : memref<10240x128xf32, #tpu.memory_space<hbm>>) target(%arg8 : memref<128x128xf32, #tpu.memory_space<vmem>>) offsets(%dma_start3A_44 : memref<128xi32, #tpu.memory_space<vmem>>) semaphore(%arg11 : memref<!tpu.dma_semaphore, #tpu.memory_space<semaphore_mem>>)
      %dma_start3A_48 = arith.constant 1 : i32
      %dma_start3A_49 = arith.constant 0 : i32
      %dma_start3A_50 = tpu.memref_slice %arg6[%dma_start3A_48, %dma_start3A_49] : memref<64x128xi32, #tpu.memory_space<vmem>> -> memref<1x128xi32, #tpu.memory_space<vmem>>
      %dma_start3A_51 = tpu.memref_squeeze %dma_start3A_50 : memref<1x128xi32, #tpu.memory_space<vmem>> -> memref<128xi32, #tpu.memory_space<vmem>>
      %dma_start3A_52 = arith.constant 0 : i32
      %dma_start3A_53 = arith.constant 0 : i32
      %dma_start3A_54 = tpu.memref_slice %arg2[%dma_start3A_52, %dma_start3A_53] : memref<10240x128xf32, #tpu.memory_space<hbm>> -> memref<10240x128xf32, #tpu.memory_space<hbm>>
      tpu.enqueue_indirect_dma source(%dma_start3A_54 : memref<10240x128xf32, #tpu.memory_space<hbm>>) target(%arg9 : memref<128x128xf32, #tpu.memory_space<vmem>>) offsets(%dma_start3A_51 : memref<128xi32, #tpu.memory_space<vmem>>) semaphore(%arg12 : memref<!tpu.dma_semaphore, #tpu.memory_space<semaphore_mem>>)
      %scan3A_55 = arith.constant 0 : i32
      %scan3A_56 = arith.constant 7 : i32
      %scan3A_57 = arith.addi %scan3A_55, %scan3A_56 : i32
      %scan3A_58 = arith.constant 1 : i32
      scf.for %scan3A_101 = %scan3A_55 to %scan3A_57 step %scan3A_58  : i32 {
        %mul3A_102 = arith.constant 2 : i32
        %mul3A_103 = arith.muli %scan3A_101, %mul3A_102 : i32
        %add3A_104 = arith.constant 0 : i32
        %add3A_105 = arith.addi %add3A_104, %mul3A_103 : i32
        %dma_wait3A_106 = arith.constant 0 : i32
        %dma_wait3A_107 = tpu.memref_slice %arg6[%add3A_105, %dma_wait3A_106] : memref<64x128xi32, #tpu.memory_space<vmem>> -> memref<1x128xi32, #tpu.memory_space<vmem>>
        %dma_wait3A_108 = tpu.memref_squeeze %dma_wait3A_107 : memref<1x128xi32, #tpu.memory_space<vmem>> -> memref<128xi32, #tpu.memory_space<vmem>>
        %dma_wait3A_109 = arith.constant 0 : i32
        %dma_wait3A_110 = arith.constant 0 : i32
        %dma_wait3A_111 = tpu.memref_slice %arg2[%dma_wait3A_109, %dma_wait3A_110] : memref<10240x128xf32, #tpu.memory_space<hbm>> -> memref<10240x128xf32, #tpu.memory_space<hbm>>
        tpu.wait_indirect_dma semaphore(%arg11 : memref<!tpu.dma_semaphore, #tpu.memory_space<semaphore_mem>>) src(%dma_wait3A_111 : memref<10240x128xf32, #tpu.memory_space<hbm>>) dst(%arg8 : memref<128x128xf32, #tpu.memory_space<vmem>>)
        %dma_start3A_112 = arith.constant 0 : i32
        %dma_start3A_113 = tpu.memref_slice %arg7[%add3A_105, %dma_start3A_112] : memref<64x128xi32, #tpu.memory_space<vmem>> -> memref<1x128xi32, #tpu.memory_space<vmem>>
        %dma_start3A_114 = tpu.memref_squeeze %dma_start3A_113 : memref<1x128xi32, #tpu.memory_space<vmem>> -> memref<128xi32, #tpu.memory_space<vmem>>
        %dma_start3A_115 = arith.constant 0 : i32
        %dma_start3A_116 = arith.constant 0 : i32
        %dma_start3A_117 = tpu.memref_slice %arg10[%dma_start3A_115, %dma_start3A_116] : memref<10240x128xf32, #tpu.memory_space<vmem_shared>> -> memref<10240x128xf32, #tpu.memory_space<vmem_shared>>
        tpu.enqueue_indirect_dma source(%arg8 : memref<128x128xf32, #tpu.memory_space<vmem>>) target(%dma_start3A_117 : memref<10240x128xf32, #tpu.memory_space<vmem_shared>>) offsets(%dma_start3A_114 : memref<128xi32, #tpu.memory_space<vmem>>) semaphore(%arg13 : memref<!tpu.dma_semaphore, #tpu.memory_space<semaphore_mem>>) {add = true}
        %add3A_118 = arith.constant 1 : i32
        %add3A_119 = arith.addi %add3A_105, %add3A_118 : i32
        %dma_wait3A_120 = arith.constant 0 : i32
        %dma_wait3A_121 = tpu.memref_slice %arg6[%add3A_119, %dma_wait3A_120] : memref<64x128xi32, #tpu.memory_space<vmem>> -> memref<1x128xi32, #tpu.memory_space<vmem>>
        %dma_wait3A_122 = tpu.memref_squeeze %dma_wait3A_121 : memref<1x128xi32, #tpu.memory_space<vmem>> -> memref<128xi32, #tpu.memory_space<vmem>>
        %dma_wait3A_123 = arith.constant 0 : i32
        %dma_wait3A_124 = arith.constant 0 : i32
        %dma_wait3A_125 = tpu.memref_slice %arg2[%dma_wait3A_123, %dma_wait3A_124] : memref<10240x128xf32, #tpu.memory_space<hbm>> -> memref<10240x128xf32, #tpu.memory_space<hbm>>
        tpu.wait_indirect_dma semaphore(%arg12 : memref<!tpu.dma_semaphore, #tpu.memory_space<semaphore_mem>>) src(%dma_wait3A_125 : memref<10240x128xf32, #tpu.memory_space<hbm>>) dst(%arg9 : memref<128x128xf32, #tpu.memory_space<vmem>>)
        %add3A_126 = arith.constant 1 : i32
        %add3A_127 = arith.addi %add3A_105, %add3A_126 : i32
        %dma_start3A_128 = arith.constant 0 : i32
        %dma_start3A_129 = tpu.memref_slice %arg7[%add3A_127, %dma_start3A_128] : memref<64x128xi32, #tpu.memory_space<vmem>> -> memref<1x128xi32, #tpu.memory_space<vmem>>
        %dma_start3A_130 = tpu.memref_squeeze %dma_start3A_129 : memref<1x128xi32, #tpu.memory_space<vmem>> -> memref<128xi32, #tpu.memory_space<vmem>>
        %dma_start3A_131 = arith.constant 0 : i32
        %dma_start3A_132 = arith.constant 0 : i32
        %dma_start3A_133 = tpu.memref_slice %arg10[%dma_start3A_131, %dma_start3A_132] : memref<10240x128xf32, #tpu.memory_space<vmem_shared>> -> memref<10240x128xf32, #tpu.memory_space<vmem_shared>>
        tpu.enqueue_indirect_dma source(%arg9 : memref<128x128xf32, #tpu.memory_space<vmem>>) target(%dma_start3A_133 : memref<10240x128xf32, #tpu.memory_space<vmem_shared>>) offsets(%dma_start3A_130 : memref<128xi32, #tpu.memory_space<vmem>>) semaphore(%arg14 : memref<!tpu.dma_semaphore, #tpu.memory_space<semaphore_mem>>) {add = true}
        %dma_wait3A_134 = arith.constant 0 : i32
        %dma_wait3A_135 = tpu.memref_slice %arg7[%add3A_105, %dma_wait3A_134] : memref<64x128xi32, #tpu.memory_space<vmem>> -> memref<1x128xi32, #tpu.memory_space<vmem>>
        %dma_wait3A_136 = tpu.memref_squeeze %dma_wait3A_135 : memref<1x128xi32, #tpu.memory_space<vmem>> -> memref<128xi32, #tpu.memory_space<vmem>>
        %dma_wait3A_137 = arith.constant 0 : i32
        %dma_wait3A_138 = arith.constant 0 : i32
        %dma_wait3A_139 = tpu.memref_slice %arg10[%dma_wait3A_137, %dma_wait3A_138] : memref<10240x128xf32, #tpu.memory_space<vmem_shared>> -> memref<10240x128xf32, #tpu.memory_space<vmem_shared>>
        tpu.wait_indirect_dma semaphore(%arg13 : memref<!tpu.dma_semaphore, #tpu.memory_space<semaphore_mem>>) src(%arg8 : memref<128x128xf32, #tpu.memory_space<vmem>>) dst(%dma_wait3A_139 : memref<10240x128xf32, #tpu.memory_space<vmem_shared>>)
        %add3A_140 = arith.constant 2 : i32
        %add3A_141 = arith.addi %add3A_105, %add3A_140 : i32
        %dma_start3A_142 = arith.constant 0 : i32
        %dma_start3A_143 = tpu.memref_slice %arg6[%add3A_141, %dma_start3A_142] : memref<64x128xi32, #tpu.memory_space<vmem>> -> memref<1x128xi32, #tpu.memory_space<vmem>>
        %dma_start3A_144 = tpu.memref_squeeze %dma_start3A_143 : memref<1x128xi32, #tpu.memory_space<vmem>> -> memref<128xi32, #tpu.memory_space<vmem>>
        %dma_start3A_145 = arith.constant 0 : i32
        %dma_start3A_146 = arith.constant 0 : i32
        %dma_start3A_147 = tpu.memref_slice %arg2[%dma_start3A_145, %dma_start3A_146] : memref<10240x128xf32, #tpu.memory_space<hbm>> -> memref<10240x128xf32, #tpu.memory_space<hbm>>
        tpu.enqueue_indirect_dma source(%dma_start3A_147 : memref<10240x128xf32, #tpu.memory_space<hbm>>) target(%arg8 : memref<128x128xf32, #tpu.memory_space<vmem>>) offsets(%dma_start3A_144 : memref<128xi32, #tpu.memory_space<vmem>>) semaphore(%arg11 : memref<!tpu.dma_semaphore, #tpu.memory_space<semaphore_mem>>)
        %add3A_148 = arith.constant 1 : i32
        %add3A_149 = arith.addi %add3A_105, %add3A_148 : i32
        %dma_wait3A_150 = arith.constant 0 : i32
        %dma_wait3A_151 = tpu.memref_slice %arg7[%add3A_149, %dma_wait3A_150] : memref<64x128xi32, #tpu.memory_space<vmem>> -> memref<1x128xi32, #tpu.memory_space<vmem>>
        %dma_wait3A_152 = tpu.memref_squeeze %dma_wait3A_151 : memref<1x128xi32, #tpu.memory_space<vmem>> -> memref<128xi32, #tpu.memory_space<vmem>>
        %dma_wait3A_153 = arith.constant 0 : i32
        %dma_wait3A_154 = arith.constant 0 : i32
        %dma_wait3A_155 = tpu.memref_slice %arg10[%dma_wait3A_153, %dma_wait3A_154] : memref<10240x128xf32, #tpu.memory_space<vmem_shared>> -> memref<10240x128xf32, #tpu.memory_space<vmem_shared>>
        tpu.wait_indirect_dma semaphore(%arg14 : memref<!tpu.dma_semaphore, #tpu.memory_space<semaphore_mem>>) src(%arg9 : memref<128x128xf32, #tpu.memory_space<vmem>>) dst(%dma_wait3A_155 : memref<10240x128xf32, #tpu.memory_space<vmem_shared>>)
        %add3A_156 = arith.constant 3 : i32
        %add3A_157 = arith.addi %add3A_105, %add3A_156 : i32
        %dma_start3A_158 = arith.constant 0 : i32
        %dma_start3A_159 = tpu.memref_slice %arg6[%add3A_157, %dma_start3A_158] : memref<64x128xi32, #tpu.memory_space<vmem>> -> memref<1x128xi32, #tpu.memory_space<vmem>>
        %dma_start3A_160 = tpu.memref_squeeze %dma_start3A_159 : memref<1x128xi32, #tpu.memory_space<vmem>> -> memref<128xi32, #tpu.memory_space<vmem>>
        %dma_start3A_161 = arith.constant 0 : i32
        %dma_start3A_162 = arith.constant 0 : i32
        %dma_start3A_163 = tpu.memref_slice %arg2[%dma_start3A_161, %dma_start3A_162] : memref<10240x128xf32, #tpu.memory_space<hbm>> -> memref<10240x128xf32, #tpu.memory_space<hbm>>
        tpu.enqueue_indirect_dma source(%dma_start3A_163 : memref<10240x128xf32, #tpu.memory_space<hbm>>) target(%arg9 : memref<128x128xf32, #tpu.memory_space<vmem>>) offsets(%dma_start3A_160 : memref<128xi32, #tpu.memory_space<vmem>>) semaphore(%arg12 : memref<!tpu.dma_semaphore, #tpu.memory_space<semaphore_mem>>)
      }
      %scan3A_59 = arith.constant 7 : i32
      %dma_wait3A = arith.constant 14 : i32
      %dma_wait3A_60 = arith.constant 0 : i32
      %dma_wait3A_61 = tpu.memref_slice %arg6[%dma_wait3A, %dma_wait3A_60] : memref<64x128xi32, #tpu.memory_space<vmem>> -> memref<1x128xi32, #tpu.memory_space<vmem>>
      %dma_wait3A_62 = tpu.memref_squeeze %dma_wait3A_61 : memref<1x128xi32, #tpu.memory_space<vmem>> -> memref<128xi32, #tpu.memory_space<vmem>>
      %dma_wait3A_63 = arith.constant 0 : i32
      %dma_wait3A_64 = arith.constant 0 : i32
      %dma_wait3A_65 = tpu.memref_slice %arg2[%dma_wait3A_63, %dma_wait3A_64] : memref<10240x128xf32, #tpu.memory_space<hbm>> -> memref<10240x128xf32, #tpu.memory_space<hbm>>
      tpu.wait_indirect_dma semaphore(%arg11 : memref<!tpu.dma_semaphore, #tpu.memory_space<semaphore_mem>>) src(%dma_wait3A_65 : memref<10240x128xf32, #tpu.memory_space<hbm>>) dst(%arg8 : memref<128x128xf32, #tpu.memory_space<vmem>>)
      %dma_start3A_66 = arith.constant 14 : i32
      %dma_start3A_67 = arith.constant 0 : i32
      %dma_start3A_68 = tpu.memref_slice %arg7[%dma_start3A_66, %dma_start3A_67] : memref<64x128xi32, #tpu.memory_space<vmem>> -> memref<1x128xi32, #tpu.memory_space<vmem>>
      %dma_start3A_69 = tpu.memref_squeeze %dma_start3A_68 : memref<1x128xi32, #tpu.memory_space<vmem>> -> memref<128xi32, #tpu.memory_space<vmem>>
      %dma_start3A_70 = arith.constant 0 : i32
      %dma_start3A_71 = arith.constant 0 : i32
      %dma_start3A_72 = tpu.memref_slice %arg10[%dma_start3A_70, %dma_start3A_71] : memref<10240x128xf32, #tpu.memory_space<vmem_shared>> -> memref<10240x128xf32, #tpu.memory_space<vmem_shared>>
      tpu.enqueue_indirect_dma source(%arg8 : memref<128x128xf32, #tpu.memory_space<vmem>>) target(%dma_start3A_72 : memref<10240x128xf32, #tpu.memory_space<vmem_shared>>) offsets(%dma_start3A_69 : memref<128xi32, #tpu.memory_space<vmem>>) semaphore(%arg13 : memref<!tpu.dma_semaphore, #tpu.memory_space<semaphore_mem>>) {add = true}
      %dma_wait3A_73 = arith.constant 15 : i32
      %dma_wait3A_74 = arith.constant 0 : i32
      %dma_wait3A_75 = tpu.memref_slice %arg6[%dma_wait3A_73, %dma_wait3A_74] : memref<64x128xi32, #tpu.memory_space<vmem>> -> memref<1x128xi32, #tpu.memory_space<vmem>>
      %dma_wait3A_76 = tpu.memref_squeeze %dma_wait3A_75 : memref<1x128xi32, #tpu.memory_space<vmem>> -> memref<128xi32, #tpu.memory_space<vmem>>
      %dma_wait3A_77 = arith.constant 0 : i32
      %dma_wait3A_78 = arith.constant 0 : i32
      %dma_wait3A_79 = tpu.memref_slice %arg2[%dma_wait3A_77, %dma_wait3A_78] : memref<10240x128xf32, #tpu.memory_space<hbm>> -> memref<10240x128xf32, #tpu.memory_space<hbm>>
      tpu.wait_indirect_dma semaphore(%arg12 : memref<!tpu.dma_semaphore, #tpu.memory_space<semaphore_mem>>) src(%dma_wait3A_79 : memref<10240x128xf32, #tpu.memory_space<hbm>>) dst(%arg9 : memref<128x128xf32, #tpu.memory_space<vmem>>)
      %dma_start3A_80 = arith.constant 15 : i32
      %dma_start3A_81 = arith.constant 0 : i32
      %dma_start3A_82 = tpu.memref_slice %arg7[%dma_start3A_80, %dma_start3A_81] : memref<64x128xi32, #tpu.memory_space<vmem>> -> memref<1x128xi32, #tpu.memory_space<vmem>>
      %dma_start3A_83 = tpu.memref_squeeze %dma_start3A_82 : memref<1x128xi32, #tpu.memory_space<vmem>> -> memref<128xi32, #tpu.memory_space<vmem>>
      %dma_start3A_84 = arith.constant 0 : i32
      %dma_start3A_85 = arith.constant 0 : i32
      %dma_start3A_86 = tpu.memref_slice %arg10[%dma_start3A_84, %dma_start3A_85] : memref<10240x128xf32, #tpu.memory_space<vmem_shared>> -> memref<10240x128xf32, #tpu.memory_space<vmem_shared>>
      tpu.enqueue_indirect_dma source(%arg9 : memref<128x128xf32, #tpu.memory_space<vmem>>) target(%dma_start3A_86 : memref<10240x128xf32, #tpu.memory_space<vmem_shared>>) offsets(%dma_start3A_83 : memref<128xi32, #tpu.memory_space<vmem>>) semaphore(%arg14 : memref<!tpu.dma_semaphore, #tpu.memory_space<semaphore_mem>>) {add = true}
      %dma_wait3A_87 = arith.constant 14 : i32
      %dma_wait3A_88 = arith.constant 0 : i32
      %dma_wait3A_89 = tpu.memref_slice %arg7[%dma_wait3A_87, %dma_wait3A_88] : memref<64x128xi32, #tpu.memory_space<vmem>> -> memref<1x128xi32, #tpu.memory_space<vmem>>
      %dma_wait3A_90 = tpu.memref_squeeze %dma_wait3A_89 : memref<1x128xi32, #tpu.memory_space<vmem>> -> memref<128xi32, #tpu.memory_space<vmem>>
      %dma_wait3A_91 = arith.constant 0 : i32
      %dma_wait3A_92 = arith.constant 0 : i32
      %dma_wait3A_93 = tpu.memref_slice %arg10[%dma_wait3A_91, %dma_wait3A_92] : memref<10240x128xf32, #tpu.memory_space<vmem_shared>> -> memref<10240x128xf32, #tpu.memory_space<vmem_shared>>
      tpu.wait_indirect_dma semaphore(%arg13 : memref<!tpu.dma_semaphore, #tpu.memory_space<semaphore_mem>>) src(%arg8 : memref<128x128xf32, #tpu.memory_space<vmem>>) dst(%dma_wait3A_93 : memref<10240x128xf32, #tpu.memory_space<vmem_shared>>)
      %dma_wait3A_94 = arith.constant 15 : i32
      %dma_wait3A_95 = arith.constant 0 : i32
      %dma_wait3A_96 = tpu.memref_slice %arg7[%dma_wait3A_94, %dma_wait3A_95] : memref<64x128xi32, #tpu.memory_space<vmem>> -> memref<1x128xi32, #tpu.memory_space<vmem>>
      %dma_wait3A_97 = tpu.memref_squeeze %dma_wait3A_96 : memref<1x128xi32, #tpu.memory_space<vmem>> -> memref<128xi32, #tpu.memory_space<vmem>>
      %dma_wait3A_98 = arith.constant 0 : i32
      %dma_wait3A_99 = arith.constant 0 : i32
      %dma_wait3A_100 = tpu.memref_slice %arg10[%dma_wait3A_98, %dma_wait3A_99] : memref<10240x128xf32, #tpu.memory_space<vmem_shared>> -> memref<10240x128xf32, #tpu.memory_space<vmem_shared>>
      tpu.wait_indirect_dma semaphore(%arg14 : memref<!tpu.dma_semaphore, #tpu.memory_space<semaphore_mem>>) src(%arg9 : memref<128x128xf32, #tpu.memory_space<vmem>>) dst(%dma_wait3A_100 : memref<10240x128xf32, #tpu.memory_space<vmem_shared>>)
    } else {
    }
    %barrier3A_37 = arith.constant 0 : index
    tpu.barrier barrier_id(%barrier3A_37)
    %mul3A_38 = arith.constant 640 : i32
    %mul3A_39 = arith.muli %arg1, %mul3A_38 : i32
    %mul3A_40 = arith.constant 640 : i32
    %mul3A_41 = arith.muli %arg1, %mul3A_40 : i32
    "tpu.region"() ({
      %run_scoped3A = tpu.sem_alloc : memref<!tpu.dma_semaphore, #tpu.memory_space<semaphore_mem>>
      %dma_start3A = arith.constant 0 : i32
      %dma_start3A_42 = tpu.memref_slice %arg5[%arg0, %mul3A_41, %dma_start3A] : memref<2x10240x128xf32, #tpu.memory_space<hbm>> -> memref<1x640x128xf32, #tpu.memory_space<hbm>>
      %dma_start3A_43 = tpu.memref_squeeze %dma_start3A_42 : memref<1x640x128xf32, #tpu.memory_space<hbm>> -> memref<640x128xf32, #tpu.memory_space<hbm>>
      %dma_start3A_44 = arith.constant 0 : i32
      %dma_start3A_45 = tpu.memref_slice %arg10[%mul3A_39, %dma_start3A_44] : memref<10240x128xf32, #tpu.memory_space<vmem_shared>> -> memref<640x128xf32, #tpu.memory_space<vmem_shared>>
      tpu.enqueue_dma source(%dma_start3A_45 : memref<640x128xf32, #tpu.memory_space<vmem_shared>>) target(%dma_start3A_43 : memref<640x128xf32, #tpu.memory_space<hbm>>) target_semaphore(%run_scoped3A : memref<!tpu.dma_semaphore, #tpu.memory_space<semaphore_mem>>)
      %dma_wait3A = arith.constant 0 : i32
      %dma_wait3A_46 = tpu.memref_slice %arg5[%arg0, %mul3A_41, %dma_wait3A] : memref<2x10240x128xf32, #tpu.memory_space<hbm>> -> memref<1x640x128xf32, #tpu.memory_space<hbm>>
      %dma_wait3A_47 = tpu.memref_squeeze %dma_wait3A_46 : memref<1x640x128xf32, #tpu.memory_space<hbm>> -> memref<640x128xf32, #tpu.memory_space<hbm>>
      %dma_wait3A_48 = arith.constant 0 : i32
      %dma_wait3A_49 = tpu.memref_slice %arg10[%mul3A_39, %dma_wait3A_48] : memref<10240x128xf32, #tpu.memory_space<vmem_shared>> -> memref<640x128xf32, #tpu.memory_space<vmem_shared>>
      tpu.wait_dma2 semaphore(%run_scoped3A : memref<!tpu.dma_semaphore, #tpu.memory_space<semaphore_mem>>) src(%dma_wait3A_49 : memref<640x128xf32, #tpu.memory_space<vmem_shared>>) dst(%dma_wait3A_47 : memref<640x128xf32, #tpu.memory_space<hbm>>)
      tpu.yield
    }) : () -> ()
    return
  }
}

#map = affine_map<(d0, d1) -> (0, 0)>
#map1 = affine_map<(d0, d1) -> (0, 0, 0)>
module attributes {stable_mosaic.version = 14 : i64} {
  func.func @_prop_body(%arg0: i32, %arg1: i32, %arg2: memref<10240x128xf32, #tpu.memory_space<hbm>>, %arg3: memref<1344x128xi32, #tpu.memory_space<hbm>>, %arg4: memref<1344x128xi32, #tpu.memory_space<hbm>>, %arg5: memref<2x10240x128xf32, #tpu.memory_space<hbm>>, %arg6: memref<64x128xi32, #tpu.memory_space<vmem>>, %arg7: memref<64x128xi32, #tpu.memory_space<vmem>>, %arg8: memref<128x128xf32, #tpu.memory_space<vmem>>, %arg9: memref<128x128xf32, #tpu.memory_space<vmem>>, %arg10: memref<10240x128xf32, #tpu.memory_space<vmem_shared>>, %arg11: memref<!tpu.dma_semaphore, #tpu.memory_space<semaphore_mem>>, %arg12: memref<!tpu.dma_semaphore, #tpu.memory_space<semaphore_mem>>, %arg13: memref<!tpu.dma_semaphore, #tpu.memory_space<semaphore_mem>>, %arg14: memref<!tpu.dma_semaphore, #tpu.memory_space<semaphore_mem>>) attributes {dimension_semantics = [#tpu.dimension_semantics<core_parallel>, #tpu.dimension_semantics<subcore_parallel>], iteration_bounds = array<i64: 2, 16>, scalar_prefetch = 0 : i64, scratch_operands = 9 : i64, tpu.core_type = #tpu.core_type<sc_vector_subcore>, window_params = [{transform_indices = #map}, {transform_indices = #map}, {transform_indices = #map}, {transform_indices = #map1}]} {
    %eq3A = arith.constant 0 : i32
    %eq3A_0 = arith.cmpi eq, %arg0, %eq3A : i32
    %mul3A = arith.constant 64 : i32
    %mul3A_1 = arith.muli %arg1, %mul3A : i32
    %mul3A_2 = arith.constant 16 : i32
    %mul3A_3 = arith.muli %arg1, %mul3A_2 : i32
    %add3A = arith.constant 1024 : i32
    %add3A_4 = arith.addi %add3A, %mul3A_3 : i32
    %select_n3A = arith.select %eq3A_0, %mul3A_1, %add3A_4 : i32
    %scan3A = arith.constant 0 : i32
    %scan3A_5 = arith.constant 128 : i32
    %scan3A_6 = arith.addi %scan3A, %scan3A_5 : i32
    %scan3A_7 = arith.constant 1 : i32
    scf.for %scan3A_42 = %scan3A to %scan3A_6 step %scan3A_7  : i32 {
      %mul3A_43 = arith.constant 1 : i32
      %mul3A_44 = arith.muli %scan3A_42, %mul3A_43 : i32
      %add3A_45 = arith.constant 0 : i32
      %add3A_46 = arith.addi %add3A_45, %mul3A_44 : i32
      %broadcast_in_dim3A = arith.constant 0.000000e+00 : f32
      %broadcast_in_dim3A_47 = vector.broadcast %broadcast_in_dim3A : f32 to vector<16xf32>
      %swap3A = arith.index_cast %add3A_46 : i32 to index
      %swap3A_48 = arith.constant 0 : index
      %swap3A_49 = tpu.vector_load %arg8[%swap3A, %swap3A_48] {strides = array<i32>} : memref<128x128xf32, #tpu.memory_space<vmem>>, vector<1x16xf32>,
      %swap3A_50 = vector.shape_cast %swap3A_49 : vector<1x16xf32> to vector<16xf32>
      %swap3A_51 = vector.shape_cast %broadcast_in_dim3A_47 : vector<16xf32> to vector<1x16xf32>
      tpu.vector_store %arg8[%swap3A, %swap3A_48], %swap3A_51 {strides = array<i32>} : memref<128x128xf32, #tpu.memory_space<vmem>>, vector<1x16xf32>,
      %broadcast_in_dim3A_52 = arith.constant 0.000000e+00 : f32
      %broadcast_in_dim3A_53 = vector.broadcast %broadcast_in_dim3A_52 : f32 to vector<16xf32>
      %swap3A_54 = arith.index_cast %add3A_46 : i32 to index
      %swap3A_55 = arith.constant 16 : index
      %swap3A_56 = tpu.vector_load %arg8[%swap3A_54, %swap3A_55] {strides = array<i32>} : memref<128x128xf32, #tpu.memory_space<vmem>>, vector<1x16xf32>,
      %swap3A_57 = vector.shape_cast %swap3A_56 : vector<1x16xf32> to vector<16xf32>
      %swap3A_58 = vector.shape_cast %broadcast_in_dim3A_53 : vector<16xf32> to vector<1x16xf32>
      tpu.vector_store %arg8[%swap3A_54, %swap3A_55], %swap3A_58 {strides = array<i32>} : memref<128x128xf32, #tpu.memory_space<vmem>>, vector<1x16xf32>,
      %broadcast_in_dim3A_59 = arith.constant 0.000000e+00 : f32
      %broadcast_in_dim3A_60 = vector.broadcast %broadcast_in_dim3A_59 : f32 to vector<16xf32>
      %swap3A_61 = arith.index_cast %add3A_46 : i32 to index
      %swap3A_62 = arith.constant 32 : index
      %swap3A_63 = tpu.vector_load %arg8[%swap3A_61, %swap3A_62] {strides = array<i32>} : memref<128x128xf32, #tpu.memory_space<vmem>>, vector<1x16xf32>,
      %swap3A_64 = vector.shape_cast %swap3A_63 : vector<1x16xf32> to vector<16xf32>
      %swap3A_65 = vector.shape_cast %broadcast_in_dim3A_60 : vector<16xf32> to vector<1x16xf32>
      tpu.vector_store %arg8[%swap3A_61, %swap3A_62], %swap3A_65 {strides = array<i32>} : memref<128x128xf32, #tpu.memory_space<vmem>>, vector<1x16xf32>,
      %broadcast_in_dim3A_66 = arith.constant 0.000000e+00 : f32
      %broadcast_in_dim3A_67 = vector.broadcast %broadcast_in_dim3A_66 : f32 to vector<16xf32>
      %swap3A_68 = arith.index_cast %add3A_46 : i32 to index
      %swap3A_69 = arith.constant 48 : index
      %swap3A_70 = tpu.vector_load %arg8[%swap3A_68, %swap3A_69] {strides = array<i32>} : memref<128x128xf32, #tpu.memory_space<vmem>>, vector<1x16xf32>,
      %swap3A_71 = vector.shape_cast %swap3A_70 : vector<1x16xf32> to vector<16xf32>
      %swap3A_72 = vector.shape_cast %broadcast_in_dim3A_67 : vector<16xf32> to vector<1x16xf32>
      tpu.vector_store %arg8[%swap3A_68, %swap3A_69], %swap3A_72 {strides = array<i32>} : memref<128x128xf32, #tpu.memory_space<vmem>>, vector<1x16xf32>,
      %broadcast_in_dim3A_73 = arith.constant 0.000000e+00 : f32
      %broadcast_in_dim3A_74 = vector.broadcast %broadcast_in_dim3A_73 : f32 to vector<16xf32>
      %swap3A_75 = arith.index_cast %add3A_46 : i32 to index
      %swap3A_76 = arith.constant 64 : index
      %swap3A_77 = tpu.vector_load %arg8[%swap3A_75, %swap3A_76] {strides = array<i32>} : memref<128x128xf32, #tpu.memory_space<vmem>>, vector<1x16xf32>,
      %swap3A_78 = vector.shape_cast %swap3A_77 : vector<1x16xf32> to vector<16xf32>
      %swap3A_79 = vector.shape_cast %broadcast_in_dim3A_74 : vector<16xf32> to vector<1x16xf32>
      tpu.vector_store %arg8[%swap3A_75, %swap3A_76], %swap3A_79 {strides = array<i32>} : memref<128x128xf32, #tpu.memory_space<vmem>>, vector<1x16xf32>,
      %broadcast_in_dim3A_80 = arith.constant 0.000000e+00 : f32
      %broadcast_in_dim3A_81 = vector.broadcast %broadcast_in_dim3A_80 : f32 to vector<16xf32>
      %swap3A_82 = arith.index_cast %add3A_46 : i32 to index
      %swap3A_83 = arith.constant 80 : index
      %swap3A_84 = tpu.vector_load %arg8[%swap3A_82, %swap3A_83] {strides = array<i32>} : memref<128x128xf32, #tpu.memory_space<vmem>>, vector<1x16xf32>,
      %swap3A_85 = vector.shape_cast %swap3A_84 : vector<1x16xf32> to vector<16xf32>
      %swap3A_86 = vector.shape_cast %broadcast_in_dim3A_81 : vector<16xf32> to vector<1x16xf32>
      tpu.vector_store %arg8[%swap3A_82, %swap3A_83], %swap3A_86 {strides = array<i32>} : memref<128x128xf32, #tpu.memory_space<vmem>>, vector<1x16xf32>,
      %broadcast_in_dim3A_87 = arith.constant 0.000000e+00 : f32
      %broadcast_in_dim3A_88 = vector.broadcast %broadcast_in_dim3A_87 : f32 to vector<16xf32>
      %swap3A_89 = arith.index_cast %add3A_46 : i32 to index
      %swap3A_90 = arith.constant 96 : index
      %swap3A_91 = tpu.vector_load %arg8[%swap3A_89, %swap3A_90] {strides = array<i32>} : memref<128x128xf32, #tpu.memory_space<vmem>>, vector<1x16xf32>,
      %swap3A_92 = vector.shape_cast %swap3A_91 : vector<1x16xf32> to vector<16xf32>
      %swap3A_93 = vector.shape_cast %broadcast_in_dim3A_88 : vector<16xf32> to vector<1x16xf32>
      tpu.vector_store %arg8[%swap3A_89, %swap3A_90], %swap3A_93 {strides = array<i32>} : memref<128x128xf32, #tpu.memory_space<vmem>>, vector<1x16xf32>,
      %broadcast_in_dim3A_94 = arith.constant 0.000000e+00 : f32
      %broadcast_in_dim3A_95 = vector.broadcast %broadcast_in_dim3A_94 : f32 to vector<16xf32>
      %swap3A_96 = arith.index_cast %add3A_46 : i32 to index
      %swap3A_97 = arith.constant 112 : index
      %swap3A_98 = tpu.vector_load %arg8[%swap3A_96, %swap3A_97] {strides = array<i32>} : memref<128x128xf32, #tpu.memory_space<vmem>>, vector<1x16xf32>,
      %swap3A_99 = vector.shape_cast %swap3A_98 : vector<1x16xf32> to vector<16xf32>
      %swap3A_100 = vector.shape_cast %broadcast_in_dim3A_95 : vector<16xf32> to vector<1x16xf32>
      tpu.vector_store %arg8[%swap3A_96, %swap3A_97], %swap3A_100 {strides = array<i32>} : memref<128x128xf32, #tpu.memory_space<vmem>>, vector<1x16xf32>,
    }
    %scan3A_8 = arith.constant 128 : i32
    %mul3A_9 = arith.constant 640 : i32
    %mul3A_10 = arith.muli %arg1, %mul3A_9 : i32
    %add3A_11 = arith.constant 0 : i32
    %add3A_12 = arith.addi %mul3A_10, %add3A_11 : i32
    "tpu.region"() ({
      %run_scoped3A = tpu.sem_alloc : memref<!tpu.dma_semaphore, #tpu.memory_space<semaphore_mem>>
      %dma_start3A = arith.constant 0 : i32
      %dma_start3A_42 = tpu.memref_slice %arg10[%add3A_12, %dma_start3A] : memref<10240x128xf32, #tpu.memory_space<vmem_shared>> -> memref<128x128xf32, #tpu.memory_space<vmem_shared>>
      %dma_start3A_43 = arith.constant 0 : i32
      %dma_start3A_44 = tpu.memref_slice %arg10[%add3A_12, %dma_start3A_43] : memref<10240x128xf32, #tpu.memory_space<vmem_shared>> -> memref<128x128xf32, #tpu.memory_space<vmem_shared>>
      tpu.enqueue_dma source(%arg8 : memref<128x128xf32, #tpu.memory_space<vmem>>) target(%dma_start3A_44 : memref<128x128xf32, #tpu.memory_space<vmem_shared>>) target_semaphore(%run_scoped3A : memref<!tpu.dma_semaphore, #tpu.memory_space<semaphore_mem>>)
      %dma_wait3A = arith.constant 0 : i32
      %dma_wait3A_45 = tpu.memref_slice %arg10[%add3A_12, %dma_wait3A] : memref<10240x128xf32, #tpu.memory_space<vmem_shared>> -> memref<128x128xf32, #tpu.memory_space<vmem_shared>>
      %dma_wait3A_46 = arith.constant 0 : i32
      %dma_wait3A_47 = tpu.memref_slice %arg10[%add3A_12, %dma_wait3A_46] : memref<10240x128xf32, #tpu.memory_space<vmem_shared>> -> memref<128x128xf32, #tpu.memory_space<vmem_shared>>
      tpu.wait_dma2 semaphore(%run_scoped3A : memref<!tpu.dma_semaphore, #tpu.memory_space<semaphore_mem>>) src(%arg8 : memref<128x128xf32, #tpu.memory_space<vmem>>) dst(%dma_wait3A_47 : memref<128x128xf32, #tpu.memory_space<vmem_shared>>)
      tpu.yield
    }) : () -> ()
    %mul3A_13 = arith.constant 640 : i32
    %mul3A_14 = arith.muli %arg1, %mul3A_13 : i32
    %add3A_15 = arith.constant 128 : i32
    %add3A_16 = arith.addi %mul3A_14, %add3A_15 : i32
    "tpu.region"() ({
      %run_scoped3A = tpu.sem_alloc : memref<!tpu.dma_semaphore, #tpu.memory_space<semaphore_mem>>
      %dma_start3A = arith.constant 0 : i32
      %dma_start3A_42 = tpu.memref_slice %arg10[%add3A_16, %dma_start3A] : memref<10240x128xf32, #tpu.memory_space<vmem_shared>> -> memref<128x128xf32, #tpu.memory_space<vmem_shared>>
      %dma_start3A_43 = arith.constant 0 : i32
      %dma_start3A_44 = tpu.memref_slice %arg10[%add3A_16, %dma_start3A_43] : memref<10240x128xf32, #tpu.memory_space<vmem_shared>> -> memref<128x128xf32, #tpu.memory_space<vmem_shared>>
      tpu.enqueue_dma source(%arg8 : memref<128x128xf32, #tpu.memory_space<vmem>>) target(%dma_start3A_44 : memref<128x128xf32, #tpu.memory_space<vmem_shared>>) target_semaphore(%run_scoped3A : memref<!tpu.dma_semaphore, #tpu.memory_space<semaphore_mem>>)
      %dma_wait3A = arith.constant 0 : i32
      %dma_wait3A_45 = tpu.memref_slice %arg10[%add3A_16, %dma_wait3A] : memref<10240x128xf32, #tpu.memory_space<vmem_shared>> -> memref<128x128xf32, #tpu.memory_space<vmem_shared>>
      %dma_wait3A_46 = arith.constant 0 : i32
      %dma_wait3A_47 = tpu.memref_slice %arg10[%add3A_16, %dma_wait3A_46] : memref<10240x128xf32, #tpu.memory_space<vmem_shared>> -> memref<128x128xf32, #tpu.memory_space<vmem_shared>>
      tpu.wait_dma2 semaphore(%run_scoped3A : memref<!tpu.dma_semaphore, #tpu.memory_space<semaphore_mem>>) src(%arg8 : memref<128x128xf32, #tpu.memory_space<vmem>>) dst(%dma_wait3A_47 : memref<128x128xf32, #tpu.memory_space<vmem_shared>>)
      tpu.yield
    }) : () -> ()
    %mul3A_17 = arith.constant 640 : i32
    %mul3A_18 = arith.muli %arg1, %mul3A_17 : i32
    %add3A_19 = arith.constant 256 : i32
    %add3A_20 = arith.addi %mul3A_18, %add3A_19 : i32
    "tpu.region"() ({
      %run_scoped3A = tpu.sem_alloc : memref<!tpu.dma_semaphore, #tpu.memory_space<semaphore_mem>>
      %dma_start3A = arith.constant 0 : i32
      %dma_start3A_42 = tpu.memref_slice %arg10[%add3A_20, %dma_start3A] : memref<10240x128xf32, #tpu.memory_space<vmem_shared>> -> memref<128x128xf32, #tpu.memory_space<vmem_shared>>
      %dma_start3A_43 = arith.constant 0 : i32
      %dma_start3A_44 = tpu.memref_slice %arg10[%add3A_20, %dma_start3A_43] : memref<10240x128xf32, #tpu.memory_space<vmem_shared>> -> memref<128x128xf32, #tpu.memory_space<vmem_shared>>
      tpu.enqueue_dma source(%arg8 : memref<128x128xf32, #tpu.memory_space<vmem>>) target(%dma_start3A_44 : memref<128x128xf32, #tpu.memory_space<vmem_shared>>) target_semaphore(%run_scoped3A : memref<!tpu.dma_semaphore, #tpu.memory_space<semaphore_mem>>)
      %dma_wait3A = arith.constant 0 : i32
      %dma_wait3A_45 = tpu.memref_slice %arg10[%add3A_20, %dma_wait3A] : memref<10240x128xf32, #tpu.memory_space<vmem_shared>> -> memref<128x128xf32, #tpu.memory_space<vmem_shared>>
      %dma_wait3A_46 = arith.constant 0 : i32
      %dma_wait3A_47 = tpu.memref_slice %arg10[%add3A_20, %dma_wait3A_46] : memref<10240x128xf32, #tpu.memory_space<vmem_shared>> -> memref<128x128xf32, #tpu.memory_space<vmem_shared>>
      tpu.wait_dma2 semaphore(%run_scoped3A : memref<!tpu.dma_semaphore, #tpu.memory_space<semaphore_mem>>) src(%arg8 : memref<128x128xf32, #tpu.memory_space<vmem>>) dst(%dma_wait3A_47 : memref<128x128xf32, #tpu.memory_space<vmem_shared>>)
      tpu.yield
    }) : () -> ()
    %mul3A_21 = arith.constant 640 : i32
    %mul3A_22 = arith.muli %arg1, %mul3A_21 : i32
    %add3A_23 = arith.constant 384 : i32
    %add3A_24 = arith.addi %mul3A_22, %add3A_23 : i32
    "tpu.region"() ({
      %run_scoped3A = tpu.sem_alloc : memref<!tpu.dma_semaphore, #tpu.memory_space<semaphore_mem>>
      %dma_start3A = arith.constant 0 : i32
      %dma_start3A_42 = tpu.memref_slice %arg10[%add3A_24, %dma_start3A] : memref<10240x128xf32, #tpu.memory_space<vmem_shared>> -> memref<128x128xf32, #tpu.memory_space<vmem_shared>>
      %dma_start3A_43 = arith.constant 0 : i32
      %dma_start3A_44 = tpu.memref_slice %arg10[%add3A_24, %dma_start3A_43] : memref<10240x128xf32, #tpu.memory_space<vmem_shared>> -> memref<128x128xf32, #tpu.memory_space<vmem_shared>>
      tpu.enqueue_dma source(%arg8 : memref<128x128xf32, #tpu.memory_space<vmem>>) target(%dma_start3A_44 : memref<128x128xf32, #tpu.memory_space<vmem_shared>>) target_semaphore(%run_scoped3A : memref<!tpu.dma_semaphore, #tpu.memory_space<semaphore_mem>>)
      %dma_wait3A = arith.constant 0 : i32
      %dma_wait3A_45 = tpu.memref_slice %arg10[%add3A_24, %dma_wait3A] : memref<10240x128xf32, #tpu.memory_space<vmem_shared>> -> memref<128x128xf32, #tpu.memory_space<vmem_shared>>
      %dma_wait3A_46 = arith.constant 0 : i32
      %dma_wait3A_47 = tpu.memref_slice %arg10[%add3A_24, %dma_wait3A_46] : memref<10240x128xf32, #tpu.memory_space<vmem_shared>> -> memref<128x128xf32, #tpu.memory_space<vmem_shared>>
      tpu.wait_dma2 semaphore(%run_scoped3A : memref<!tpu.dma_semaphore, #tpu.memory_space<semaphore_mem>>) src(%arg8 : memref<128x128xf32, #tpu.memory_space<vmem>>) dst(%dma_wait3A_47 : memref<128x128xf32, #tpu.memory_space<vmem_shared>>)
      tpu.yield
    }) : () -> ()
    %mul3A_25 = arith.constant 640 : i32
    %mul3A_26 = arith.muli %arg1, %mul3A_25 : i32
    %add3A_27 = arith.constant 512 : i32
    %add3A_28 = arith.addi %mul3A_26, %add3A_27 : i32
    "tpu.region"() ({
      %run_scoped3A = tpu.sem_alloc : memref<!tpu.dma_semaphore, #tpu.memory_space<semaphore_mem>>
      %dma_start3A = arith.constant 0 : i32
      %dma_start3A_42 = tpu.memref_slice %arg10[%add3A_28, %dma_start3A] : memref<10240x128xf32, #tpu.memory_space<vmem_shared>> -> memref<128x128xf32, #tpu.memory_space<vmem_shared>>
      %dma_start3A_43 = arith.constant 0 : i32
      %dma_start3A_44 = tpu.memref_slice %arg10[%add3A_28, %dma_start3A_43] : memref<10240x128xf32, #tpu.memory_space<vmem_shared>> -> memref<128x128xf32, #tpu.memory_space<vmem_shared>>
      tpu.enqueue_dma source(%arg8 : memref<128x128xf32, #tpu.memory_space<vmem>>) target(%dma_start3A_44 : memref<128x128xf32, #tpu.memory_space<vmem_shared>>) target_semaphore(%run_scoped3A : memref<!tpu.dma_semaphore, #tpu.memory_space<semaphore_mem>>)
      %dma_wait3A = arith.constant 0 : i32
      %dma_wait3A_45 = tpu.memref_slice %arg10[%add3A_28, %dma_wait3A] : memref<10240x128xf32, #tpu.memory_space<vmem_shared>> -> memref<128x128xf32, #tpu.memory_space<vmem_shared>>
      %dma_wait3A_46 = arith.constant 0 : i32
      %dma_wait3A_47 = tpu.memref_slice %arg10[%add3A_28, %dma_wait3A_46] : memref<10240x128xf32, #tpu.memory_space<vmem_shared>> -> memref<128x128xf32, #tpu.memory_space<vmem_shared>>
      tpu.wait_dma2 semaphore(%run_scoped3A : memref<!tpu.dma_semaphore, #tpu.memory_space<semaphore_mem>>) src(%arg8 : memref<128x128xf32, #tpu.memory_space<vmem>>) dst(%dma_wait3A_47 : memref<128x128xf32, #tpu.memory_space<vmem_shared>>)
      tpu.yield
    }) : () -> ()
    "tpu.region"() ({
      %run_scoped3A = tpu.sem_alloc : memref<!tpu.dma_semaphore, #tpu.memory_space<semaphore_mem>>
      %dma_start3A = arith.constant 0 : i32
      %dma_start3A_42 = tpu.memref_slice %arg3[%select_n3A, %dma_start3A] : memref<1344x128xi32, #tpu.memory_space<hbm>> -> memref<64x128xi32, #tpu.memory_space<hbm>>
      %dma_start3A_43 = arith.constant 0 : i32
      %dma_start3A_44 = tpu.memref_slice %arg3[%select_n3A, %dma_start3A_43] : memref<1344x128xi32, #tpu.memory_space<hbm>> -> memref<64x128xi32, #tpu.memory_space<hbm>>
      tpu.enqueue_dma source(%dma_start3A_44 : memref<64x128xi32, #tpu.memory_space<hbm>>) target(%arg6 : memref<64x128xi32, #tpu.memory_space<vmem>>) target_semaphore(%run_scoped3A : memref<!tpu.dma_semaphore, #tpu.memory_space<semaphore_mem>>)
      %dma_wait3A = arith.constant 0 : i32
      %dma_wait3A_45 = tpu.memref_slice %arg3[%select_n3A, %dma_wait3A] : memref<1344x128xi32, #tpu.memory_space<hbm>> -> memref<64x128xi32, #tpu.memory_space<hbm>>
      %dma_wait3A_46 = arith.constant 0 : i32
      %dma_wait3A_47 = tpu.memref_slice %arg3[%select_n3A, %dma_wait3A_46] : memref<1344x128xi32, #tpu.memory_space<hbm>> -> memref<64x128xi32, #tpu.memory_space<hbm>>
      tpu.wait_dma2 semaphore(%run_scoped3A : memref<!tpu.dma_semaphore, #tpu.memory_space<semaphore_mem>>) src(%dma_wait3A_47 : memref<64x128xi32, #tpu.memory_space<hbm>>) dst(%arg6 : memref<64x128xi32, #tpu.memory_space<vmem>>)
      tpu.yield
    }) : () -> ()
    "tpu.region"() ({
      %run_scoped3A = tpu.sem_alloc : memref<!tpu.dma_semaphore, #tpu.memory_space<semaphore_mem>>
      %dma_start3A = arith.constant 0 : i32
      %dma_start3A_42 = tpu.memref_slice %arg4[%select_n3A, %dma_start3A] : memref<1344x128xi32, #tpu.memory_space<hbm>> -> memref<64x128xi32, #tpu.memory_space<hbm>>
      %dma_start3A_43 = arith.constant 0 : i32
      %dma_start3A_44 = tpu.memref_slice %arg4[%select_n3A, %dma_start3A_43] : memref<1344x128xi32, #tpu.memory_space<hbm>> -> memref<64x128xi32, #tpu.memory_space<hbm>>
      tpu.enqueue_dma source(%dma_start3A_44 : memref<64x128xi32, #tpu.memory_space<hbm>>) target(%arg7 : memref<64x128xi32, #tpu.memory_space<vmem>>) target_semaphore(%run_scoped3A : memref<!tpu.dma_semaphore, #tpu.memory_space<semaphore_mem>>)
      %dma_wait3A = arith.constant 0 : i32
      %dma_wait3A_45 = tpu.memref_slice %arg4[%select_n3A, %dma_wait3A] : memref<1344x128xi32, #tpu.memory_space<hbm>> -> memref<64x128xi32, #tpu.memory_space<hbm>>
      %dma_wait3A_46 = arith.constant 0 : i32
      %dma_wait3A_47 = tpu.memref_slice %arg4[%select_n3A, %dma_wait3A_46] : memref<1344x128xi32, #tpu.memory_space<hbm>> -> memref<64x128xi32, #tpu.memory_space<hbm>>
      tpu.wait_dma2 semaphore(%run_scoped3A : memref<!tpu.dma_semaphore, #tpu.memory_space<semaphore_mem>>) src(%dma_wait3A_47 : memref<64x128xi32, #tpu.memory_space<hbm>>) dst(%arg7 : memref<64x128xi32, #tpu.memory_space<vmem>>)
      tpu.yield
    }) : () -> ()
    %barrier3A = arith.constant 0 : index
    tpu.barrier barrier_id(%barrier3A)
    %eq3A_29 = arith.constant 0 : i32
    %eq3A_30 = arith.cmpi eq, %arg0, %eq3A_29 : i32
    %convert_element_type3A = arith.extui %eq3A_30 : i1 to i32
    %cond3A = arith.constant 0 : i32
    %cond3A_31 = arith.cmpi ne, %convert_element_type3A, %cond3A : i32
    scf.if %cond3A_31 {
      %dma_start3A = arith.constant 0 : i32
      %dma_start3A_42 = arith.constant 0 : i32
      %dma_start3A_43 = tpu.memref_slice %arg6[%dma_start3A, %dma_start3A_42] : memref<64x128xi32, #tpu.memory_space<vmem>> -> memref<1x128xi32, #tpu.memory_space<vmem>>
      %dma_start3A_44 = tpu.memref_squeeze %dma_start3A_43 : memref<1x128xi32, #tpu.memory_space<vmem>> -> memref<128xi32, #tpu.memory_space<vmem>>
      %dma_start3A_45 = arith.constant 0 : i32
      %dma_start3A_46 = arith.constant 0 : i32
      %dma_start3A_47 = tpu.memref_slice %arg2[%dma_start3A_45, %dma_start3A_46] : memref<10240x128xf32, #tpu.memory_space<hbm>> -> memref<10240x128xf32, #tpu.memory_space<hbm>>
      tpu.enqueue_indirect_dma source(%dma_start3A_47 : memref<10240x128xf32, #tpu.memory_space<hbm>>) target(%arg8 : memref<128x128xf32, #tpu.memory_space<vmem>>) offsets(%dma_start3A_44 : memref<128xi32, #tpu.memory_space<vmem>>) semaphore(%arg11 : memref<!tpu.dma_semaphore, #tpu.memory_space<semaphore_mem>>)
      %dma_start3A_48 = arith.constant 1 : i32
      %dma_start3A_49 = arith.constant 0 : i32
      %dma_start3A_50 = tpu.memref_slice %arg6[%dma_start3A_48, %dma_start3A_49] : memref<64x128xi32, #tpu.memory_space<vmem>> -> memref<1x128xi32, #tpu.memory_space<vmem>>
      %dma_start3A_51 = tpu.memref_squeeze %dma_start3A_50 : memref<1x128xi32, #tpu.memory_space<vmem>> -> memref<128xi32, #tpu.memory_space<vmem>>
      %dma_start3A_52 = arith.constant 0 : i32
      %dma_start3A_53 = arith.constant 0 : i32
      %dma_start3A_54 = tpu.memref_slice %arg2[%dma_start3A_52, %dma_start3A_53] : memref<10240x128xf32, #tpu.memory_space<hbm>> -> memref<10240x128xf32, #tpu.memory_space<hbm>>
      tpu.enqueue_indirect_dma source(%dma_start3A_54 : memref<10240x128xf32, #tpu.memory_space<hbm>>) target(%arg9 : memref<128x128xf32, #tpu.memory_space<vmem>>) offsets(%dma_start3A_51 : memref<128xi32, #tpu.memory_space<vmem>>) semaphore(%arg12 : memref<!tpu.dma_semaphore, #tpu.memory_space<semaphore_mem>>)
      %scan3A_55 = arith.constant 0 : i32
      %scan3A_56 = arith.constant 31 : i32
      %scan3A_57 = arith.addi %scan3A_55, %scan3A_56 : i32
      %scan3A_58 = arith.constant 1 : i32
      scf.for %scan3A_101 = %scan3A_55 to %scan3A_57 step %scan3A_58  : i32 {
        %mul3A_102 = arith.constant 2 : i32
        %mul3A_103 = arith.muli %scan3A_101, %mul3A_102 : i32
        %add3A_104 = arith.constant 0 : i32
        %add3A_105 = arith.addi %add3A_104, %mul3A_103 : i32
        %dma_wait3A_106 = arith.constant 0 : i32
        %dma_wait3A_107 = tpu.memref_slice %arg6[%add3A_105, %dma_wait3A_106] : memref<64x128xi32, #tpu.memory_space<vmem>> -> memref<1x128xi32, #tpu.memory_space<vmem>>
        %dma_wait3A_108 = tpu.memref_squeeze %dma_wait3A_107 : memref<1x128xi32, #tpu.memory_space<vmem>> -> memref<128xi32, #tpu.memory_space<vmem>>
        %dma_wait3A_109 = arith.constant 0 : i32
        %dma_wait3A_110 = arith.constant 0 : i32
        %dma_wait3A_111 = tpu.memref_slice %arg2[%dma_wait3A_109, %dma_wait3A_110] : memref<10240x128xf32, #tpu.memory_space<hbm>> -> memref<10240x128xf32, #tpu.memory_space<hbm>>
        tpu.wait_indirect_dma semaphore(%arg11 : memref<!tpu.dma_semaphore, #tpu.memory_space<semaphore_mem>>) src(%dma_wait3A_111 : memref<10240x128xf32, #tpu.memory_space<hbm>>) dst(%arg8 : memref<128x128xf32, #tpu.memory_space<vmem>>)
        %dma_start3A_112 = arith.constant 0 : i32
        %dma_start3A_113 = tpu.memref_slice %arg7[%add3A_105, %dma_start3A_112] : memref<64x128xi32, #tpu.memory_space<vmem>> -> memref<1x128xi32, #tpu.memory_space<vmem>>
        %dma_start3A_114 = tpu.memref_squeeze %dma_start3A_113 : memref<1x128xi32, #tpu.memory_space<vmem>> -> memref<128xi32, #tpu.memory_space<vmem>>
        %dma_start3A_115 = arith.constant 0 : i32
        %dma_start3A_116 = arith.constant 0 : i32
        %dma_start3A_117 = tpu.memref_slice %arg10[%dma_start3A_115, %dma_start3A_116] : memref<10240x128xf32, #tpu.memory_space<vmem_shared>> -> memref<10240x128xf32, #tpu.memory_space<vmem_shared>>
        tpu.enqueue_indirect_dma source(%arg8 : memref<128x128xf32, #tpu.memory_space<vmem>>) target(%dma_start3A_117 : memref<10240x128xf32, #tpu.memory_space<vmem_shared>>) offsets(%dma_start3A_114 : memref<128xi32, #tpu.memory_space<vmem>>) semaphore(%arg13 : memref<!tpu.dma_semaphore, #tpu.memory_space<semaphore_mem>>) {add = true}
        %add3A_118 = arith.constant 1 : i32
        %add3A_119 = arith.addi %add3A_105, %add3A_118 : i32
        %dma_wait3A_120 = arith.constant 0 : i32
        %dma_wait3A_121 = tpu.memref_slice %arg6[%add3A_119, %dma_wait3A_120] : memref<64x128xi32, #tpu.memory_space<vmem>> -> memref<1x128xi32, #tpu.memory_space<vmem>>
        %dma_wait3A_122 = tpu.memref_squeeze %dma_wait3A_121 : memref<1x128xi32, #tpu.memory_space<vmem>> -> memref<128xi32, #tpu.memory_space<vmem>>
        %dma_wait3A_123 = arith.constant 0 : i32
        %dma_wait3A_124 = arith.constant 0 : i32
        %dma_wait3A_125 = tpu.memref_slice %arg2[%dma_wait3A_123, %dma_wait3A_124] : memref<10240x128xf32, #tpu.memory_space<hbm>> -> memref<10240x128xf32, #tpu.memory_space<hbm>>
        tpu.wait_indirect_dma semaphore(%arg12 : memref<!tpu.dma_semaphore, #tpu.memory_space<semaphore_mem>>) src(%dma_wait3A_125 : memref<10240x128xf32, #tpu.memory_space<hbm>>) dst(%arg9 : memref<128x128xf32, #tpu.memory_space<vmem>>)
        %add3A_126 = arith.constant 1 : i32
        %add3A_127 = arith.addi %add3A_105, %add3A_126 : i32
        %dma_start3A_128 = arith.constant 0 : i32
        %dma_start3A_129 = tpu.memref_slice %arg7[%add3A_127, %dma_start3A_128] : memref<64x128xi32, #tpu.memory_space<vmem>> -> memref<1x128xi32, #tpu.memory_space<vmem>>
        %dma_start3A_130 = tpu.memref_squeeze %dma_start3A_129 : memref<1x128xi32, #tpu.memory_space<vmem>> -> memref<128xi32, #tpu.memory_space<vmem>>
        %dma_start3A_131 = arith.constant 0 : i32
        %dma_start3A_132 = arith.constant 0 : i32
        %dma_start3A_133 = tpu.memref_slice %arg10[%dma_start3A_131, %dma_start3A_132] : memref<10240x128xf32, #tpu.memory_space<vmem_shared>> -> memref<10240x128xf32, #tpu.memory_space<vmem_shared>>
        tpu.enqueue_indirect_dma source(%arg9 : memref<128x128xf32, #tpu.memory_space<vmem>>) target(%dma_start3A_133 : memref<10240x128xf32, #tpu.memory_space<vmem_shared>>) offsets(%dma_start3A_130 : memref<128xi32, #tpu.memory_space<vmem>>) semaphore(%arg14 : memref<!tpu.dma_semaphore, #tpu.memory_space<semaphore_mem>>) {add = true}
        %dma_wait3A_134 = arith.constant 0 : i32
        %dma_wait3A_135 = tpu.memref_slice %arg7[%add3A_105, %dma_wait3A_134] : memref<64x128xi32, #tpu.memory_space<vmem>> -> memref<1x128xi32, #tpu.memory_space<vmem>>
        %dma_wait3A_136 = tpu.memref_squeeze %dma_wait3A_135 : memref<1x128xi32, #tpu.memory_space<vmem>> -> memref<128xi32, #tpu.memory_space<vmem>>
        %dma_wait3A_137 = arith.constant 0 : i32
        %dma_wait3A_138 = arith.constant 0 : i32
        %dma_wait3A_139 = tpu.memref_slice %arg10[%dma_wait3A_137, %dma_wait3A_138] : memref<10240x128xf32, #tpu.memory_space<vmem_shared>> -> memref<10240x128xf32, #tpu.memory_space<vmem_shared>>
        tpu.wait_indirect_dma semaphore(%arg13 : memref<!tpu.dma_semaphore, #tpu.memory_space<semaphore_mem>>) src(%arg8 : memref<128x128xf32, #tpu.memory_space<vmem>>) dst(%dma_wait3A_139 : memref<10240x128xf32, #tpu.memory_space<vmem_shared>>)
        %add3A_140 = arith.constant 2 : i32
        %add3A_141 = arith.addi %add3A_105, %add3A_140 : i32
        %dma_start3A_142 = arith.constant 0 : i32
        %dma_start3A_143 = tpu.memref_slice %arg6[%add3A_141, %dma_start3A_142] : memref<64x128xi32, #tpu.memory_space<vmem>> -> memref<1x128xi32, #tpu.memory_space<vmem>>
        %dma_start3A_144 = tpu.memref_squeeze %dma_start3A_143 : memref<1x128xi32, #tpu.memory_space<vmem>> -> memref<128xi32, #tpu.memory_space<vmem>>
        %dma_start3A_145 = arith.constant 0 : i32
        %dma_start3A_146 = arith.constant 0 : i32
        %dma_start3A_147 = tpu.memref_slice %arg2[%dma_start3A_145, %dma_start3A_146] : memref<10240x128xf32, #tpu.memory_space<hbm>> -> memref<10240x128xf32, #tpu.memory_space<hbm>>
        tpu.enqueue_indirect_dma source(%dma_start3A_147 : memref<10240x128xf32, #tpu.memory_space<hbm>>) target(%arg8 : memref<128x128xf32, #tpu.memory_space<vmem>>) offsets(%dma_start3A_144 : memref<128xi32, #tpu.memory_space<vmem>>) semaphore(%arg11 : memref<!tpu.dma_semaphore, #tpu.memory_space<semaphore_mem>>)
        %add3A_148 = arith.constant 1 : i32
        %add3A_149 = arith.addi %add3A_105, %add3A_148 : i32
        %dma_wait3A_150 = arith.constant 0 : i32
        %dma_wait3A_151 = tpu.memref_slice %arg7[%add3A_149, %dma_wait3A_150] : memref<64x128xi32, #tpu.memory_space<vmem>> -> memref<1x128xi32, #tpu.memory_space<vmem>>
        %dma_wait3A_152 = tpu.memref_squeeze %dma_wait3A_151 : memref<1x128xi32, #tpu.memory_space<vmem>> -> memref<128xi32, #tpu.memory_space<vmem>>
        %dma_wait3A_153 = arith.constant 0 : i32
        %dma_wait3A_154 = arith.constant 0 : i32
        %dma_wait3A_155 = tpu.memref_slice %arg10[%dma_wait3A_153, %dma_wait3A_154] : memref<10240x128xf32, #tpu.memory_space<vmem_shared>> -> memref<10240x128xf32, #tpu.memory_space<vmem_shared>>
        tpu.wait_indirect_dma semaphore(%arg14 : memref<!tpu.dma_semaphore, #tpu.memory_space<semaphore_mem>>) src(%arg9 : memref<128x128xf32, #tpu.memory_space<vmem>>) dst(%dma_wait3A_155 : memref<10240x128xf32, #tpu.memory_space<vmem_shared>>)
        %add3A_156 = arith.constant 3 : i32
        %add3A_157 = arith.addi %add3A_105, %add3A_156 : i32
        %dma_start3A_158 = arith.constant 0 : i32
        %dma_start3A_159 = tpu.memref_slice %arg6[%add3A_157, %dma_start3A_158] : memref<64x128xi32, #tpu.memory_space<vmem>> -> memref<1x128xi32, #tpu.memory_space<vmem>>
        %dma_start3A_160 = tpu.memref_squeeze %dma_start3A_159 : memref<1x128xi32, #tpu.memory_space<vmem>> -> memref<128xi32, #tpu.memory_space<vmem>>
        %dma_start3A_161 = arith.constant 0 : i32
        %dma_start3A_162 = arith.constant 0 : i32
        %dma_start3A_163 = tpu.memref_slice %arg2[%dma_start3A_161, %dma_start3A_162] : memref<10240x128xf32, #tpu.memory_space<hbm>> -> memref<10240x128xf32, #tpu.memory_space<hbm>>
        tpu.enqueue_indirect_dma source(%dma_start3A_163 : memref<10240x128xf32, #tpu.memory_space<hbm>>) target(%arg9 : memref<128x128xf32, #tpu.memory_space<vmem>>) offsets(%dma_start3A_160 : memref<128xi32, #tpu.memory_space<vmem>>) semaphore(%arg12 : memref<!tpu.dma_semaphore, #tpu.memory_space<semaphore_mem>>)
      }
      %scan3A_59 = arith.constant 31 : i32
      %dma_wait3A = arith.constant 62 : i32
      %dma_wait3A_60 = arith.constant 0 : i32
      %dma_wait3A_61 = tpu.memref_slice %arg6[%dma_wait3A, %dma_wait3A_60] : memref<64x128xi32, #tpu.memory_space<vmem>> -> memref<1x128xi32, #tpu.memory_space<vmem>>
      %dma_wait3A_62 = tpu.memref_squeeze %dma_wait3A_61 : memref<1x128xi32, #tpu.memory_space<vmem>> -> memref<128xi32, #tpu.memory_space<vmem>>
      %dma_wait3A_63 = arith.constant 0 : i32
      %dma_wait3A_64 = arith.constant 0 : i32
      %dma_wait3A_65 = tpu.memref_slice %arg2[%dma_wait3A_63, %dma_wait3A_64] : memref<10240x128xf32, #tpu.memory_space<hbm>> -> memref<10240x128xf32, #tpu.memory_space<hbm>>
      tpu.wait_indirect_dma semaphore(%arg11 : memref<!tpu.dma_semaphore, #tpu.memory_space<semaphore_mem>>) src(%dma_wait3A_65 : memref<10240x128xf32, #tpu.memory_space<hbm>>) dst(%arg8 : memref<128x128xf32, #tpu.memory_space<vmem>>)
      %dma_start3A_66 = arith.constant 62 : i32
      %dma_start3A_67 = arith.constant 0 : i32
      %dma_start3A_68 = tpu.memref_slice %arg7[%dma_start3A_66, %dma_start3A_67] : memref<64x128xi32, #tpu.memory_space<vmem>> -> memref<1x128xi32, #tpu.memory_space<vmem>>
      %dma_start3A_69 = tpu.memref_squeeze %dma_start3A_68 : memref<1x128xi32, #tpu.memory_space<vmem>> -> memref<128xi32, #tpu.memory_space<vmem>>
      %dma_start3A_70 = arith.constant 0 : i32
      %dma_start3A_71 = arith.constant 0 : i32
      %dma_start3A_72 = tpu.memref_slice %arg10[%dma_start3A_70, %dma_start3A_71] : memref<10240x128xf32, #tpu.memory_space<vmem_shared>> -> memref<10240x128xf32, #tpu.memory_space<vmem_shared>>
      tpu.enqueue_indirect_dma source(%arg8 : memref<128x128xf32, #tpu.memory_space<vmem>>) target(%dma_start3A_72 : memref<10240x128xf32, #tpu.memory_space<vmem_shared>>) offsets(%dma_start3A_69 : memref<128xi32, #tpu.memory_space<vmem>>) semaphore(%arg13 : memref<!tpu.dma_semaphore, #tpu.memory_space<semaphore_mem>>) {add = true}
      %dma_wait3A_73 = arith.constant 63 : i32
      %dma_wait3A_74 = arith.constant 0 : i32
      %dma_wait3A_75 = tpu.memref_slice %arg6[%dma_wait3A_73, %dma_wait3A_74] : memref<64x128xi32, #tpu.memory_space<vmem>> -> memref<1x128xi32, #tpu.memory_space<vmem>>
      %dma_wait3A_76 = tpu.memref_squeeze %dma_wait3A_75 : memref<1x128xi32, #tpu.memory_space<vmem>> -> memref<128xi32, #tpu.memory_space<vmem>>
      %dma_wait3A_77 = arith.constant 0 : i32
      %dma_wait3A_78 = arith.constant 0 : i32
      %dma_wait3A_79 = tpu.memref_slice %arg2[%dma_wait3A_77, %dma_wait3A_78] : memref<10240x128xf32, #tpu.memory_space<hbm>> -> memref<10240x128xf32, #tpu.memory_space<hbm>>
      tpu.wait_indirect_dma semaphore(%arg12 : memref<!tpu.dma_semaphore, #tpu.memory_space<semaphore_mem>>) src(%dma_wait3A_79 : memref<10240x128xf32, #tpu.memory_space<hbm>>) dst(%arg9 : memref<128x128xf32, #tpu.memory_space<vmem>>)
      %dma_start3A_80 = arith.constant 63 : i32
      %dma_start3A_81 = arith.constant 0 : i32
      %dma_start3A_82 = tpu.memref_slice %arg7[%dma_start3A_80, %dma_start3A_81] : memref<64x128xi32, #tpu.memory_space<vmem>> -> memref<1x128xi32, #tpu.memory_space<vmem>>
      %dma_start3A_83 = tpu.memref_squeeze %dma_start3A_82 : memref<1x128xi32, #tpu.memory_space<vmem>> -> memref<128xi32, #tpu.memory_space<vmem>>
      %dma_start3A_84 = arith.constant 0 : i32
      %dma_start3A_85 = arith.constant 0 : i32
      %dma_start3A_86 = tpu.memref_slice %arg10[%dma_start3A_84, %dma_start3A_85] : memref<10240x128xf32, #tpu.memory_space<vmem_shared>> -> memref<10240x128xf32, #tpu.memory_space<vmem_shared>>
      tpu.enqueue_indirect_dma source(%arg9 : memref<128x128xf32, #tpu.memory_space<vmem>>) target(%dma_start3A_86 : memref<10240x128xf32, #tpu.memory_space<vmem_shared>>) offsets(%dma_start3A_83 : memref<128xi32, #tpu.memory_space<vmem>>) semaphore(%arg14 : memref<!tpu.dma_semaphore, #tpu.memory_space<semaphore_mem>>) {add = true}
      %dma_wait3A_87 = arith.constant 62 : i32
      %dma_wait3A_88 = arith.constant 0 : i32
      %dma_wait3A_89 = tpu.memref_slice %arg7[%dma_wait3A_87, %dma_wait3A_88] : memref<64x128xi32, #tpu.memory_space<vmem>> -> memref<1x128xi32, #tpu.memory_space<vmem>>
      %dma_wait3A_90 = tpu.memref_squeeze %dma_wait3A_89 : memref<1x128xi32, #tpu.memory_space<vmem>> -> memref<128xi32, #tpu.memory_space<vmem>>
      %dma_wait3A_91 = arith.constant 0 : i32
      %dma_wait3A_92 = arith.constant 0 : i32
      %dma_wait3A_93 = tpu.memref_slice %arg10[%dma_wait3A_91, %dma_wait3A_92] : memref<10240x128xf32, #tpu.memory_space<vmem_shared>> -> memref<10240x128xf32, #tpu.memory_space<vmem_shared>>
      tpu.wait_indirect_dma semaphore(%arg13 : memref<!tpu.dma_semaphore, #tpu.memory_space<semaphore_mem>>) src(%arg8 : memref<128x128xf32, #tpu.memory_space<vmem>>) dst(%dma_wait3A_93 : memref<10240x128xf32, #tpu.memory_space<vmem_shared>>)
      %dma_wait3A_94 = arith.constant 63 : i32
      %dma_wait3A_95 = arith.constant 0 : i32
      %dma_wait3A_96 = tpu.memref_slice %arg7[%dma_wait3A_94, %dma_wait3A_95] : memref<64x128xi32, #tpu.memory_space<vmem>> -> memref<1x128xi32, #tpu.memory_space<vmem>>
      %dma_wait3A_97 = tpu.memref_squeeze %dma_wait3A_96 : memref<1x128xi32, #tpu.memory_space<vmem>> -> memref<128xi32, #tpu.memory_space<vmem>>
      %dma_wait3A_98 = arith.constant 0 : i32
      %dma_wait3A_99 = arith.constant 0 : i32
      %dma_wait3A_100 = tpu.memref_slice %arg10[%dma_wait3A_98, %dma_wait3A_99] : memref<10240x128xf32, #tpu.memory_space<vmem_shared>> -> memref<10240x128xf32, #tpu.memory_space<vmem_shared>>
      tpu.wait_indirect_dma semaphore(%arg14 : memref<!tpu.dma_semaphore, #tpu.memory_space<semaphore_mem>>) src(%arg9 : memref<128x128xf32, #tpu.memory_space<vmem>>) dst(%dma_wait3A_100 : memref<10240x128xf32, #tpu.memory_space<vmem_shared>>)
    } else {
    }
    %eq3A_32 = arith.constant 1 : i32
    %eq3A_33 = arith.cmpi eq, %arg0, %eq3A_32 : i32
    %convert_element_type3A_34 = arith.extui %eq3A_33 : i1 to i32
    %cond3A_35 = arith.constant 0 : i32
    %cond3A_36 = arith.cmpi ne, %convert_element_type3A_34, %cond3A_35 : i32
    scf.if %cond3A_36 {
      %dma_start3A = arith.constant 0 : i32
      %dma_start3A_42 = arith.constant 0 : i32
      %dma_start3A_43 = tpu.memref_slice %arg6[%dma_start3A, %dma_start3A_42] : memref<64x128xi32, #tpu.memory_space<vmem>> -> memref<1x128xi32, #tpu.memory_space<vmem>>
      %dma_start3A_44 = tpu.memref_squeeze %dma_start3A_43 : memref<1x128xi32, #tpu.memory_space<vmem>> -> memref<128xi32, #tpu.memory_space<vmem>>
      %dma_start3A_45 = arith.constant 0 : i32
      %dma_start3A_46 = arith.constant 0 : i32
      %dma_start3A_47 = tpu.memref_slice %arg2[%dma_start3A_45, %dma_start3A_46] : memref<10240x128xf32, #tpu.memory_space<hbm>> -> memref<10240x128xf32, #tpu.memory_space<hbm>>
      tpu.enqueue_indirect_dma source(%dma_start3A_47 : memref<10240x128xf32, #tpu.memory_space<hbm>>) target(%arg8 : memref<128x128xf32, #tpu.memory_space<vmem>>) offsets(%dma_start3A_44 : memref<128xi32, #tpu.memory_space<vmem>>) semaphore(%arg11 : memref<!tpu.dma_semaphore, #tpu.memory_space<semaphore_mem>>)
      %dma_start3A_48 = arith.constant 1 : i32
      %dma_start3A_49 = arith.constant 0 : i32
      %dma_start3A_50 = tpu.memref_slice %arg6[%dma_start3A_48, %dma_start3A_49] : memref<64x128xi32, #tpu.memory_space<vmem>> -> memref<1x128xi32, #tpu.memory_space<vmem>>
      %dma_start3A_51 = tpu.memref_squeeze %dma_start3A_50 : memref<1x128xi32, #tpu.memory_space<vmem>> -> memref<128xi32, #tpu.memory_space<vmem>>
      %dma_start3A_52 = arith.constant 0 : i32
      %dma_start3A_53 = arith.constant 0 : i32
      %dma_start3A_54 = tpu.memref_slice %arg2[%dma_start3A_52, %dma_start3A_53] : memref<10240x128xf32, #tpu.memory_space<hbm>> -> memref<10240x128xf32, #tpu.memory_space<hbm>>
      tpu.enqueue_indirect_dma source(%dma_start3A_54 : memref<10240x128xf32, #tpu.memory_space<hbm>>) target(%arg9 : memref<128x128xf32, #tpu.memory_space<vmem>>) offsets(%dma_start3A_51 : memref<128xi32, #tpu.memory_space<vmem>>) semaphore(%arg12 : memref<!tpu.dma_semaphore, #tpu.memory_space<semaphore_mem>>)
      %scan3A_55 = arith.constant 0 : i32
      %scan3A_56 = arith.constant 7 : i32
      %scan3A_57 = arith.addi %scan3A_55, %scan3A_56 : i32
      %scan3A_58 = arith.constant 1 : i32
      scf.for %scan3A_101 = %scan3A_55 to %scan3A_57 step %scan3A_58  : i32 {
        %mul3A_102 = arith.constant 2 : i32
        %mul3A_103 = arith.muli %scan3A_101, %mul3A_102 : i32
        %add3A_104 = arith.constant 0 : i32
        %add3A_105 = arith.addi %add3A_104, %mul3A_103 : i32
        %dma_wait3A_106 = arith.constant 0 : i32
        %dma_wait3A_107 = tpu.memref_slice %arg6[%add3A_105, %dma_wait3A_106] : memref<64x128xi32, #tpu.memory_space<vmem>> -> memref<1x128xi32, #tpu.memory_space<vmem>>
        %dma_wait3A_108 = tpu.memref_squeeze %dma_wait3A_107 : memref<1x128xi32, #tpu.memory_space<vmem>> -> memref<128xi32, #tpu.memory_space<vmem>>
        %dma_wait3A_109 = arith.constant 0 : i32
        %dma_wait3A_110 = arith.constant 0 : i32
        %dma_wait3A_111 = tpu.memref_slice %arg2[%dma_wait3A_109, %dma_wait3A_110] : memref<10240x128xf32, #tpu.memory_space<hbm>> -> memref<10240x128xf32, #tpu.memory_space<hbm>>
        tpu.wait_indirect_dma semaphore(%arg11 : memref<!tpu.dma_semaphore, #tpu.memory_space<semaphore_mem>>) src(%dma_wait3A_111 : memref<10240x128xf32, #tpu.memory_space<hbm>>) dst(%arg8 : memref<128x128xf32, #tpu.memory_space<vmem>>)
        %dma_start3A_112 = arith.constant 0 : i32
        %dma_start3A_113 = tpu.memref_slice %arg7[%add3A_105, %dma_start3A_112] : memref<64x128xi32, #tpu.memory_space<vmem>> -> memref<1x128xi32, #tpu.memory_space<vmem>>
        %dma_start3A_114 = tpu.memref_squeeze %dma_start3A_113 : memref<1x128xi32, #tpu.memory_space<vmem>> -> memref<128xi32, #tpu.memory_space<vmem>>
        %dma_start3A_115 = arith.constant 0 : i32
        %dma_start3A_116 = arith.constant 0 : i32
        %dma_start3A_117 = tpu.memref_slice %arg10[%dma_start3A_115, %dma_start3A_116] : memref<10240x128xf32, #tpu.memory_space<vmem_shared>> -> memref<10240x128xf32, #tpu.memory_space<vmem_shared>>
        tpu.enqueue_indirect_dma source(%arg8 : memref<128x128xf32, #tpu.memory_space<vmem>>) target(%dma_start3A_117 : memref<10240x128xf32, #tpu.memory_space<vmem_shared>>) offsets(%dma_start3A_114 : memref<128xi32, #tpu.memory_space<vmem>>) semaphore(%arg13 : memref<!tpu.dma_semaphore, #tpu.memory_space<semaphore_mem>>) {add = true}
        %add3A_118 = arith.constant 1 : i32
        %add3A_119 = arith.addi %add3A_105, %add3A_118 : i32
        %dma_wait3A_120 = arith.constant 0 : i32
        %dma_wait3A_121 = tpu.memref_slice %arg6[%add3A_119, %dma_wait3A_120] : memref<64x128xi32, #tpu.memory_space<vmem>> -> memref<1x128xi32, #tpu.memory_space<vmem>>
        %dma_wait3A_122 = tpu.memref_squeeze %dma_wait3A_121 : memref<1x128xi32, #tpu.memory_space<vmem>> -> memref<128xi32, #tpu.memory_space<vmem>>
        %dma_wait3A_123 = arith.constant 0 : i32
        %dma_wait3A_124 = arith.constant 0 : i32
        %dma_wait3A_125 = tpu.memref_slice %arg2[%dma_wait3A_123, %dma_wait3A_124] : memref<10240x128xf32, #tpu.memory_space<hbm>> -> memref<10240x128xf32, #tpu.memory_space<hbm>>
        tpu.wait_indirect_dma semaphore(%arg12 : memref<!tpu.dma_semaphore, #tpu.memory_space<semaphore_mem>>) src(%dma_wait3A_125 : memref<10240x128xf32, #tpu.memory_space<hbm>>) dst(%arg9 : memref<128x128xf32, #tpu.memory_space<vmem>>)
        %add3A_126 = arith.constant 1 : i32
        %add3A_127 = arith.addi %add3A_105, %add3A_126 : i32
        %dma_start3A_128 = arith.constant 0 : i32
        %dma_start3A_129 = tpu.memref_slice %arg7[%add3A_127, %dma_start3A_128] : memref<64x128xi32, #tpu.memory_space<vmem>> -> memref<1x128xi32, #tpu.memory_space<vmem>>
        %dma_start3A_130 = tpu.memref_squeeze %dma_start3A_129 : memref<1x128xi32, #tpu.memory_space<vmem>> -> memref<128xi32, #tpu.memory_space<vmem>>
        %dma_start3A_131 = arith.constant 0 : i32
        %dma_start3A_132 = arith.constant 0 : i32
        %dma_start3A_133 = tpu.memref_slice %arg10[%dma_start3A_131, %dma_start3A_132] : memref<10240x128xf32, #tpu.memory_space<vmem_shared>> -> memref<10240x128xf32, #tpu.memory_space<vmem_shared>>
        tpu.enqueue_indirect_dma source(%arg9 : memref<128x128xf32, #tpu.memory_space<vmem>>) target(%dma_start3A_133 : memref<10240x128xf32, #tpu.memory_space<vmem_shared>>) offsets(%dma_start3A_130 : memref<128xi32, #tpu.memory_space<vmem>>) semaphore(%arg14 : memref<!tpu.dma_semaphore, #tpu.memory_space<semaphore_mem>>) {add = true}
        %dma_wait3A_134 = arith.constant 0 : i32
        %dma_wait3A_135 = tpu.memref_slice %arg7[%add3A_105, %dma_wait3A_134] : memref<64x128xi32, #tpu.memory_space<vmem>> -> memref<1x128xi32, #tpu.memory_space<vmem>>
        %dma_wait3A_136 = tpu.memref_squeeze %dma_wait3A_135 : memref<1x128xi32, #tpu.memory_space<vmem>> -> memref<128xi32, #tpu.memory_space<vmem>>
        %dma_wait3A_137 = arith.constant 0 : i32
        %dma_wait3A_138 = arith.constant 0 : i32
        %dma_wait3A_139 = tpu.memref_slice %arg10[%dma_wait3A_137, %dma_wait3A_138] : memref<10240x128xf32, #tpu.memory_space<vmem_shared>> -> memref<10240x128xf32, #tpu.memory_space<vmem_shared>>
        tpu.wait_indirect_dma semaphore(%arg13 : memref<!tpu.dma_semaphore, #tpu.memory_space<semaphore_mem>>) src(%arg8 : memref<128x128xf32, #tpu.memory_space<vmem>>) dst(%dma_wait3A_139 : memref<10240x128xf32, #tpu.memory_space<vmem_shared>>)
        %add3A_140 = arith.constant 2 : i32
        %add3A_141 = arith.addi %add3A_105, %add3A_140 : i32
        %dma_start3A_142 = arith.constant 0 : i32
        %dma_start3A_143 = tpu.memref_slice %arg6[%add3A_141, %dma_start3A_142] : memref<64x128xi32, #tpu.memory_space<vmem>> -> memref<1x128xi32, #tpu.memory_space<vmem>>
        %dma_start3A_144 = tpu.memref_squeeze %dma_start3A_143 : memref<1x128xi32, #tpu.memory_space<vmem>> -> memref<128xi32, #tpu.memory_space<vmem>>
        %dma_start3A_145 = arith.constant 0 : i32
        %dma_start3A_146 = arith.constant 0 : i32
        %dma_start3A_147 = tpu.memref_slice %arg2[%dma_start3A_145, %dma_start3A_146] : memref<10240x128xf32, #tpu.memory_space<hbm>> -> memref<10240x128xf32, #tpu.memory_space<hbm>>
        tpu.enqueue_indirect_dma source(%dma_start3A_147 : memref<10240x128xf32, #tpu.memory_space<hbm>>) target(%arg8 : memref<128x128xf32, #tpu.memory_space<vmem>>) offsets(%dma_start3A_144 : memref<128xi32, #tpu.memory_space<vmem>>) semaphore(%arg11 : memref<!tpu.dma_semaphore, #tpu.memory_space<semaphore_mem>>)
        %add3A_148 = arith.constant 1 : i32
        %add3A_149 = arith.addi %add3A_105, %add3A_148 : i32
        %dma_wait3A_150 = arith.constant 0 : i32
        %dma_wait3A_151 = tpu.memref_slice %arg7[%add3A_149, %dma_wait3A_150] : memref<64x128xi32, #tpu.memory_space<vmem>> -> memref<1x128xi32, #tpu.memory_space<vmem>>
        %dma_wait3A_152 = tpu.memref_squeeze %dma_wait3A_151 : memref<1x128xi32, #tpu.memory_space<vmem>> -> memref<128xi32, #tpu.memory_space<vmem>>
        %dma_wait3A_153 = arith.constant 0 : i32
        %dma_wait3A_154 = arith.constant 0 : i32
        %dma_wait3A_155 = tpu.memref_slice %arg10[%dma_wait3A_153, %dma_wait3A_154] : memref<10240x128xf32, #tpu.memory_space<vmem_shared>> -> memref<10240x128xf32, #tpu.memory_space<vmem_shared>>
        tpu.wait_indirect_dma semaphore(%arg14 : memref<!tpu.dma_semaphore, #tpu.memory_space<semaphore_mem>>) src(%arg9 : memref<128x128xf32, #tpu.memory_space<vmem>>) dst(%dma_wait3A_155 : memref<10240x128xf32, #tpu.memory_space<vmem_shared>>)
        %add3A_156 = arith.constant 3 : i32
        %add3A_157 = arith.addi %add3A_105, %add3A_156 : i32
        %dma_start3A_158 = arith.constant 0 : i32
        %dma_start3A_159 = tpu.memref_slice %arg6[%add3A_157, %dma_start3A_158] : memref<64x128xi32, #tpu.memory_space<vmem>> -> memref<1x128xi32, #tpu.memory_space<vmem>>
        %dma_start3A_160 = tpu.memref_squeeze %dma_start3A_159 : memref<1x128xi32, #tpu.memory_space<vmem>> -> memref<128xi32, #tpu.memory_space<vmem>>
        %dma_start3A_161 = arith.constant 0 : i32
        %dma_start3A_162 = arith.constant 0 : i32
        %dma_start3A_163 = tpu.memref_slice %arg2[%dma_start3A_161, %dma_start3A_162] : memref<10240x128xf32, #tpu.memory_space<hbm>> -> memref<10240x128xf32, #tpu.memory_space<hbm>>
        tpu.enqueue_indirect_dma source(%dma_start3A_163 : memref<10240x128xf32, #tpu.memory_space<hbm>>) target(%arg9 : memref<128x128xf32, #tpu.memory_space<vmem>>) offsets(%dma_start3A_160 : memref<128xi32, #tpu.memory_space<vmem>>) semaphore(%arg12 : memref<!tpu.dma_semaphore, #tpu.memory_space<semaphore_mem>>)
      }
      %scan3A_59 = arith.constant 7 : i32
      %dma_wait3A = arith.constant 14 : i32
      %dma_wait3A_60 = arith.constant 0 : i32
      %dma_wait3A_61 = tpu.memref_slice %arg6[%dma_wait3A, %dma_wait3A_60] : memref<64x128xi32, #tpu.memory_space<vmem>> -> memref<1x128xi32, #tpu.memory_space<vmem>>
      %dma_wait3A_62 = tpu.memref_squeeze %dma_wait3A_61 : memref<1x128xi32, #tpu.memory_space<vmem>> -> memref<128xi32, #tpu.memory_space<vmem>>
      %dma_wait3A_63 = arith.constant 0 : i32
      %dma_wait3A_64 = arith.constant 0 : i32
      %dma_wait3A_65 = tpu.memref_slice %arg2[%dma_wait3A_63, %dma_wait3A_64] : memref<10240x128xf32, #tpu.memory_space<hbm>> -> memref<10240x128xf32, #tpu.memory_space<hbm>>
      tpu.wait_indirect_dma semaphore(%arg11 : memref<!tpu.dma_semaphore, #tpu.memory_space<semaphore_mem>>) src(%dma_wait3A_65 : memref<10240x128xf32, #tpu.memory_space<hbm>>) dst(%arg8 : memref<128x128xf32, #tpu.memory_space<vmem>>)
      %dma_start3A_66 = arith.constant 14 : i32
      %dma_start3A_67 = arith.constant 0 : i32
      %dma_start3A_68 = tpu.memref_slice %arg7[%dma_start3A_66, %dma_start3A_67] : memref<64x128xi32, #tpu.memory_space<vmem>> -> memref<1x128xi32, #tpu.memory_space<vmem>>
      %dma_start3A_69 = tpu.memref_squeeze %dma_start3A_68 : memref<1x128xi32, #tpu.memory_space<vmem>> -> memref<128xi32, #tpu.memory_space<vmem>>
      %dma_start3A_70 = arith.constant 0 : i32
      %dma_start3A_71 = arith.constant 0 : i32
      %dma_start3A_72 = tpu.memref_slice %arg10[%dma_start3A_70, %dma_start3A_71] : memref<10240x128xf32, #tpu.memory_space<vmem_shared>> -> memref<10240x128xf32, #tpu.memory_space<vmem_shared>>
      tpu.enqueue_indirect_dma source(%arg8 : memref<128x128xf32, #tpu.memory_space<vmem>>) target(%dma_start3A_72 : memref<10240x128xf32, #tpu.memory_space<vmem_shared>>) offsets(%dma_start3A_69 : memref<128xi32, #tpu.memory_space<vmem>>) semaphore(%arg13 : memref<!tpu.dma_semaphore, #tpu.memory_space<semaphore_mem>>) {add = true}
      %dma_wait3A_73 = arith.constant 15 : i32
      %dma_wait3A_74 = arith.constant 0 : i32
      %dma_wait3A_75 = tpu.memref_slice %arg6[%dma_wait3A_73, %dma_wait3A_74] : memref<64x128xi32, #tpu.memory_space<vmem>> -> memref<1x128xi32, #tpu.memory_space<vmem>>
      %dma_wait3A_76 = tpu.memref_squeeze %dma_wait3A_75 : memref<1x128xi32, #tpu.memory_space<vmem>> -> memref<128xi32, #tpu.memory_space<vmem>>
      %dma_wait3A_77 = arith.constant 0 : i32
      %dma_wait3A_78 = arith.constant 0 : i32
      %dma_wait3A_79 = tpu.memref_slice %arg2[%dma_wait3A_77, %dma_wait3A_78] : memref<10240x128xf32, #tpu.memory_space<hbm>> -> memref<10240x128xf32, #tpu.memory_space<hbm>>
      tpu.wait_indirect_dma semaphore(%arg12 : memref<!tpu.dma_semaphore, #tpu.memory_space<semaphore_mem>>) src(%dma_wait3A_79 : memref<10240x128xf32, #tpu.memory_space<hbm>>) dst(%arg9 : memref<128x128xf32, #tpu.memory_space<vmem>>)
      %dma_start3A_80 = arith.constant 15 : i32
      %dma_start3A_81 = arith.constant 0 : i32
      %dma_start3A_82 = tpu.memref_slice %arg7[%dma_start3A_80, %dma_start3A_81] : memref<64x128xi32, #tpu.memory_space<vmem>> -> memref<1x128xi32, #tpu.memory_space<vmem>>
      %dma_start3A_83 = tpu.memref_squeeze %dma_start3A_82 : memref<1x128xi32, #tpu.memory_space<vmem>> -> memref<128xi32, #tpu.memory_space<vmem>>
      %dma_start3A_84 = arith.constant 0 : i32
      %dma_start3A_85 = arith.constant 0 : i32
      %dma_start3A_86 = tpu.memref_slice %arg10[%dma_start3A_84, %dma_start3A_85] : memref<10240x128xf32, #tpu.memory_space<vmem_shared>> -> memref<10240x128xf32, #tpu.memory_space<vmem_shared>>
      tpu.enqueue_indirect_dma source(%arg9 : memref<128x128xf32, #tpu.memory_space<vmem>>) target(%dma_start3A_86 : memref<10240x128xf32, #tpu.memory_space<vmem_shared>>) offsets(%dma_start3A_83 : memref<128xi32, #tpu.memory_space<vmem>>) semaphore(%arg14 : memref<!tpu.dma_semaphore, #tpu.memory_space<semaphore_mem>>) {add = true}
      %dma_wait3A_87 = arith.constant 14 : i32
      %dma_wait3A_88 = arith.constant 0 : i32
      %dma_wait3A_89 = tpu.memref_slice %arg7[%dma_wait3A_87, %dma_wait3A_88] : memref<64x128xi32, #tpu.memory_space<vmem>> -> memref<1x128xi32, #tpu.memory_space<vmem>>
      %dma_wait3A_90 = tpu.memref_squeeze %dma_wait3A_89 : memref<1x128xi32, #tpu.memory_space<vmem>> -> memref<128xi32, #tpu.memory_space<vmem>>
      %dma_wait3A_91 = arith.constant 0 : i32
      %dma_wait3A_92 = arith.constant 0 : i32
      %dma_wait3A_93 = tpu.memref_slice %arg10[%dma_wait3A_91, %dma_wait3A_92] : memref<10240x128xf32, #tpu.memory_space<vmem_shared>> -> memref<10240x128xf32, #tpu.memory_space<vmem_shared>>
      tpu.wait_indirect_dma semaphore(%arg13 : memref<!tpu.dma_semaphore, #tpu.memory_space<semaphore_mem>>) src(%arg8 : memref<128x128xf32, #tpu.memory_space<vmem>>) dst(%dma_wait3A_93 : memref<10240x128xf32, #tpu.memory_space<vmem_shared>>)
      %dma_wait3A_94 = arith.constant 15 : i32
      %dma_wait3A_95 = arith.constant 0 : i32
      %dma_wait3A_96 = tpu.memref_slice %arg7[%dma_wait3A_94, %dma_wait3A_95] : memref<64x128xi32, #tpu.memory_space<vmem>> -> memref<1x128xi32, #tpu.memory_space<vmem>>
      %dma_wait3A_97 = tpu.memref_squeeze %dma_wait3A_96 : memref<1x128xi32, #tpu.memory_space<vmem>> -> memref<128xi32, #tpu.memory_space<vmem>>
      %dma_wait3A_98 = arith.constant 0 : i32
      %dma_wait3A_99 = arith.constant 0 : i32
      %dma_wait3A_100 = tpu.memref_slice %arg10[%dma_wait3A_98, %dma_wait3A_99] : memref<10240x128xf32, #tpu.memory_space<vmem_shared>> -> memref<10240x128xf32, #tpu.memory_space<vmem_shared>>
      tpu.wait_indirect_dma semaphore(%arg14 : memref<!tpu.dma_semaphore, #tpu.memory_space<semaphore_mem>>) src(%arg9 : memref<128x128xf32, #tpu.memory_space<vmem>>) dst(%dma_wait3A_100 : memref<10240x128xf32, #tpu.memory_space<vmem_shared>>)
    } else {
    }
    %barrier3A_37 = arith.constant 0 : index
    tpu.barrier barrier_id(%barrier3A_37)
    %mul3A_38 = arith.constant 640 : i32
    %mul3A_39 = arith.muli %arg1, %mul3A_38 : i32
    %mul3A_40 = arith.constant 640 : i32
    %mul3A_41 = arith.muli %arg1, %mul3A_40 : i32
    "tpu.region"() ({
      %run_scoped3A = tpu.sem_alloc : memref<!tpu.dma_semaphore, #tpu.memory_space<semaphore_mem>>
      %dma_start3A = arith.constant 0 : i32
      %dma_start3A_42 = tpu.memref_slice %arg5[%arg0, %mul3A_41, %dma_start3A] : memref<2x10240x128xf32, #tpu.memory_space<hbm>> -> memref<1x640x128xf32, #tpu.memory_space<hbm>>
      %dma_start3A_43 = tpu.memref_squeeze %dma_start3A_42 : memref<1x640x128xf32, #tpu.memory_space<hbm>> -> memref<640x128xf32, #tpu.memory_space<hbm>>
      %dma_start3A_44 = arith.constant 0 : i32
      %dma_start3A_45 = tpu.memref_slice %arg10[%mul3A_39, %dma_start3A_44] : memref<10240x128xf32, #tpu.memory_space<vmem_shared>> -> memref<640x128xf32, #tpu.memory_space<vmem_shared>>
      tpu.enqueue_dma source(%dma_start3A_45 : memref<640x128xf32, #tpu.memory_space<vmem_shared>>) target(%dma_start3A_43 : memref<640x128xf32, #tpu.memory_space<hbm>>) target_semaphore(%run_scoped3A : memref<!tpu.dma_semaphore, #tpu.memory_space<semaphore_mem>>)
      %dma_wait3A = arith.constant 0 : i32
      %dma_wait3A_46 = tpu.memref_slice %arg5[%arg0, %mul3A_41, %dma_wait3A] : memref<2x10240x128xf32, #tpu.memory_space<hbm>> -> memref<1x640x128xf32, #tpu.memory_space<hbm>>
      %dma_wait3A_47 = tpu.memref_squeeze %dma_wait3A_46 : memref<1x640x128xf32, #tpu.memory_space<hbm>> -> memref<640x128xf32, #tpu.memory_space<hbm>>
      %dma_wait3A_48 = arith.constant 0 : i32
      %dma_wait3A_49 = tpu.memref_slice %arg10[%mul3A_39, %dma_wait3A_48] : memref<10240x128xf32, #tpu.memory_space<vmem_shared>> -> memref<640x128xf32, #tpu.memory_space<vmem_shared>>
      tpu.wait_dma2 semaphore(%run_scoped3A : memref<!tpu.dma_semaphore, #tpu.memory_space<semaphore_mem>>) src(%dma_wait3A_49 : memref<640x128xf32, #tpu.memory_space<vmem_shared>>) dst(%dma_wait3A_47 : memref<640x128xf32, #tpu.memory_space<hbm>>)
      tpu.yield
    }) : () -> ()
    return
  }
}

#map = affine_map<(d0, d1) -> (0, 0)>
#map1 = affine_map<(d0, d1) -> (0)>
module attributes {stable_mosaic.version = 14 : i64} {
  func.func @_deg_body(%arg0: i32, %arg1: i32, %arg2: memref<1344x128xi32, #tpu.memory_space<hbm>>, %arg3: memref<640xf32, #tpu.memory_space<hbm>>, %arg4: memref<128xf32, #tpu.memory_space<hbm>>, %arg5: memref<2x10240xf32, #tpu.memory_space<hbm>>, %arg6: memref<40x128xi32, #tpu.memory_space<vmem>>, %arg7: memref<128xf32, #tpu.memory_space<vmem>>, %arg8: memref<10240xf32, #tpu.memory_space<vmem_shared>>, %arg9: memref<!tpu.dma_semaphore, #tpu.memory_space<semaphore_mem>>) attributes {dimension_semantics = [#tpu.dimension_semantics<core_parallel>, #tpu.dimension_semantics<subcore_parallel>], iteration_bounds = array<i64: 2, 16>, scalar_prefetch = 0 : i64, scratch_operands = 4 : i64, tpu.core_type = #tpu.core_type<sc_vector_subcore>, window_params = [{transform_indices = #map}, {transform_indices = #map1}, {transform_indices = #map1}, {transform_indices = #map}]} {
    %mul3A = arith.constant 16 : i32
    %mul3A_0 = arith.muli %arg0, %mul3A : i32
    %add3A = arith.addi %mul3A_0, %arg1 : i32
    %mul3A_1 = arith.constant 640 : i32
    %mul3A_2 = arith.muli %arg1, %mul3A_1 : i32
    "tpu.region"() ({
      %run_scoped3A = tpu.sem_alloc : memref<!tpu.dma_semaphore, #tpu.memory_space<semaphore_mem>>
      %dma_start3A = tpu.memref_slice %arg8[%mul3A_2] : memref<10240xf32, #tpu.memory_space<vmem_shared>> -> memref<640xf32, #tpu.memory_space<vmem_shared>>
      tpu.enqueue_dma source(%arg3 : memref<640xf32, #tpu.memory_space<hbm>>) target(%dma_start3A : memref<640xf32, #tpu.memory_space<vmem_shared>>) target_semaphore(%run_scoped3A : memref<!tpu.dma_semaphore, #tpu.memory_space<semaphore_mem>>)
      %dma_wait3A = tpu.memref_slice %arg8[%mul3A_2] : memref<10240xf32, #tpu.memory_space<vmem_shared>> -> memref<640xf32, #tpu.memory_space<vmem_shared>>
      tpu.wait_dma2 semaphore(%run_scoped3A : memref<!tpu.dma_semaphore, #tpu.memory_space<semaphore_mem>>) src(%arg3 : memref<640xf32, #tpu.memory_space<hbm>>) dst(%dma_wait3A : memref<640xf32, #tpu.memory_space<vmem_shared>>)
      tpu.yield
    }) : () -> ()
    %mul3A_3 = arith.constant 40 : i32
    %mul3A_4 = arith.muli %add3A, %mul3A_3 : i32
    "tpu.region"() ({
      %run_scoped3A = tpu.sem_alloc : memref<!tpu.dma_semaphore, #tpu.memory_space<semaphore_mem>>
      %dma_start3A = arith.constant 0 : i32
      %dma_start3A_14 = tpu.memref_slice %arg2[%mul3A_4, %dma_start3A] : memref<1344x128xi32, #tpu.memory_space<hbm>> -> memref<40x128xi32, #tpu.memory_space<hbm>>
      %dma_start3A_15 = arith.constant 0 : i32
      %dma_start3A_16 = tpu.memref_slice %arg2[%mul3A_4, %dma_start3A_15] : memref<1344x128xi32, #tpu.memory_space<hbm>> -> memref<40x128xi32, #tpu.memory_space<hbm>>
      tpu.enqueue_dma source(%dma_start3A_16 : memref<40x128xi32, #tpu.memory_space<hbm>>) target(%arg6 : memref<40x128xi32, #tpu.memory_space<vmem>>) target_semaphore(%run_scoped3A : memref<!tpu.dma_semaphore, #tpu.memory_space<semaphore_mem>>)
      %dma_wait3A = arith.constant 0 : i32
      %dma_wait3A_17 = tpu.memref_slice %arg2[%mul3A_4, %dma_wait3A] : memref<1344x128xi32, #tpu.memory_space<hbm>> -> memref<40x128xi32, #tpu.memory_space<hbm>>
      %dma_wait3A_18 = arith.constant 0 : i32
      %dma_wait3A_19 = tpu.memref_slice %arg2[%mul3A_4, %dma_wait3A_18] : memref<1344x128xi32, #tpu.memory_space<hbm>> -> memref<40x128xi32, #tpu.memory_space<hbm>>
      tpu.wait_dma2 semaphore(%run_scoped3A : memref<!tpu.dma_semaphore, #tpu.memory_space<semaphore_mem>>) src(%dma_wait3A_19 : memref<40x128xi32, #tpu.memory_space<hbm>>) dst(%arg6 : memref<40x128xi32, #tpu.memory_space<vmem>>)
      tpu.yield
    }) : () -> ()
    "tpu.region"() ({
      %run_scoped3A = tpu.sem_alloc : memref<!tpu.dma_semaphore, #tpu.memory_space<semaphore_mem>>
      tpu.enqueue_dma source(%arg4 : memref<128xf32, #tpu.memory_space<hbm>>) target(%arg7 : memref<128xf32, #tpu.memory_space<vmem>>) target_semaphore(%run_scoped3A : memref<!tpu.dma_semaphore, #tpu.memory_space<semaphore_mem>>)
      tpu.wait_dma2 semaphore(%run_scoped3A : memref<!tpu.dma_semaphore, #tpu.memory_space<semaphore_mem>>) src(%arg4 : memref<128xf32, #tpu.memory_space<hbm>>) dst(%arg7 : memref<128xf32, #tpu.memory_space<vmem>>)
      tpu.yield
    }) : () -> ()
    %barrier3A = arith.constant 0 : index
    tpu.barrier barrier_id(%barrier3A)
    %scan3A = arith.constant 0 : i32
    %scan3A_5 = arith.constant 40 : i32
    %scan3A_6 = arith.addi %scan3A, %scan3A_5 : i32
    %scan3A_7 = arith.constant 1 : i32
    scf.for %scan3A_14 = %scan3A to %scan3A_6 step %scan3A_7  : i32 {
      %mul3A_15 = arith.constant 1 : i32
      %mul3A_16 = arith.muli %scan3A_14, %mul3A_15 : i32
      %add3A_17 = arith.constant 0 : i32
      %add3A_18 = arith.addi %add3A_17, %mul3A_16 : i32
      "tpu.region"() ({
        %run_scoped3A = tpu.sem_alloc : memref<!tpu.dma_semaphore, #tpu.memory_space<semaphore_mem>>
        %dma_start3A = arith.constant 0 : i32
        %dma_start3A_19 = tpu.memref_slice %arg6[%add3A_18, %dma_start3A] : memref<40x128xi32, #tpu.memory_space<vmem>> -> memref<1x128xi32, #tpu.memory_space<vmem>>
        %dma_start3A_20 = tpu.memref_squeeze %dma_start3A_19 : memref<1x128xi32, #tpu.memory_space<vmem>> -> memref<128xi32, #tpu.memory_space<vmem>>
        %dma_start3A_21 = arith.constant 0 : i32
        %dma_start3A_22 = tpu.memref_slice %arg8[%dma_start3A_21] : memref<10240xf32, #tpu.memory_space<vmem_shared>> -> memref<10240xf32, #tpu.memory_space<vmem_shared>>
        tpu.enqueue_indirect_dma source(%arg7 : memref<128xf32, #tpu.memory_space<vmem>>) target(%dma_start3A_22 : memref<10240xf32, #tpu.memory_space<vmem_shared>>) offsets(%dma_start3A_20 : memref<128xi32, #tpu.memory_space<vmem>>) semaphore(%run_scoped3A : memref<!tpu.dma_semaphore, #tpu.memory_space<semaphore_mem>>) {add = true}
        %dma_wait3A = arith.constant 0 : i32
        %dma_wait3A_23 = tpu.memref_slice %arg6[%add3A_18, %dma_wait3A] : memref<40x128xi32, #tpu.memory_space<vmem>> -> memref<1x128xi32, #tpu.memory_space<vmem>>
        %dma_wait3A_24 = tpu.memref_squeeze %dma_wait3A_23 : memref<1x128xi32, #tpu.memory_space<vmem>> -> memref<128xi32, #tpu.memory_space<vmem>>
        %dma_wait3A_25 = arith.constant 0 : i32
        %dma_wait3A_26 = tpu.memref_slice %arg8[%dma_wait3A_25] : memref<10240xf32, #tpu.memory_space<vmem_shared>> -> memref<10240xf32, #tpu.memory_space<vmem_shared>>
        tpu.wait_indirect_dma semaphore(%run_scoped3A : memref<!tpu.dma_semaphore, #tpu.memory_space<semaphore_mem>>) src(%arg7 : memref<128xf32, #tpu.memory_space<vmem>>) dst(%dma_wait3A_26 : memref<10240xf32, #tpu.memory_space<vmem_shared>>)
        tpu.yield
      }) : () -> ()
    }
    %scan3A_8 = arith.constant 40 : i32
    %barrier3A_9 = arith.constant 0 : index
    tpu.barrier barrier_id(%barrier3A_9)
    %mul3A_10 = arith.constant 640 : i32
    %mul3A_11 = arith.muli %arg1, %mul3A_10 : i32
    %mul3A_12 = arith.constant 640 : i32
    %mul3A_13 = arith.muli %arg1, %mul3A_12 : i32
    "tpu.region"() ({
      %run_scoped3A = tpu.sem_alloc : memref<!tpu.dma_semaphore, #tpu.memory_space<semaphore_mem>>
      %dma_start3A = tpu.memref_slice %arg5[%arg0, %mul3A_13] : memref<2x10240xf32, #tpu.memory_space<hbm>> -> memref<1x640xf32, #tpu.memory_space<hbm>>
      %dma_start3A_14 = tpu.memref_squeeze %dma_start3A : memref<1x640xf32, #tpu.memory_space<hbm>> -> memref<640xf32, #tpu.memory_space<hbm>>
      %dma_start3A_15 = tpu.memref_slice %arg8[%mul3A_11] : memref<10240xf32, #tpu.memory_space<vmem_shared>> -> memref<640xf32, #tpu.memory_space<vmem_shared>>
      tpu.enqueue_dma source(%dma_start3A_15 : memref<640xf32, #tpu.memory_space<vmem_shared>>) target(%dma_start3A_14 : memref<640xf32, #tpu.memory_space<hbm>>) target_semaphore(%run_scoped3A : memref<!tpu.dma_semaphore, #tpu.memory_space<semaphore_mem>>)
      %dma_wait3A = tpu.memref_slice %arg5[%arg0, %mul3A_13] : memref<2x10240xf32, #tpu.memory_space<hbm>> -> memref<1x640xf32, #tpu.memory_space<hbm>>
      %dma_wait3A_16 = tpu.memref_squeeze %dma_wait3A : memref<1x640xf32, #tpu.memory_space<hbm>> -> memref<640xf32, #tpu.memory_space<hbm>>
      %dma_wait3A_17 = tpu.memref_slice %arg8[%mul3A_11] : memref<10240xf32, #tpu.memory_space<vmem_shared>> -> memref<640xf32, #tpu.memory_space<vmem_shared>>
      tpu.wait_dma2 semaphore(%run_scoped3A : memref<!tpu.dma_semaphore, #tpu.memory_space<semaphore_mem>>) src(%dma_wait3A_17 : memref<640xf32, #tpu.memory_space<vmem_shared>>) dst(%dma_wait3A_16 : memref<640xf32, #tpu.memory_space<hbm>>)
      tpu.yield
    }) : () -> ()
    return
  }
}

module attributes {stable_mosaic.version = 14 : i64} {
  func.func @_tc1_body(%arg0: i32, %arg1: memref<512x256xf32, #tpu.memory_space<vmem>>, %arg2: memref<256x128xf32, #tpu.memory_space<vmem>>, %arg3: memref<1x128xf32, #tpu.memory_space<vmem>>, %arg4: memref<512x1xf32, #tpu.memory_space<vmem>>, %arg5: memref<512x1xf32, #tpu.memory_space<vmem>>, %arg6: memref<512x128xf32, #tpu.memory_space<vmem>>, %arg7: memref<512x128xf32, #tpu.memory_space<vmem>>, %arg8: memref<512x1xf32, #tpu.memory_space<vmem>>) attributes {dimension_semantics = [#tpu.dimension_semantics<arbitrary>], iteration_bounds = array<i64: 20>, scalar_prefetch = 0 : i64, scratch_operands = 0 : i64, tpu.core_type = #tpu.core_type<tc>, window_params = [{transform_indices = @transform_0, window_bounds = array<i64: 512, 256>}, {pipeline_mode = #tpu.pipeline_mode<synchronous>, transform_indices = @transform_1, window_bounds = array<i64: 256, 128>}, {pipeline_mode = #tpu.pipeline_mode<synchronous>, transform_indices = @transform_2, window_bounds = array<i64: 1, 128>}, {transform_indices = @transform_3, window_bounds = array<i64: 512, 1>}, {transform_indices = @transform_4, window_bounds = array<i64: 512, 1>}, {transform_indices = @transform_5, window_bounds = array<i64: 512, 128>}, {transform_indices = @transform_6, window_bounds = array<i64: 512, 128>}, {transform_indices = @transform_7, window_bounds = array<i64: 512, 1>}]} {
    %get3A = arith.constant 0 : index
    %get3A_0 = arith.constant 0 : index
    %get3A_1 = vector.load %arg1[%get3A, %get3A_0] : memref<512x256xf32, #tpu.memory_space<vmem>>, vector<512x256xf32>
    %get3A_2 = arith.constant 0 : index
    %get3A_3 = arith.constant 0 : index
    %get3A_4 = vector.load %arg2[%get3A_2, %get3A_3] : memref<256x128xf32, #tpu.memory_space<vmem>>, vector<256x128xf32>
    %dot_general3A = arith.constant dense<0.000000e+00> : vector<512x128xf32>
    %dot_general3A_5 = tpu.matmul %get3A_1, %get3A_4, %dot_general3A {dimension_numbers = #tpu.dot_dimension_numbers<[1], [0], [0], [1], [0, 0, 1, 1], [], []>, transpose_lhs_hint = false} : vector<512x256xf32>, vector<256x128xf32>, vector<512x128xf32> -> vector<512x128xf32>
    %get3A_6 = arith.constant 0 : index
    %get3A_7 = arith.constant 0 : index
    %get3A_8 = vector.load %arg3[%get3A_6, %get3A_7] : memref<1x128xf32, #tpu.memory_space<vmem>>, vector<1x128xf32>
    %add3A = vector.broadcast %get3A_8 : vector<1x128xf32> to vector<512x128xf32>
    %add3A_9 = arith.addf %dot_general3A_5, %add3A : vector<512x128xf32>
    %max3A = arith.constant 0.000000e+00 : f32
    %max3A_10 = vector.broadcast %max3A : f32 to vector<512x128xf32>
    %max3A_11 = arith.maximumf %add3A_9, %max3A_10 : vector<512x128xf32>
    %get3A_12 = arith.constant 0 : index
    %get3A_13 = arith.constant 0 : index
    %get3A_14 = vector.load %arg4[%get3A_12, %get3A_13] : memref<512x1xf32, #tpu.memory_space<vmem>>, vector<512x1xf32>
    %get3A_15 = arith.constant 0 : index
    %get3A_16 = arith.constant 0 : index
    %get3A_17 = vector.load %arg5[%get3A_15, %get3A_16] : memref<512x1xf32, #tpu.memory_space<vmem>>, vector<512x1xf32>
    %add3A_18 = arith.addf %get3A_14, %get3A_17 : vector<512x1xf32>
    %add3A_19 = arith.constant 1.000000e+00 : f32
    %add3A_20 = vector.broadcast %add3A_19 : f32 to vector<512x1xf32>
    %add3A_21 = arith.addf %add3A_18, %add3A_20 : vector<512x1xf32>
    %rsqrt3A = math.rsqrt %add3A_21 : vector<512x1xf32>
    %swap3A = arith.constant 0 : index
    %swap3A_22 = arith.constant 0 : index
    %swap3A_23 = vector.load %arg6[%swap3A, %swap3A_22] : memref<512x128xf32, #tpu.memory_space<vmem>>, vector<512x128xf32>
    tpu.vector_store %arg6[%swap3A, %swap3A_22], %max3A_11 {strides = array<i32>} : memref<512x128xf32, #tpu.memory_space<vmem>>, vector<512x128xf32>,
    %mul3A = vector.broadcast %rsqrt3A : vector<512x1xf32> to vector<512x128xf32>
    %mul3A_24 = arith.mulf %mul3A, %max3A_11 : vector<512x128xf32>
    %swap3A_25 = arith.constant 0 : index
    %swap3A_26 = arith.constant 0 : index
    %swap3A_27 = vector.load %arg7[%swap3A_25, %swap3A_26] : memref<512x128xf32, #tpu.memory_space<vmem>>, vector<512x128xf32>
    tpu.vector_store %arg7[%swap3A_25, %swap3A_26], %mul3A_24 {strides = array<i32>} : memref<512x128xf32, #tpu.memory_space<vmem>>, vector<512x128xf32>,
    %swap3A_28 = arith.constant 0 : index
    %swap3A_29 = arith.constant 0 : index
    %swap3A_30 = vector.load %arg8[%swap3A_28, %swap3A_29] : memref<512x1xf32, #tpu.memory_space<vmem>>, vector<512x1xf32>
    tpu.vector_store %arg8[%swap3A_28, %swap3A_29], %rsqrt3A {strides = array<i32>} : memref<512x1xf32, #tpu.memory_space<vmem>>, vector<512x1xf32>,
    return
  }
  func.func @transform_0(%arg0: i32) -> (i32, i32) {
    %c0_i32 = arith.constant 0 : i32
    %c0_i32_0 = arith.constant 0 : i32
    return %arg0, %c0_i32 : i32, i32
  }
  func.func @transform_1(%arg0: i32) -> (i32, i32) {
    %c0_i32 = arith.constant 0 : i32
    %c0_i32_0 = arith.constant 0 : i32
    %c0_i32_1 = arith.constant 0 : i32
    return %c0_i32, %c0_i32_0 : i32, i32
  }
  func.func @transform_2(%arg0: i32) -> (i32, i32) {
    %c0_i32 = arith.constant 0 : i32
    %c0_i32_0 = arith.constant 0 : i32
    %c0_i32_1 = arith.constant 0 : i32
    return %c0_i32, %c0_i32_0 : i32, i32
  }
  func.func @transform_3(%arg0: i32) -> (i32, i32) {
    %c0_i32 = arith.constant 0 : i32
    %c0_i32_0 = arith.constant 0 : i32
    return %arg0, %c0_i32 : i32, i32
  }
  func.func @transform_4(%arg0: i32) -> (i32, i32) {
    %c0_i32 = arith.constant 0 : i32
    %c0_i32_0 = arith.constant 0 : i32
    return %arg0, %c0_i32 : i32, i32
  }
  func.func @transform_5(%arg0: i32) -> (i32, i32) {
    %c0_i32 = arith.constant 0 : i32
    %c0_i32_0 = arith.constant 0 : i32
    return %arg0, %c0_i32 : i32, i32
  }
  func.func @transform_6(%arg0: i32) -> (i32, i32) {
    %c0_i32 = arith.constant 0 : i32
    %c0_i32_0 = arith.constant 0 : i32
    return %arg0, %c0_i32 : i32, i32
  }
  func.func @transform_7(%arg0: i32) -> (i32, i32) {
    %c0_i32 = arith.constant 0 : i32
    %c0_i32_0 = arith.constant 0 : i32
    return %arg0, %c0_i32 : i32, i32
  }
}

module attributes {stable_mosaic.version = 14 : i64} {
  func.func @_tc2_body(%arg0: i32, %arg1: memref<512x128xf32, #tpu.memory_space<vmem>>, %arg2: memref<512x128xf32, #tpu.memory_space<vmem>>, %arg3: memref<512x128xf32, #tpu.memory_space<vmem>>, %arg4: memref<512x1xf32, #tpu.memory_space<vmem>>, %arg5: memref<128x128xf32, #tpu.memory_space<vmem>>, %arg6: memref<1x128xf32, #tpu.memory_space<vmem>>, %arg7: memref<1x128xf32, #tpu.memory_space<vmem>>, %arg8: memref<512x128xf32, #tpu.memory_space<vmem>>, %arg9: memref<512x128xf32, #tpu.memory_space<vmem>>) attributes {dimension_semantics = [#tpu.dimension_semantics<arbitrary>], iteration_bounds = array<i64: 20>, scalar_prefetch = 0 : i64, scratch_operands = 0 : i64, tpu.core_type = #tpu.core_type<tc>, window_params = [{transform_indices = @transform_0, window_bounds = array<i64: 512, 128>}, {transform_indices = @transform_1, window_bounds = array<i64: 512, 128>}, {transform_indices = @transform_2, window_bounds = array<i64: 512, 128>}, {transform_indices = @transform_3, window_bounds = array<i64: 512, 1>}, {pipeline_mode = #tpu.pipeline_mode<synchronous>, transform_indices = @transform_4, window_bounds = array<i64: 128, 128>}, {pipeline_mode = #tpu.pipeline_mode<synchronous>, transform_indices = @transform_5, window_bounds = array<i64: 1, 128>}, {pipeline_mode = #tpu.pipeline_mode<synchronous>, transform_indices = @transform_6, window_bounds = array<i64: 1, 128>}, {transform_indices = @transform_7, window_bounds = array<i64: 512, 128>}, {transform_indices = @transform_8, window_bounds = array<i64: 512, 128>}]} {
    %get3A = arith.constant 0 : index
    %get3A_0 = arith.constant 0 : index
    %get3A_1 = vector.load %arg4[%get3A, %get3A_0] : memref<512x1xf32, #tpu.memory_space<vmem>>, vector<512x1xf32>
    %get3A_2 = arith.constant 0 : index
    %get3A_3 = arith.constant 0 : index
    %get3A_4 = vector.load %arg3[%get3A_2, %get3A_3] : memref<512x128xf32, #tpu.memory_space<vmem>>, vector<512x128xf32>
    %get3A_5 = arith.constant 0 : index
    %get3A_6 = arith.constant 0 : index
    %get3A_7 = vector.load %arg1[%get3A_5, %get3A_6] : memref<512x128xf32, #tpu.memory_space<vmem>>, vector<512x128xf32>
    %get3A_8 = arith.constant 0 : index
    %get3A_9 = arith.constant 0 : index
    %get3A_10 = vector.load %arg2[%get3A_8, %get3A_9] : memref<512x128xf32, #tpu.memory_space<vmem>>, vector<512x128xf32>
    %add3A = arith.addf %get3A_7, %get3A_10 : vector<512x128xf32>
    %mul3A = vector.broadcast %get3A_1 : vector<512x1xf32> to vector<512x128xf32>
    %mul3A_11 = arith.mulf %mul3A, %add3A : vector<512x128xf32>
    %mul3A_12 = arith.mulf %get3A_1, %get3A_1 : vector<512x1xf32>
    %mul3A_13 = vector.broadcast %mul3A_12 : vector<512x1xf32> to vector<512x128xf32>
    %mul3A_14 = arith.mulf %mul3A_13, %get3A_4 : vector<512x128xf32>
    %add3A_15 = arith.addf %mul3A_11, %mul3A_14 : vector<512x128xf32>
    %mul3A_16 = arith.constant 5.000000e-01 : f32
    %mul3A_17 = vector.broadcast %mul3A_16 : f32 to vector<512x128xf32>
    %mul3A_18 = arith.mulf %mul3A_17, %add3A_15 : vector<512x128xf32>
    %mul3A_19 = arith.constant 5.000000e-01 : f32
    %mul3A_20 = vector.broadcast %mul3A_19 : f32 to vector<512x128xf32>
    %mul3A_21 = arith.mulf %mul3A_20, %get3A_4 : vector<512x128xf32>
    %add3A_22 = arith.addf %mul3A_18, %mul3A_21 : vector<512x128xf32>
    %get3A_23 = arith.constant 0 : index
    %get3A_24 = arith.constant 0 : index
    %get3A_25 = vector.load %arg5[%get3A_23, %get3A_24] : memref<128x128xf32, #tpu.memory_space<vmem>>, vector<128x128xf32>
    %dot_general3A = arith.constant dense<0.000000e+00> : vector<512x128xf32>
    %dot_general3A_26 = tpu.matmul %add3A_22, %get3A_25, %dot_general3A {dimension_numbers = #tpu.dot_dimension_numbers<[1], [0], [0], [1], [0, 0, 1, 1], [], []>, transpose_lhs_hint = false} : vector<512x128xf32>, vector<128x128xf32>, vector<512x128xf32> -> vector<512x128xf32>
    %get3A_27 = arith.constant 0 : index
    %get3A_28 = arith.constant 0 : index
    %get3A_29 = vector.load %arg6[%get3A_27, %get3A_28] : memref<1x128xf32, #tpu.memory_space<vmem>>, vector<1x128xf32>
    %get3A_30 = arith.constant 0 : index
    %get3A_31 = arith.constant 0 : index
    %get3A_32 = vector.load %arg7[%get3A_30, %get3A_31] : memref<1x128xf32, #tpu.memory_space<vmem>>, vector<1x128xf32>
    %reduce_sum3A = arith.constant dense<0.000000e+00> : vector<512xf32>
    %reduce_sum3A_33 = vector.multi_reduction <add>, %dot_general3A_26, %reduce_sum3A [1] : vector<512x128xf32> to vector<512xf32>
    %broadcast_in_dim3A = vector.shape_cast %reduce_sum3A_33 : vector<512xf32> to vector<512x1xf32>
    %div3A = arith.constant 1.280000e+02 : f32
    %div3A_34 = vector.broadcast %div3A : f32 to vector<512x1xf32>
    %div3A_35 = arith.divf %broadcast_in_dim3A, %div3A_34 : vector<512x1xf32>
    %sub3A = vector.broadcast %div3A_35 : vector<512x1xf32> to vector<512x128xf32>
    %sub3A_36 = arith.subf %dot_general3A_26, %sub3A : vector<512x128xf32>
    %integer_pow3A = arith.mulf %sub3A_36, %sub3A_36 : vector<512x128xf32>
    %reduce_sum3A_37 = arith.constant dense<0.000000e+00> : vector<512xf32>
    %reduce_sum3A_38 = vector.multi_reduction <add>, %integer_pow3A, %reduce_sum3A_37 [1] : vector<512x128xf32> to vector<512xf32>
    %broadcast_in_dim3A_39 = vector.shape_cast %reduce_sum3A_38 : vector<512xf32> to vector<512x1xf32>
    %div3A_40 = arith.constant 1.280000e+02 : f32
    %div3A_41 = vector.broadcast %div3A_40 : f32 to vector<512x1xf32>
    %div3A_42 = arith.divf %broadcast_in_dim3A_39, %div3A_41 : vector<512x1xf32>
    %sub3A_43 = vector.broadcast %div3A_35 : vector<512x1xf32> to vector<512x128xf32>
    %sub3A_44 = arith.subf %dot_general3A_26, %sub3A_43 : vector<512x128xf32>
    %add3A_45 = arith.constant 9.99999974E-6 : f32
    %add3A_46 = vector.broadcast %add3A_45 : f32 to vector<512x1xf32>
    %add3A_47 = arith.addf %div3A_42, %add3A_46 : vector<512x1xf32>
    %rsqrt3A = math.rsqrt %add3A_47 : vector<512x1xf32>
    %mul3A_48 = vector.broadcast %rsqrt3A : vector<512x1xf32> to vector<512x128xf32>
    %mul3A_49 = arith.mulf %sub3A_44, %mul3A_48 : vector<512x128xf32>
    %mul3A_50 = vector.broadcast %get3A_29 : vector<1x128xf32> to vector<512x128xf32>
    %mul3A_51 = arith.mulf %mul3A_49, %mul3A_50 : vector<512x128xf32>
    %add3A_52 = vector.broadcast %get3A_32 : vector<1x128xf32> to vector<512x128xf32>
    %add3A_53 = arith.addf %mul3A_51, %add3A_52 : vector<512x128xf32>
    %max3A = arith.constant 0.000000e+00 : f32
    %max3A_54 = vector.broadcast %max3A : f32 to vector<512x128xf32>
    %max3A_55 = arith.maximumf %add3A_53, %max3A_54 : vector<512x128xf32>
    %swap3A = arith.constant 0 : index
    %swap3A_56 = arith.constant 0 : index
    %swap3A_57 = vector.load %arg8[%swap3A, %swap3A_56] : memref<512x128xf32, #tpu.memory_space<vmem>>, vector<512x128xf32>
    tpu.vector_store %arg8[%swap3A, %swap3A_56], %max3A_55 {strides = array<i32>} : memref<512x128xf32, #tpu.memory_space<vmem>>, vector<512x128xf32>,
    %mul3A_58 = vector.broadcast %get3A_1 : vector<512x1xf32> to vector<512x128xf32>
    %mul3A_59 = arith.mulf %mul3A_58, %max3A_55 : vector<512x128xf32>
    %swap3A_60 = arith.constant 0 : index
    %swap3A_61 = arith.constant 0 : index
    %swap3A_62 = vector.load %arg9[%swap3A_60, %swap3A_61] : memref<512x128xf32, #tpu.memory_space<vmem>>, vector<512x128xf32>
    tpu.vector_store %arg9[%swap3A_60, %swap3A_61], %mul3A_59 {strides = array<i32>} : memref<512x128xf32, #tpu.memory_space<vmem>>, vector<512x128xf32>,
    return
  }
  func.func @transform_0(%arg0: i32) -> (i32, i32) {
    %c0_i32 = arith.constant 0 : i32
    %c0_i32_0 = arith.constant 0 : i32
    return %arg0, %c0_i32 : i32, i32
  }
  func.func @transform_1(%arg0: i32) -> (i32, i32) {
    %c0_i32 = arith.constant 0 : i32
    %c0_i32_0 = arith.constant 0 : i32
    return %arg0, %c0_i32 : i32, i32
  }
  func.func @transform_2(%arg0: i32) -> (i32, i32) {
    %c0_i32 = arith.constant 0 : i32
    %c0_i32_0 = arith.constant 0 : i32
    return %arg0, %c0_i32 : i32, i32
  }
  func.func @transform_3(%arg0: i32) -> (i32, i32) {
    %c0_i32 = arith.constant 0 : i32
    %c0_i32_0 = arith.constant 0 : i32
    return %arg0, %c0_i32 : i32, i32
  }
  func.func @transform_4(%arg0: i32) -> (i32, i32) {
    %c0_i32 = arith.constant 0 : i32
    %c0_i32_0 = arith.constant 0 : i32
    %c0_i32_1 = arith.constant 0 : i32
    return %c0_i32, %c0_i32_0 : i32, i32
  }
  func.func @transform_5(%arg0: i32) -> (i32, i32) {
    %c0_i32 = arith.constant 0 : i32
    %c0_i32_0 = arith.constant 0 : i32
    %c0_i32_1 = arith.constant 0 : i32
    return %c0_i32, %c0_i32_0 : i32, i32
  }
  func.func @transform_6(%arg0: i32) -> (i32, i32) {
    %c0_i32 = arith.constant 0 : i32
    %c0_i32_0 = arith.constant 0 : i32
    %c0_i32_1 = arith.constant 0 : i32
    return %c0_i32, %c0_i32_0 : i32, i32
  }
  func.func @transform_7(%arg0: i32) -> (i32, i32) {
    %c0_i32 = arith.constant 0 : i32
    %c0_i32_0 = arith.constant 0 : i32
    return %arg0, %c0_i32 : i32, i32
  }
  func.func @transform_8(%arg0: i32) -> (i32, i32) {
    %c0_i32 = arith.constant 0 : i32
    %c0_i32_0 = arith.constant 0 : i32
    return %arg0, %c0_i32 : i32, i32
  }
}

module attributes {stable_mosaic.version = 14 : i64} {
  func.func @_tc3_body(%arg0: i32, %arg1: memref<512x128xf32, #tpu.memory_space<vmem>>, %arg2: memref<512x128xf32, #tpu.memory_space<vmem>>, %arg3: memref<512x128xf32, #tpu.memory_space<vmem>>, %arg4: memref<512x128xf32, #tpu.memory_space<vmem>>, %arg5: memref<512x1xf32, #tpu.memory_space<vmem>>, %arg6: memref<128x128xf32, #tpu.memory_space<vmem>>, %arg7: memref<1x128xf32, #tpu.memory_space<vmem>>, %arg8: memref<1x128xf32, #tpu.memory_space<vmem>>, %arg9: memref<128x32xf32, #tpu.memory_space<vmem>>, %arg10: memref<1x32xf32, #tpu.memory_space<vmem>>, %arg11: memref<1x32xf32, #tpu.memory_space<vmem>>, %arg12: memref<1x32xf32, #tpu.memory_space<vmem>>, %arg13: memref<32x64xf32, #tpu.memory_space<vmem>>, %arg14: memref<1x64xf32, #tpu.memory_space<vmem>>, %arg15: memref<512x64xf32, #tpu.memory_space<vmem>>) attributes {dimension_semantics = [#tpu.dimension_semantics<arbitrary>], iteration_bounds = array<i64: 20>, scalar_prefetch = 0 : i64, scratch_operands = 0 : i64, tpu.core_type = #tpu.core_type<tc>, window_params = [{transform_indices = @transform_0, window_bounds = array<i64: 512, 128>}, {transform_indices = @transform_1, window_bounds = array<i64: 512, 128>}, {transform_indices = @transform_2, window_bounds = array<i64: 512, 128>}, {transform_indices = @transform_3, window_bounds = array<i64: 512, 128>}, {transform_indices = @transform_4, window_bounds = array<i64: 512, 1>}, {pipeline_mode = #tpu.pipeline_mode<synchronous>, transform_indices = @transform_5, window_bounds = array<i64: 128, 128>}, {pipeline_mode = #tpu.pipeline_mode<synchronous>, transform_indices = @transform_6, window_bounds = array<i64: 1, 128>}, {pipeline_mode = #tpu.pipeline_mode<synchronous>, transform_indices = @transform_7, window_bounds = array<i64: 1, 128>}, {pipeline_mode = #tpu.pipeline_mode<synchronous>, transform_indices = @transform_8, window_bounds = array<i64: 128, 32>}, {pipeline_mode = #tpu.pipeline_mode<synchronous>, transform_indices = @transform_9, window_bounds = array<i64: 1, 32>}, {pipeline_mode = #tpu.pipeline_mode<synchronous>, transform_indices = @transform_10, window_bounds = array<i64: 1, 32>}, {pipeline_mode = #tpu.pipeline_mode<synchronous>, transform_indices = @transform_11, window_bounds = array<i64: 1, 32>}, {pipeline_mode = #tpu.pipeline_mode<synchronous>, transform_indices = @transform_12, window_bounds = array<i64: 32, 64>}, {pipeline_mode = #tpu.pipeline_mode<synchronous>, transform_indices = @transform_13, window_bounds = array<i64: 1, 64>}, {transform_indices = @transform_14, window_bounds = array<i64: 512, 64>}]} {
    %get3A = arith.constant 0 : index
    %get3A_0 = arith.constant 0 : index
    %get3A_1 = vector.load %arg5[%get3A, %get3A_0] : memref<512x1xf32, #tpu.memory_space<vmem>>, vector<512x1xf32>
    %get3A_2 = arith.constant 0 : index
    %get3A_3 = arith.constant 0 : index
    %get3A_4 = vector.load %arg3[%get3A_2, %get3A_3] : memref<512x128xf32, #tpu.memory_space<vmem>>, vector<512x128xf32>
    %get3A_5 = arith.constant 0 : index
    %get3A_6 = arith.constant 0 : index
    %get3A_7 = vector.load %arg1[%get3A_5, %get3A_6] : memref<512x128xf32, #tpu.memory_space<vmem>>, vector<512x128xf32>
    %get3A_8 = arith.constant 0 : index
    %get3A_9 = arith.constant 0 : index
    %get3A_10 = vector.load %arg2[%get3A_8, %get3A_9] : memref<512x128xf32, #tpu.memory_space<vmem>>, vector<512x128xf32>
    %add3A = arith.addf %get3A_7, %get3A_10 : vector<512x128xf32>
    %mul3A = vector.broadcast %get3A_1 : vector<512x1xf32> to vector<512x128xf32>
    %mul3A_11 = arith.mulf %mul3A, %add3A : vector<512x128xf32>
    %mul3A_12 = arith.mulf %get3A_1, %get3A_1 : vector<512x1xf32>
    %mul3A_13 = vector.broadcast %mul3A_12 : vector<512x1xf32> to vector<512x128xf32>
    %mul3A_14 = arith.mulf %mul3A_13, %get3A_4 : vector<512x128xf32>
    %add3A_15 = arith.addf %mul3A_11, %mul3A_14 : vector<512x128xf32>
    %mul3A_16 = arith.constant 5.000000e-01 : f32
    %mul3A_17 = vector.broadcast %mul3A_16 : f32 to vector<512x128xf32>
    %mul3A_18 = arith.mulf %mul3A_17, %add3A_15 : vector<512x128xf32>
    %get3A_19 = arith.constant 0 : index
    %get3A_20 = arith.constant 0 : index
    %get3A_21 = vector.load %arg4[%get3A_19, %get3A_20] : memref<512x128xf32, #tpu.memory_space<vmem>>, vector<512x128xf32>
    %mul3A_22 = arith.constant 5.000000e-01 : f32
    %mul3A_23 = vector.broadcast %mul3A_22 : f32 to vector<512x128xf32>
    %mul3A_24 = arith.mulf %mul3A_23, %get3A_21 : vector<512x128xf32>
    %add3A_25 = arith.addf %mul3A_18, %mul3A_24 : vector<512x128xf32>
    %get3A_26 = arith.constant 0 : index
    %get3A_27 = arith.constant 0 : index
    %get3A_28 = vector.load %arg6[%get3A_26, %get3A_27] : memref<128x128xf32, #tpu.memory_space<vmem>>, vector<128x128xf32>
    %dot_general3A = arith.constant dense<0.000000e+00> : vector<512x128xf32>
    %dot_general3A_29 = tpu.matmul %add3A_25, %get3A_28, %dot_general3A {dimension_numbers = #tpu.dot_dimension_numbers<[1], [0], [0], [1], [0, 0, 1, 1], [], []>, transpose_lhs_hint = false} : vector<512x128xf32>, vector<128x128xf32>, vector<512x128xf32> -> vector<512x128xf32>
    %get3A_30 = arith.constant 0 : index
    %get3A_31 = arith.constant 0 : index
    %get3A_32 = vector.load %arg7[%get3A_30, %get3A_31] : memref<1x128xf32, #tpu.memory_space<vmem>>, vector<1x128xf32>
    %get3A_33 = arith.constant 0 : index
    %get3A_34 = arith.constant 0 : index
    %get3A_35 = vector.load %arg8[%get3A_33, %get3A_34] : memref<1x128xf32, #tpu.memory_space<vmem>>, vector<1x128xf32>
    %reduce_sum3A = arith.constant dense<0.000000e+00> : vector<512xf32>
    %reduce_sum3A_36 = vector.multi_reduction <add>, %dot_general3A_29, %reduce_sum3A [1] : vector<512x128xf32> to vector<512xf32>
    %broadcast_in_dim3A = vector.shape_cast %reduce_sum3A_36 : vector<512xf32> to vector<512x1xf32>
    %div3A = arith.constant 1.280000e+02 : f32
    %div3A_37 = vector.broadcast %div3A : f32 to vector<512x1xf32>
    %div3A_38 = arith.divf %broadcast_in_dim3A, %div3A_37 : vector<512x1xf32>
    %sub3A = vector.broadcast %div3A_38 : vector<512x1xf32> to vector<512x128xf32>
    %sub3A_39 = arith.subf %dot_general3A_29, %sub3A : vector<512x128xf32>
    %integer_pow3A = arith.mulf %sub3A_39, %sub3A_39 : vector<512x128xf32>
    %reduce_sum3A_40 = arith.constant dense<0.000000e+00> : vector<512xf32>
    %reduce_sum3A_41 = vector.multi_reduction <add>, %integer_pow3A, %reduce_sum3A_40 [1] : vector<512x128xf32> to vector<512xf32>
    %broadcast_in_dim3A_42 = vector.shape_cast %reduce_sum3A_41 : vector<512xf32> to vector<512x1xf32>
    %div3A_43 = arith.constant 1.280000e+02 : f32
    %div3A_44 = vector.broadcast %div3A_43 : f32 to vector<512x1xf32>
    %div3A_45 = arith.divf %broadcast_in_dim3A_42, %div3A_44 : vector<512x1xf32>
    %sub3A_46 = vector.broadcast %div3A_38 : vector<512x1xf32> to vector<512x128xf32>
    %sub3A_47 = arith.subf %dot_general3A_29, %sub3A_46 : vector<512x128xf32>
    %add3A_48 = arith.constant 9.99999974E-6 : f32
    %add3A_49 = vector.broadcast %add3A_48 : f32 to vector<512x1xf32>
    %add3A_50 = arith.addf %div3A_45, %add3A_49 : vector<512x1xf32>
    %rsqrt3A = math.rsqrt %add3A_50 : vector<512x1xf32>
    %mul3A_51 = vector.broadcast %rsqrt3A : vector<512x1xf32> to vector<512x128xf32>
    %mul3A_52 = arith.mulf %sub3A_47, %mul3A_51 : vector<512x128xf32>
    %mul3A_53 = vector.broadcast %get3A_32 : vector<1x128xf32> to vector<512x128xf32>
    %mul3A_54 = arith.mulf %mul3A_52, %mul3A_53 : vector<512x128xf32>
    %add3A_55 = vector.broadcast %get3A_35 : vector<1x128xf32> to vector<512x128xf32>
    %add3A_56 = arith.addf %mul3A_54, %add3A_55 : vector<512x128xf32>
    %max3A = arith.constant 0.000000e+00 : f32
    %max3A_57 = vector.broadcast %max3A : f32 to vector<512x128xf32>
    %max3A_58 = arith.maximumf %add3A_56, %max3A_57 : vector<512x128xf32>
    %get3A_59 = arith.constant 0 : index
    %get3A_60 = arith.constant 0 : index
    %get3A_61 = vector.load %arg9[%get3A_59, %get3A_60] : memref<128x32xf32, #tpu.memory_space<vmem>>, vector<128x32xf32>
    %dot_general3A_62 = arith.constant dense<0.000000e+00> : vector<512x32xf32>
    %dot_general3A_63 = tpu.matmul %max3A_58, %get3A_61, %dot_general3A_62 {dimension_numbers = #tpu.dot_dimension_numbers<[1], [0], [0], [1], [0, 0, 1, 1], [], []>, transpose_lhs_hint = false} : vector<512x128xf32>, vector<128x32xf32>, vector<512x32xf32> -> vector<512x32xf32>
    %get3A_64 = arith.constant 0 : index
    %get3A_65 = arith.constant 0 : index
    %get3A_66 = vector.load %arg10[%get3A_64, %get3A_65] : memref<1x32xf32, #tpu.memory_space<vmem>>, vector<1x32xf32>
    %add3A_67 = vector.broadcast %get3A_66 : vector<1x32xf32> to vector<512x32xf32>
    %add3A_68 = arith.addf %dot_general3A_63, %add3A_67 : vector<512x32xf32>
    %get3A_69 = arith.constant 0 : index
    %get3A_70 = arith.constant 0 : index
    %get3A_71 = vector.load %arg11[%get3A_69, %get3A_70] : memref<1x32xf32, #tpu.memory_space<vmem>>, vector<1x32xf32>
    %get3A_72 = arith.constant 0 : index
    %get3A_73 = arith.constant 0 : index
    %get3A_74 = vector.load %arg12[%get3A_72, %get3A_73] : memref<1x32xf32, #tpu.memory_space<vmem>>, vector<1x32xf32>
    %reduce_sum3A_75 = arith.constant dense<0.000000e+00> : vector<512xf32>
    %reduce_sum3A_76 = vector.multi_reduction <add>, %add3A_68, %reduce_sum3A_75 [1] : vector<512x32xf32> to vector<512xf32>
    %broadcast_in_dim3A_77 = vector.shape_cast %reduce_sum3A_76 : vector<512xf32> to vector<512x1xf32>
    %div3A_78 = arith.constant 3.200000e+01 : f32
    %div3A_79 = vector.broadcast %div3A_78 : f32 to vector<512x1xf32>
    %div3A_80 = arith.divf %broadcast_in_dim3A_77, %div3A_79 : vector<512x1xf32>
    %sub3A_81 = vector.broadcast %div3A_80 : vector<512x1xf32> to vector<512x32xf32>
    %sub3A_82 = arith.subf %add3A_68, %sub3A_81 : vector<512x32xf32>
    %integer_pow3A_83 = arith.mulf %sub3A_82, %sub3A_82 : vector<512x32xf32>
    %reduce_sum3A_84 = arith.constant dense<0.000000e+00> : vector<512xf32>
    %reduce_sum3A_85 = vector.multi_reduction <add>, %integer_pow3A_83, %reduce_sum3A_84 [1] : vector<512x32xf32> to vector<512xf32>
    %broadcast_in_dim3A_86 = vector.shape_cast %reduce_sum3A_85 : vector<512xf32> to vector<512x1xf32>
    %div3A_87 = arith.constant 3.200000e+01 : f32
    %div3A_88 = vector.broadcast %div3A_87 : f32 to vector<512x1xf32>
    %div3A_89 = arith.divf %broadcast_in_dim3A_86, %div3A_88 : vector<512x1xf32>
    %sub3A_90 = vector.broadcast %div3A_80 : vector<512x1xf32> to vector<512x32xf32>
    %sub3A_91 = arith.subf %add3A_68, %sub3A_90 : vector<512x32xf32>
    %add3A_92 = arith.constant 9.99999974E-6 : f32
    %add3A_93 = vector.broadcast %add3A_92 : f32 to vector<512x1xf32>
    %add3A_94 = arith.addf %div3A_89, %add3A_93 : vector<512x1xf32>
    %rsqrt3A_95 = math.rsqrt %add3A_94 : vector<512x1xf32>
    %mul3A_96 = vector.broadcast %rsqrt3A_95 : vector<512x1xf32> to vector<512x32xf32>
    %mul3A_97 = arith.mulf %sub3A_91, %mul3A_96 : vector<512x32xf32>
    %mul3A_98 = vector.broadcast %get3A_71 : vector<1x32xf32> to vector<512x32xf32>
    %mul3A_99 = arith.mulf %mul3A_97, %mul3A_98 : vector<512x32xf32>
    %add3A_100 = vector.broadcast %get3A_74 : vector<1x32xf32> to vector<512x32xf32>
    %add3A_101 = arith.addf %mul3A_99, %add3A_100 : vector<512x32xf32>
    %max3A_102 = arith.constant 0.000000e+00 : f32
    %max3A_103 = vector.broadcast %max3A_102 : f32 to vector<512x32xf32>
    %max3A_104 = arith.maximumf %add3A_101, %max3A_103 : vector<512x32xf32>
    %get3A_105 = arith.constant 0 : index
    %get3A_106 = arith.constant 0 : index
    %get3A_107 = vector.load %arg13[%get3A_105, %get3A_106] : memref<32x64xf32, #tpu.memory_space<vmem>>, vector<32x64xf32>
    %dot_general3A_108 = arith.constant dense<0.000000e+00> : vector<512x64xf32>
    %dot_general3A_109 = tpu.matmul %max3A_104, %get3A_107, %dot_general3A_108 {dimension_numbers = #tpu.dot_dimension_numbers<[1], [0], [0], [1], [0, 0, 1, 1], [], []>, transpose_lhs_hint = false} : vector<512x32xf32>, vector<32x64xf32>, vector<512x64xf32> -> vector<512x64xf32>
    %get3A_110 = arith.constant 0 : index
    %get3A_111 = arith.constant 0 : index
    %get3A_112 = vector.load %arg14[%get3A_110, %get3A_111] : memref<1x64xf32, #tpu.memory_space<vmem>>, vector<1x64xf32>
    %add3A_113 = vector.broadcast %get3A_112 : vector<1x64xf32> to vector<512x64xf32>
    %add3A_114 = arith.addf %dot_general3A_109, %add3A_113 : vector<512x64xf32>
    %swap3A = arith.constant 0 : index
    %swap3A_115 = arith.constant 0 : index
    %swap3A_116 = vector.load %arg15[%swap3A, %swap3A_115] : memref<512x64xf32, #tpu.memory_space<vmem>>, vector<512x64xf32>
    tpu.vector_store %arg15[%swap3A, %swap3A_115], %add3A_114 {strides = array<i32>} : memref<512x64xf32, #tpu.memory_space<vmem>>, vector<512x64xf32>,
    return
  }
  func.func @transform_0(%arg0: i32) -> (i32, i32) {
    %c0_i32 = arith.constant 0 : i32
    %c0_i32_0 = arith.constant 0 : i32
    return %arg0, %c0_i32 : i32, i32
  }
  func.func @transform_1(%arg0: i32) -> (i32, i32) {
    %c0_i32 = arith.constant 0 : i32
    %c0_i32_0 = arith.constant 0 : i32
    return %arg0, %c0_i32 : i32, i32
  }
  func.func @transform_2(%arg0: i32) -> (i32, i32) {
    %c0_i32 = arith.constant 0 : i32
    %c0_i32_0 = arith.constant 0 : i32
    return %arg0, %c0_i32 : i32, i32
  }
  func.func @transform_3(%arg0: i32) -> (i32, i32) {
    %c0_i32 = arith.constant 0 : i32
    %c0_i32_0 = arith.constant 0 : i32
    return %arg0, %c0_i32 : i32, i32
  }
  func.func @transform_4(%arg0: i32) -> (i32, i32) {
    %c0_i32 = arith.constant 0 : i32
    %c0_i32_0 = arith.constant 0 : i32
    return %arg0, %c0_i32 : i32, i32
  }
  func.func @transform_5(%arg0: i32) -> (i32, i32) {
    %c0_i32 = arith.constant 0 : i32
    %c0_i32_0 = arith.constant 0 : i32
    %c0_i32_1 = arith.constant 0 : i32
    return %c0_i32, %c0_i32_0 : i32, i32
  }
  func.func @transform_6(%arg0: i32) -> (i32, i32) {
    %c0_i32 = arith.constant 0 : i32
    %c0_i32_0 = arith.constant 0 : i32
    %c0_i32_1 = arith.constant 0 : i32
    return %c0_i32, %c0_i32_0 : i32, i32
  }
  func.func @transform_7(%arg0: i32) -> (i32, i32) {
    %c0_i32 = arith.constant 0 : i32
    %c0_i32_0 = arith.constant 0 : i32
    %c0_i32_1 = arith.constant 0 : i32
    return %c0_i32, %c0_i32_0 : i32, i32
  }
  func.func @transform_8(%arg0: i32) -> (i32, i32) {
    %c0_i32 = arith.constant 0 : i32
    %c0_i32_0 = arith.constant 0 : i32
    %c0_i32_1 = arith.constant 0 : i32
    return %c0_i32, %c0_i32_0 : i32, i32
  }
  func.func @transform_9(%arg0: i32) -> (i32, i32) {
    %c0_i32 = arith.constant 0 : i32
    %c0_i32_0 = arith.constant 0 : i32
    %c0_i32_1 = arith.constant 0 : i32
    return %c0_i32, %c0_i32_0 : i32, i32
  }
  func.func @transform_10(%arg0: i32) -> (i32, i32) {
    %c0_i32 = arith.constant 0 : i32
    %c0_i32_0 = arith.constant 0 : i32
    %c0_i32_1 = arith.constant 0 : i32
    return %c0_i32, %c0_i32_0 : i32, i32
  }
  func.func @transform_11(%arg0: i32) -> (i32, i32) {
    %c0_i32 = arith.constant 0 : i32
    %c0_i32_0 = arith.constant 0 : i32
    %c0_i32_1 = arith.constant 0 : i32
    return %c0_i32, %c0_i32_0 : i32, i32
  }
  func.func @transform_12(%arg0: i32) -> (i32, i32) {
    %c0_i32 = arith.constant 0 : i32
    %c0_i32_0 = arith.constant 0 : i32
    %c0_i32_1 = arith.constant 0 : i32
    return %c0_i32, %c0_i32_0 : i32, i32
  }
  func.func @transform_13(%arg0: i32) -> (i32, i32) {
    %c0_i32 = arith.constant 0 : i32
    %c0_i32_0 = arith.constant 0 : i32
    %c0_i32_1 = arith.constant 0 : i32
    return %c0_i32, %c0_i32_0 : i32, i32
  }
  func.func @transform_14(%arg0: i32) -> (i32, i32) {
    %c0_i32 = arith.constant 0 : i32
    %c0_i32_0 = arith.constant 0 : i32
    return %arg0, %c0_i32 : i32, i32
  }
}

</mosaic_0001>

<sc_bundles>
// kernel: kernel.11.cloned.1.call-start
scs
__scs_entry_jumppad:
0x0: {  	(pc) =	sbr.rel $0x88, $3  }
0x1: {  	(tag) =	ssettag $0x0;
	lr =	simm.s32 $0x1  }
0x2: {  	[smem:$0x3F91] =	sst lr;
	_ =	strace $0xD0000000  }
0x3: {  	_ = 	snop  }
0x4: {  	_ = 	snop  }
0x5: {  	_ = 	snop  }
0x6: {  	_ = 	snop  }
0x7: {  	_ = 	snop  }
__scs_overlays_trampoline_lowered:
0x8: {  	[smem:$0x3FA0] =	sst s0  }
0x9: {  	[smem:$0x3FA1] =	sst s1  }
0xa: {  	[smem:$0x3FA2] =	sst s2  }
0xb: {  	[smem:$0x3FA3] =	sst s3  }
0xc: {  	[smem:$0x3FA4] =	sst s4  }
0xd: {  	[smem:$0x3FA5] =	sst s5  }
0xe: {  	[smem:$0x3FA6] =	sst s6  }
0xf: {  	[smem:$0x3FA7] =	sst s7  }
0x10: {  	[smem:$0x3FA8] =	sst s8  }
0x11: {  	[smem:$0x3FA9] =	sst s9;
	s0 =	simm.s32 @!p0 $0x0  }
0x12: {  	s1 =	sld [smem:$0x3F8F];
	s0 =	simm.s32 @p0 $0x1  }
0x13: {  	[smem:$0x3FAA] =	sst s0;
	s0 =	simm.s32 @!p1 $0x0  }
0x14: {  	s2 =	sld [smem:$0x3F8E];
	s0 =	simm.s32 @p1 $0x1  }
0x15: {  	[smem:$0x3FAB] =	sst s0;
	s0 =	simm.s32 @!p2 $0x0  }
0x16: {  	s3 =	sld [smem:$0x3FDB];
	s0 =	simm.s32 @p2 $0x1  }
0x17: {  	s4 =	simm.s32 $0x1BF5;
	[smem:$0x3FAD] =	sst s0  }
0x18: {  	s0 =	sld [smem:$0x3F90];
	_ =	swait.ge [sflag:s4], $0x0  }
0x19: {  	s7 =	sld [smem:$0x3F91]  }
0x1a: {  	s8 =	sadd.s32 $0xFFFFE003, lr  }
0x1b: {  	s9 =	sadd.s32 $0xFFFFFEF7, lr;
	s5 =	simm.s32 $0xFFFFFFFF;
	p2 =	slt.u32 s8, $0xFFFFF086  }
0x1c: {  	p1 =	slt.u32 s9, $0xF7A;
	s5 =	simm.s32 @!p2 $0x0  }
0x1d: {  	s5 =	simm.s32 @p1 $0x1;
	p0 =	seq.s32 s7, s2  }
0x1e: {  	s7 =	smul.u32 @!p0 $0xF7A, s2;
	p2 =	seq.s32 @!p0 s5, $0x0  }
0x1f: {  	s9 =	smul.u32 $0xF7A, s1;
	s8 =	simm.s32 @!p0 $0x1BF5;
	p2 =	por !p2, p0  }
0x20: {  	[sflag:s8] =	ssyncset.s32 @!p0 $0xFFFFF086;
	s6 =	sadd.s32 @!p0 s3, s7;
	s7 =	simm.s32 @!p0 $0x108  }
0x21: {  	s3 =	sadd.s32 s3, s9;
	s6 =	sadd.s32 @!p0 $0x88, s6;
	s7 =	simm.s32 @p2 $0x1082  }
0x22: {  	[simem:s7], [sflag:s8] =	dma.local @!p0 [hbm:s6], $0xF7A  }
0x23: {  	s9 =	sor.u32 $0xD0000000, s2;
	s6 =	simm.s32 $0x108;
	_ =	swait.ge @!p0 [sflag:s8], $0x0  }
0x24: {  	s3 =	sadd.s32 $0x88, s3;
	s6 =	simm.s32 @!p1 $0x1082;
	[sflag:s4] =	ssyncset.s32 $0xFFFFF086  }
0x25: {  	[simem:s6], [sflag:s4] =	dma.local [hbm:s3], $0xF7A  }
0x26: {  	[smem:$0x3F91] =	sst s1;
	(tag) =	ssettag s2;
	_ =	strace s9  }
0x27: {  	s1 =	sld [smem:$0x3FA1]  }
0x28: {  	s2 =	sld [smem:$0x3FA2]  }
0x29: {  	s4 =	sld [smem:$0x3FA4]  }
0x2a: {  	p0 =	seq.s32 s5, $0x0;
	s5 =	sld [smem:$0x3FA5]  }
0x2b: {  	s6 =	sld [smem:$0x3FA6]  }
0x2c: {  	s7 =	sld [smem:$0x3FA7]  }
0x2d: {  	s3 =	simm.s32 $0x108;
	s8 =	sld [smem:$0x3FA8]  }
0x2e: {  	s3 =	simm.s32 @!p0 $0x1082;
	s9 =	sld [smem:$0x3FA9]  }
0x2f: {  	lr =	sadd.s32 s0, s3;
	s0 =	sld [smem:$0x3FA0]  }
0x30: {  	s3 =	sld [smem:$0x3FA3]  }
0x31: {  	[smem:$0x3FAC] =	sst s10  }
0x32: {  	s10 =	sld [smem:$0x3FAA];
	_ =	sdelay $0x3  }
0x33: {  	p0 =	seq.s32 s10, $0x1;
	s10 =	sld [smem:$0x3FAC];
	_ =	sdelay $0x3  }
0x34: {  	[smem:$0x3FAC] =	sst s10  }
0x35: {  	s10 =	sld [smem:$0x3FAB];
	_ =	sdelay $0x3  }
0x36: {  	p1 =	seq.s32 s10, $0x1;
	s10 =	sld [smem:$0x3FAC];
	_ =	sdelay $0x3  }
0x37: {  	[smem:$0x3FAC] =	sst s10  }
0x38: {  	s10 =	sld [smem:$0x3FAD]  }
0x39: {  	_ = 	snop;
	(pc) =	sbr.ind lr, $3  }
0x3a: {  	_ = 	snop  }
0x3b: {  	_ = 	snop  }
0x3c: {  	p2 =	seq.s32 s10, $0x1;
	s10 =	sld [smem:$0x3FAC]  }
0x3d: {  	_ =	shalt  }
0x3e: {  	_ =	shalt  }
0x3f: {  	_ =	shalt  }
0x40: {  	_ =	shalt  }
0x41: {  	_ =	shalt  }
0x42: {  	_ =	shalt  }
0x43: {  	_ =	shalt  }
0x44: {  	_ =	shalt  }
0x45: {  	_ =	shalt  }
0x46: {  	_ =	shalt  }
0x47: {  	_ =	shalt  }
0x48: {  	_ =	shalt  }
0x49: {  	_ =	shalt  }
0x4a: {  	_ =	shalt  }
0x4b: {  	_ =	shalt  }
0x4c: {  	_ =	shalt  }
0x4d: {  	_ =	shalt  }
0x4e: {  	_ =	shalt  }
0x4f: {  	_ =	shalt  }
0x50: {  	_ =	shalt  }
0x51: {  	_ =	shalt  }
0x52: {  	_ =	shalt  }
0x53: {  	_ =	shalt  }
0x54: {  	_ =	shalt  }
0x55: {  	_ =	shalt  }
0x56: {  	_ =	shalt  }
0x57: {  	_ =	shalt  }
0x58: {  	_ =	shalt  }
0x59: {  	_ =	shalt  }
0x5a: {  	_ =	shalt  }
0x5b: {  	_ =	shalt  }
0x5c: {  	_ =	shalt  }
0x5d: {  	_ =	shalt  }
0x5e: {  	_ =	shalt  }
0x5f: {  	_ =	shalt  }
0x60: {  	_ =	shalt  }
0x61: {  	_ =	shalt  }
0x62: {  	_ =	shalt  }
0x63: {  	_ =	shalt  }
0x64: {  	_ =	shalt  }
0x65: {  	_ =	shalt  }
0x66: {  	_ =	shalt  }
0x67: {  	_ =	shalt  }
0x68: {  	_ =	shalt  }
0x69: {  	_ =	shalt  }
0x6a: {  	_ =	shalt  }
0x6b: {  	_ =	shalt  }
0x6c: {  	_ =	shalt  }
0x6d: {  	_ =	shalt  }
0x6e: {  	_ =	shalt  }
0x6f: {  	_ =	shalt  }
0x70: {  	_ =	shalt  }
0x71: {  	_ =	shalt  }
0x72: {  	_ =	shalt  }
0x73: {  	_ =	shalt  }
0x74: {  	_ =	shalt  }
0x75: {  	_ =	shalt  }
0x76: {  	_ =	shalt  }
0x77: {  	_ =	shalt  }
0x78: {  	_ =	shalt  }
0x79: {  	_ =	shalt  }
0x7a: {  	_ =	shalt  }
0x7b: {  	_ =	shalt  }
0x7c: {  	_ =	shalt  }
0x7d: {  	_ =	shalt  }
0x7e: {  	_ =	shalt  }
0x7f: {  	_ =	shalt  }
0x80: {  	_ =	shalt  }
0x81: {  	_ =	shalt  }
0x82: {  	_ =	shalt  }
0x83: {  	_ =	shalt  }
0x84: {  	_ =	shalt  }
0x85: {  	_ =	shalt  }
0x86: {  	_ =	shalt  }
0x87: {  	_ =	shalt  }
.Lfunc_end0:
.L_simem_size_0:
called_computation.1_lowered:
.L_overlay_start_0:
0x88: {  	s2 =	sld [smem:$0x3FD9]  }
0x89: {  	s3 =	sld [smem:$0x3FFE];
	_ =	sdelay $0x1  }
0x8a: {  	s1 =	srdreg.scid  }
0x8b: {  	s0 =	sand.u32 $0x1, s1  }
0x8c: {  	s17 =	sshll.u32 s0, $0xA;
	s2 =	sadd.s32 s3, s2  }
0x8d: {  	s2 =	sadd.s32 s2, s17  }
0x8e: {  	[smem:$0x3FB8] =	sst s2  }
0x8f: {  	_ = 	snop  }
0x90: {  	s2 =	sld [smem:$0x3FD0];
	(tm) =	ssettm $0x1  }
0x91: {  	s18 =	sld [smem:$0x3FFB];
	_ =	sdelay $0x3  }
0x92: {  	_ =	strace s18  }
0x93: {  	s3 =	sld [smem:$0x3FFC];
	_ =	sdelay $0x3  }
0x94: {  	_ =	strace s3  }
0x95: {  	s3 =	sld [smem:$0x3FFD];
	_ =	sdelay $0x3  }
0x96: {  	_ =	strace s3  }
0x97: {  	_ =	strace $0x8FFFFFFF  }
0x98: {  	s19 =	sld [smem:$0x3FDB];
	_ =	sdelay $0x1  }
0x99: {  	s4 =	simm.s32 $_scs_section_size  }
0x9a: {  	s5 =	simm.s32 $_size__tile_overlayer_lowered;
	s6 =	simm.s32 $_tile_overlayer_lowered  }
0x9b: {  	s22 =	simm.s32 $0x1BFF;
	s21 =	sshll.u32 s6, $0x1;
	s3 =	sadd.s32 s4, s19  }
0x9c: {  	s7 =	simm.s32 $0x0;
	s20 =	sshll.u32 s5, $0x1;
	s5 =	sadd.s32 s21, s3  }
0x9d: {  	[timem:s7], [sflag:s22] =	dma.local [hbm:s5], s20  }
0x9e: {  	_ =	swait.ge [sflag:s22], s20  }
0x9f: {  	s4 =	ssub.s32 $0x0, s20;
	[sflag:s22] =	ssyncset.done $0x0  }
0xa0: {  	[sflag:s22] =	ssyncadd.s32 s4;
	_ =	sdelay $0x1  }
0xa1: {  	s23 =	simm.s32 $0x1B8B  }
0xa2: {  	_ =	swait.ge [sflag:s23], $0x1  }
0xa3: {  	[sflag:s23] =	ssyncset.done $0x0  }
0xa4: {  	s25 =	simm.s32 $0x1B8E;
	s24 =	sld [smem:$0x3FFE];
	[sflag:s23] =	ssyncadd.s32 $0xFFFFFFFF  }
0xa5: {  	s26 =	simm.s32 $execute0_lowered;
	[smem:$0x3FD2] =	sst s25  }
0xa6: {  	s5 =	sshll.u32 s26, $0x1;
	_ =	strace $0x80000049;
	[dreg:$0x1] =	wrdreg $0xFFFFFFFF  }
0xa7: {  	s28 =	simm.s32 $_size_execute0_lowered;
	s3 =	sadd.s32 s3, s5;
	[dreg:$0x0] =	wrdreg $0x0  }
0xa8: {  	s5 =	sshll.u32 s28, $0x1;
	[dreg:$0x2] =	wrdreg s3  }
0xa9: {  	[dreg:$0x3] =	wrdreg s5  }
0xaa: {  	[dreg:$0x4] =	wrdreg $0xC0  }
0xab: {  	_ =	task [dreg:s7], $0x5FFFF  }
0xac: {  	[dreg:$0x1] =	wrdreg $0xFFFFFFFF  }
0xad: {  	[dreg:$0x0] =	wrdreg $0x60  }
0xae: {  	[dreg:$0x2] =	wrdreg s24  }
0xaf: {  	[dreg:$0x3] =	wrdreg s2  }
0xb0: {  	[dreg:$0x4] =	wrdreg $0xC0000  }
0xb1: {  	[dreg:$0x5] =	wrdreg $0x9  }
0xb2: {  	_ =	task.clear_ibuf [dreg:s7], $0x6FFFF;
	_ =	strace $0x90000049  }
0xb3: {  	s29 =	simm.s32 $0x9;
	_ =	strace $0x8000004B  }
0xb4: {  	_ =	swait.ge [sflag:s29], $0x1  }
0xb5: {  	[sflag:s29] =	ssyncadd.s32 $0xFFFFFFFF  }
0xb6: {  	_ =	strace $0x9000004B  }
0xb7: {  	_ =	sfence  }
0xb8: {  	s30 =	sld [smem:$0x0];
	_ =	sdelay $0x2  }
0xb9: {  	s31 =	sshll.u32 s1, $0xD;
	s1 =	sshrl.u32 s1, $0x2  }
0xba: {  	s3 =	sand.u32 $0x4000, s31;
	s1 =	sadd.s32 s1, s30  }
0xbb: {  	s0 =	sor.u32 s3, s0;
	s1 =	sshll.u32 s1, $0x11  }
0xbc: {  	s0 =	sor.u32 s1, s0  }
0xbd: {  	s0 =	sadd.s32 $0x8F2B, s0  }
0xbe: {  	[sflag:s0] =	ssyncadd.remote.s32 $0x1  }
0xbf: {  	_ =	sfence.sel $0xFFFF  }
0xc0: {  	[dreg:$0x0] =	wrdreg $0xFFFFFFFF;
	(pc) =	sbr.abs _section_cstart, $3  }
0xc1: {  	[dreg:$0x1] =	wrdreg $0xFFFFFFFF  }
0xc2: {  	_ =	task.clear_ibuf [dreg:s7], $0x2FFFF;
	_ =	strace $0x9FFFFFFF  }
0xc3: {  	(tm) =	ssettm $0x7FFFFFFF  }
tec
execute0_lowered:
.L_overlay_start_1:
0x0: {  	(tag) =	ssettag $0x1  }
0x1: {  	s0 =	rddreg [dreg:$0x0]  }
0x2: {  	s10 =	rddreg [dreg:$0x1]  }
0x3: {  	s1 =	rddreg [dreg:$0x2];
	s3 =	simm.s32 $0x0  }
0x4: {  	s4 =	srdreg.scid;
	s2 =	stileid.u32;
	s15 =	simm.s32 $0x5  }
0x5: {  	s16 =	simm.s32 $0x2000;
	s17 =	simm.s32 $0x80;
	s18 =	simm.s32 $0x8000  }
0x6: {  	s19 =	simm.s32 $0x1;
	s20 =	simm.s32 $0x2;
	s21 =	simm.s32 $0x3  }
0x7: {  	s22 =	simm.s32 $0x4;
	s28 =	simm.s32 $0x680;
	s29 =	simm.s32 $0x2600  }
0x8: {  	s30 =	simm.s32 $0x2680;
	s31 =	simm.s32 $0x700;
	[smem:$0x7FF] =	sst s3  }
0x9: {  	s14 =	sand.u32 $0x1, s4;
	s24 =	sshll.u32 s2, $0x8;
	s7 =	smul.u32 $0x14000, s2  }
0xa: {  	s6 =	sshll.u32 s2, $0xA;
	s4 =	sadd.s32 $0x8800, s0;
	s25 =	smul.u32 $0x50000, s2  }
0xb: {  	_ =	strace $0x8000004A;
	p0 =	seq.s32 s14, $0x0;
	s11 =	sor.u32 $0x4000, s24  }
0xc: {  	s5 =	smul.u32 $0x140000, s14;
	s26 =	ssub.s32 $0x2, s14;
	s11 =	smov.u32 @p0 s6  }
0xd: {  	s8 =	sshrl.u32 s26, $0x1;
	s6 =	sshrl.u32 s25, $0x2;
	p0 =	sne.s32 s14, $0x0  }
0xe: {  	s14 =	simm.s32 $0x4000;
	s12 =	sadd.s32 s11, s0;
	s5 =	sadd.s32 s7, s5  }
.Ltmp0:
0xf: {  	s13 =	ssub.s32 s26, s8;
	s10 =	sadd.s32 s10, s11;
	(pc) =	sbr.rel .LBB2_1-.Ltmp0, $4  }
0x10: {  	s26 =	simm.s32 $0x600;
	s5 =	sshrl.u32 s5, $0x3;
	s11 =	sadd.s32 $0x3400, s12  }
0x11: {  	s13 =	smax.u32 s13, $0x1;
	s0 =	sadd.s32 s5, s0;
	s5 =	sadd.s32 s6, s1  }
0x12: {  	s6 =	sadd.s32 $0x4000, s5;
	s7 =	sadd.s32 $0x8000, s5;
	s8 =	sadd.s32 $0xC000, s5  }
0x13: {  	v0 =	vimm.f32 $0.0e+00;
	s9 =	sadd.s32 $0x10000, s5;
	s12 =	sadd.s32 $0x80800, s0;
	s0 =	simm.s32 $0x780  }
.LBB2_7:
0x14: {  	_ =	swait.ge [sflag:s19], $0x4000  }
0x15: {  	[sflag:s19] =	ssyncset.done $0x0  }
0x16: {  	[sflag:s19] =	ssyncadd.s32 $0xFFFFC000  }
0x17: {  	[spmem:s1] =	stream.indirect.scatter.add.f32 [tilespmem:s14], [sflag:$0x3], $0x80, s16, s17, $0xb8;
	v63 =	vld [tilespmem:$0x0]  }
0x18: {  	_ =	swait.ge [sflag:s20], $0x4000  }
0x19: {  	[sflag:s20] =	ssyncset.done $0x0  }
0x1a: {  	s23 =	simm.s32 $0x2080;
	[sflag:s20] =	ssyncadd.s32 $0xFFFFC000  }
0x1b: {  	[spmem:s1] =	stream.indirect.scatter.add.f32 [tilespmem:s18], [sflag:$0x4], $0x80, s23, s17, $0xb8;
	v63 =	vld [tilespmem:$0x0]  }
0x1c: {  	_ =	swait.ge [sflag:s21], $0x4000  }
0x1d: {  	[sflag:s21] =	ssyncset.done $0x0  }
0x1e: {  	s24 =	simm.s32 $0x100;
	[sflag:s21] =	ssyncadd.s32 $0xFFFFC000  }
0x1f: {  	[tilespmem:s14], [sflag:$0x1] =	stream.indirect.gather [hbm4b:s4+s17], $0x80, s24, s17, $0xb8;
	v63 =	vld [tilespmem:$0x0]  }
0x20: {  	_ =	swait.ge [sflag:s22], $0x4000  }
0x21: {  	[sflag:s22] =	ssyncset.done $0x0  }
0x22: {  	s25 =	simm.s32 $0x180;
	[sflag:s22] =	ssyncadd.s32 $0xFFFFC000  }
0x23: {  	[tilespmem:s18], [sflag:$0x2] =	stream.indirect.gather [hbm4b:s4+s17], $0x80, s25, s17, $0xb8;
	v63 =	vld [tilespmem:$0x0]  }
0x24: {  	_ =	swait.ge [sflag:s19], $0x4000  }
0x25: {  	[sflag:s19] =	ssyncset.done $0x0  }
0x26: {  	s24 =	simm.s32 $0x2100;
	[sflag:s19] =	ssyncadd.s32 $0xFFFFC000  }
0x27: {  	[spmem:s1] =	stream.indirect.scatter.add.f32 [tilespmem:s14], [sflag:$0x3], $0x80, s24, s17, $0xb8;
	v63 =	vld [tilespmem:$0x0]  }
0x28: {  	_ =	swait.ge [sflag:s20], $0x4000  }
0x29: {  	[sflag:s20] =	ssyncset.done $0x0  }
0x2a: {  	s25 =	simm.s32 $0x2180;
	[sflag:s20] =	ssyncadd.s32 $0xFFFFC000  }
0x2b: {  	[spmem:s1] =	stream.indirect.scatter.add.f32 [tilespmem:s18], [sflag:$0x4], $0x80, s25, s17, $0xb8;
	v63 =	vld [tilespmem:$0x0]  }
0x2c: {  	_ =	swait.ge [sflag:s21], $0x4000  }
0x2d: {  	[sflag:s21] =	ssyncset.done $0x0  }
0x2e: {  	s24 =	simm.s32 $0x200;
	[sflag:s21] =	ssyncadd.s32 $0xFFFFC000  }
0x2f: {  	[tilespmem:s14], [sflag:$0x1] =	stream.indirect.gather [hbm4b:s4+s17], $0x80, s24, s17, $0xb8;
	v63 =	vld [tilespmem:$0x0]  }
0x30: {  	_ =	swait.ge [sflag:s22], $0x4000  }
0x31: {  	[sflag:s22] =	ssyncset.done $0x0  }
0x32: {  	s25 =	simm.s32 $0x280;
	[sflag:s22] =	ssyncadd.s32 $0xFFFFC000  }
0x33: {  	[tilespmem:s18], [sflag:$0x2] =	stream.indirect.gather [hbm4b:s4+s17], $0x80, s25, s17, $0xb8;
	v63 =	vld [tilespmem:$0x0]  }
0x34: {  	_ =	swait.ge [sflag:s19], $0x4000  }
0x35: {  	[sflag:s19] =	ssyncset.done $0x0  }
0x36: {  	s24 =	simm.s32 $0x2200;
	[sflag:s19] =	ssyncadd.s32 $0xFFFFC000  }
0x37: {  	[spmem:s1] =	stream.indirect.scatter.add.f32 [tilespmem:s14], [sflag:$0x3], $0x80, s24, s17, $0xb8;
	v63 =	vld [tilespmem:$0x0]  }
0x38: {  	_ =	swait.ge [sflag:s20], $0x4000  }
0x39: {  	[sflag:s20] =	ssyncset.done $0x0  }
0x3a: {  	s25 =	simm.s32 $0x2280;
	[sflag:s20] =	ssyncadd.s32 $0xFFFFC000  }
0x3b: {  	[spmem:s1] =	stream.indirect.scatter.add.f32 [tilespmem:s18], [sflag:$0x4], $0x80, s25, s17, $0xb8;
	v63 =	vld [tilespmem:$0x0]  }
0x3c: {  	_ =	swait.ge [sflag:s21], $0x4000  }
0x3d: {  	[sflag:s21] =	ssyncset.done $0x0  }
0x3e: {  	s24 =	simm.s32 $0x300;
	[sflag:s21] =	ssyncadd.s32 $0xFFFFC000  }
0x3f: {  	[tilespmem:s14], [sflag:$0x1] =	stream.indirect.gather [hbm4b:s4+s17], $0x80, s24, s17, $0xb8;
	v63 =	vld [tilespmem:$0x0]  }
0x40: {  	_ =	swait.ge [sflag:s22], $0x4000  }
0x41: {  	[sflag:s22] =	ssyncset.done $0x0  }
0x42: {  	s25 =	simm.s32 $0x380;
	[sflag:s22] =	ssyncadd.s32 $0xFFFFC000  }
0x43: {  	[tilespmem:s18], [sflag:$0x2] =	stream.indirect.gather [hbm4b:s4+s17], $0x80, s25, s17, $0xb8;
	v63 =	vld [tilespmem:$0x0]  }
0x44: {  	_ =	swait.ge [sflag:s19], $0x4000  }
0x45: {  	[sflag:s19] =	ssyncset.done $0x0  }
0x46: {  	s24 =	simm.s32 $0x2300;
	[sflag:s19] =	ssyncadd.s32 $0xFFFFC000  }
0x47: {  	[spmem:s1] =	stream.indirect.scatter.add.f32 [tilespmem:s14], [sflag:$0x3], $0x80, s24, s17, $0xb8;
	v63 =	vld [tilespmem:$0x0]  }
0x48: {  	_ =	swait.ge [sflag:s20], $0x4000  }
0x49: {  	[sflag:s20] =	ssyncset.done $0x0  }
0x4a: {  	s25 =	simm.s32 $0x2380;
	[sflag:s20] =	ssyncadd.s32 $0xFFFFC000  }
0x4b: {  	[spmem:s1] =	stream.indirect.scatter.add.f32 [tilespmem:s18], [sflag:$0x4], $0x80, s25, s17, $0xb8;
	v63 =	vld [tilespmem:$0x0]  }
0x4c: {  	_ =	swait.ge [sflag:s21], $0x4000  }
0x4d: {  	[sflag:s21] =	ssyncset.done $0x0  }
0x4e: {  	s24 =	simm.s32 $0x400;
	[sflag:s21] =	ssyncadd.s32 $0xFFFFC000  }
0x4f: {  	[tilespmem:s14], [sflag:$0x1] =	stream.indirect.gather [hbm4b:s4+s17], $0x80, s24, s17, $0xb8;
	v63 =	vld [tilespmem:$0x0]  }
0x50: {  	_ =	swait.ge [sflag:s22], $0x4000  }
0x51: {  	[sflag:s22] =	ssyncset.done $0x0  }
0x52: {  	s25 =	simm.s32 $0x480;
	[sflag:s22] =	ssyncadd.s32 $0xFFFFC000  }
0x53: {  	[tilespmem:s18], [sflag:$0x2] =	stream.indirect.gather [hbm4b:s4+s17], $0x80, s25, s17, $0xb8;
	v63 =	vld [tilespmem:$0x0]  }
0x54: {  	_ =	swait.ge [sflag:s19], $0x4000  }
0x55: {  	[sflag:s19] =	ssyncset.done $0x0  }
0x56: {  	s24 =	simm.s32 $0x2400;
	[sflag:s19] =	ssyncadd.s32 $0xFFFFC000  }
0x57: {  	[spmem:s1] =	stream.indirect.scatter.add.f32 [tilespmem:s14], [sflag:$0x3], $0x80, s24, s17, $0xb8;
	v63 =	vld [tilespmem:$0x0]  }
0x58: {  	_ =	swait.ge [sflag:s20], $0x4000  }
0x59: {  	[sflag:s20] =	ssyncset.done $0x0  }
0x5a: {  	s25 =	simm.s32 $0x2480;
	[sflag:s20] =	ssyncadd.s32 $0xFFFFC000  }
0x5b: {  	[spmem:s1] =	stream.indirect.scatter.add.f32 [tilespmem:s18], [sflag:$0x4], $0x80, s25, s17, $0xb8;
	v63 =	vld [tilespmem:$0x0]  }
0x5c: {  	_ =	swait.ge [sflag:s21], $0x4000  }
0x5d: {  	[sflag:s21] =	ssyncset.done $0x0  }
0x5e: {  	s24 =	simm.s32 $0x500;
	[sflag:s21] =	ssyncadd.s32 $0xFFFFC000  }
0x5f: {  	[tilespmem:s14], [sflag:$0x1] =	stream.indirect.gather [hbm4b:s4+s17], $0x80, s24, s17, $0xb8;
	v63 =	vld [tilespmem:$0x0]  }
0x60: {  	_ =	swait.ge [sflag:s22], $0x4000  }
0x61: {  	[sflag:s22] =	ssyncset.done $0x0  }
0x62: {  	s25 =	simm.s32 $0x580;
	[sflag:s22] =	ssyncadd.s32 $0xFFFFC000  }
0x63: {  	[tilespmem:s18], [sflag:$0x2] =	stream.indirect.gather [hbm4b:s4+s17], $0x80, s25, s17, $0xb8;
	v63 =	vld [tilespmem:$0x0]  }
0x64: {  	_ =	swait.ge [sflag:s19], $0x4000  }
0x65: {  	[sflag:s19] =	ssyncset.done $0x0  }
0x66: {  	s24 =	simm.s32 $0x2500;
	[sflag:s19] =	ssyncadd.s32 $0xFFFFC000  }
0x67: {  	[spmem:s1] =	stream.indirect.scatter.add.f32 [tilespmem:s14], [sflag:$0x3], $0x80, s24, s17, $0xb8;
	v63 =	vld [tilespmem:$0x0]  }
0x68: {  	_ =	swait.ge [sflag:s20], $0x4000  }
0x69: {  	[sflag:s20] =	ssyncset.done $0x0  }
0x6a: {  	s25 =	simm.s32 $0x2580;
	[sflag:s20] =	ssyncadd.s32 $0xFFFFC000  }
0x6b: {  	[spmem:s1] =	stream.indirect.scatter.add.f32 [tilespmem:s18], [sflag:$0x4], $0x80, s25, s17, $0xb8;
	v63 =	vld [tilespmem:$0x0]  }
0x6c: {  	_ =	swait.ge [sflag:s21], $0x4000  }
0x6d: {  	[sflag:s21] =	ssyncset.done $0x0  }
0x6e: {  	[sflag:s21] =	ssyncadd.s32 $0xFFFFC000  }
0x6f: {  	[tilespmem:s14], [sflag:$0x1] =	stream.indirect.gather [hbm4b:s4+s17], $0x80, s26, s17, $0xb8;
	v63 =	vld [tilespmem:$0x0]  }
0x70: {  	_ =	swait.ge [sflag:s22], $0x4000  }
0x71: {  	[sflag:s22] =	ssyncset.done $0x0  }
0x72: {  	[sflag:s22] =	ssyncadd.s32 $0xFFFFC000  }
0x73: {  	[tilespmem:s18], [sflag:$0x2] =	stream.indirect.gather [hbm4b:s4+s17], $0x80, s28, s17, $0xb8;
	v63 =	vld [tilespmem:$0x0]  }
0x74: {  	_ =	swait.ge [sflag:s19], $0x4000  }
0x75: {  	[sflag:s19] =	ssyncset.done $0x0  }
0x76: {  	[sflag:s19] =	ssyncadd.s32 $0xFFFFC000  }
0x77: {  	[spmem:s1] =	stream.indirect.scatter.add.f32 [tilespmem:s14], [sflag:$0x3], $0x80, s29, s17, $0xb8;
	v63 =	vld [tilespmem:$0x0]  }
0x78: {  	_ =	swait.ge [sflag:s20], $0x4000  }
0x79: {  	[sflag:s20] =	ssyncset.done $0x0  }
0x7a: {  	[sflag:s20] =	ssyncadd.s32 $0xFFFFC000  }
0x7b: {  	[spmem:s1] =	stream.indirect.scatter.add.f32 [tilespmem:s18], [sflag:$0x4], $0x80, s30, s17, $0xb8;
	v63 =	vld [tilespmem:$0x0]  }
0x7c: {  	_ =	swait.ge [sflag:s21], $0x4000  }
0x7d: {  	[sflag:s21] =	ssyncset.done $0x0  }
0x7e: {  	[sflag:s21] =	ssyncadd.s32 $0xFFFFC000  }
0x7f: {  	[tilespmem:s14], [sflag:$0x1] =	stream.indirect.gather [hbm4b:s4+s17], $0x80, s31, s17, $0xb8;
	v63 =	vld [tilespmem:$0x0]  }
0x80: {  	_ =	swait.ge [sflag:s22], $0x4000  }
0x81: {  	[sflag:s22] =	ssyncset.done $0x0  }
0x82: {  	s23 =	simm.s32 $0x2780;
	s24 =	simm.s32 $0x2700;
	[sflag:s22] =	ssyncadd.s32 $0xFFFFC000  }
0x83: {  	[tilespmem:s18], [sflag:$0x2] =	stream.indirect.gather [hbm4b:s4+s17], $0x80, s0, s17, $0xb8;
	v63 =	vld [tilespmem:$0x0]  }
.LBB2_8:
0x84: {  	_ =	swait.ge [sflag:s19], $0x4000  }
0x85: {  	[sflag:s19] =	ssyncset.done $0x0  }
0x86: {  	[sflag:s19] =	ssyncadd.s32 $0xFFFFC000  }
0x87: {  	[spmem:s1] =	stream.indirect.scatter.add.f32 [tilespmem:s14], [sflag:$0x3], $0x80, s24, s17, $0xb8;
	v63 =	vld [tilespmem:$0x0]  }
0x88: {  	_ =	swait.ge [sflag:s20], $0x4000  }
0x89: {  	[sflag:s20] =	ssyncset.done $0x0  }
0x8a: {  	[sflag:s20] =	ssyncadd.s32 $0xFFFFC000  }
0x8b: {  	[spmem:s1] =	stream.indirect.scatter.add.f32 [tilespmem:s18], [sflag:$0x4], $0x80, s23, s17, $0xb8;
	v63 =	vld [tilespmem:$0x0]  }
0x8c: {  	_ =	swait.ge [sflag:s21], $0x4000  }
0x8d: {  	[sflag:s21] =	ssyncset.done $0x0  }
0x8e: {  	[sflag:s21] =	ssyncadd.s32 $0xFFFFC000  }
0x8f: {  	_ =	swait.ge [sflag:s22], $0x4000  }
0x90: {  	s25 =	sshrl.u32 s5, $0x3;
	s3 =	sadd.s32 $0x1, s3;
	[sflag:s22] =	ssyncset.done $0x0  }
0x91: {  	p1 =	sne.s32 s3, s13;
	s24 =	sshll.u32 s2, $0x6;
	[sflag:s22] =	ssyncadd.s32 $0xFFFFC000  }
.Ltmp1:
0x92: {  	s23 =	sor.u32 $0x1C05, s24;
	[bflag:$0x0] =	sbarrier.arrive $0xFFFF;
	(pc) =	sbr.rel @!p1 .LBB2_9-.Ltmp1, $4  }
0x93: {  	[hbm:s12], [sflag:s23] =	dma.local [spmem:s25], $0x2800  }
0x94: {  	_ =	swait.ge [sflag:s15], $0x2800  }
0x95: {  	[sflag:s15] =	ssyncset.done $0x0  }
0x96: {  	[sflag:s15] =	ssyncadd.s32 $0xFFFFD800  }
.LBB2_1:
0x97: {  	s23 =	simm.s32 $0x0;
	s24 =	simm.s32 $0x200  }
.LBB2_2:
0x98: {  	p1 =	sne.s32 s24, $0xFE00;
	[tilespmem:s23+$0x4070] =	vst v0  }
0x99: {  	[tilespmem:s23+$0x4000] =	vst v0  }
0x9a: {  	[tilespmem:s23+$0x4010] =	vst v0  }
.Ltmp2:
0x9b: {  	[tilespmem:s23+$0x4020] =	vst v0;
	(pc) =	sbr.rel @p1 .LBB2_2-.Ltmp2, $4  }
0x9c: {  	[tilespmem:s23+$0x4030] =	vst v0  }
0x9d: {  	[tilespmem:s23+$0x4040] =	vst v0  }
0x9e: {  	[tilespmem:s23+$0x4050] =	vst v0  }
0x9f: {  	[tilespmem:s23+$0x4060] =	vst v0;
	s23 =	sshra.s32 s24, $0x2;
	s24 =	sadd.s32 $0x200, s24  }
0xa0: {  	[tilespmem:s23+$0x4070] =	vst v0  }
0xa1: {  	[tilespmem:s23+$0x4000] =	vst v0  }
0xa2: {  	[tilespmem:s23+$0x4010] =	vst v0  }
0xa3: {  	[tilespmem:s23+$0x4020] =	vst v0  }
0xa4: {  	[tilespmem:s23+$0x4030] =	vst v0  }
0xa5: {  	[tilespmem:s23+$0x4040] =	vst v0  }
0xa6: {  	[tilespmem:s23+$0x4050] =	vst v0  }
0xa7: {  	[tilespmem:s23+$0x4060] =	vst v0  }
0xa8: {  	[spmem:s5] =	stream.linear.scatter [tilespmem:s14], [sflag:$0x5], $0x4000, $0x38;
	v63 =	vld [tilespmem:$0x0]  }
0xa9: {  	_ =	swait.ge [sflag:s15], $0x4000  }
0xaa: {  	[sflag:s15] =	ssyncset.done $0x0  }
0xab: {  	[sflag:s15] =	ssyncadd.s32 $0xFFFFC000  }
0xac: {  	[spmem:s6] =	stream.linear.scatter [tilespmem:s14], [sflag:$0x5], $0x4000, $0x38;
	v63 =	vld [tilespmem:$0x0]  }
0xad: {  	_ =	swait.ge [sflag:s15], $0x4000  }
0xae: {  	[sflag:s15] =	ssyncset.done $0x0  }
0xaf: {  	[sflag:s15] =	ssyncadd.s32 $0xFFFFC000  }
0xb0: {  	[spmem:s7] =	stream.linear.scatter [tilespmem:s14], [sflag:$0x5], $0x4000, $0x38;
	v63 =	vld [tilespmem:$0x0]  }
0xb1: {  	_ =	swait.ge [sflag:s15], $0x4000  }
0xb2: {  	[sflag:s15] =	ssyncset.done $0x0  }
0xb3: {  	[sflag:s15] =	ssyncadd.s32 $0xFFFFC000  }
0xb4: {  	[spmem:s8] =	stream.linear.scatter [tilespmem:s14], [sflag:$0x5], $0x4000, $0x38;
	v63 =	vld [tilespmem:$0x0]  }
0xb5: {  	_ =	swait.ge [sflag:s15], $0x4000  }
0xb6: {  	[sflag:s15] =	ssyncset.done $0x0  }
0xb7: {  	[sflag:s15] =	ssyncadd.s32 $0xFFFFC000  }
0xb8: {  	[spmem:s9] =	stream.linear.scatter [tilespmem:s14], [sflag:$0x5], $0x4000, $0x38;
	v63 =	vld [tilespmem:$0x0]  }
0xb9: {  	_ =	swait.ge [sflag:s15], $0x4000  }
0xba: {  	[sflag:s15] =	ssyncset.done $0x0  }
0xbb: {  	s25 =	simm.s32 $0x0;
	[sflag:s15] =	ssyncadd.s32 $0xFFFFC000  }
0xbc: {  	[tilespmem:s25], [sflag:$0x5] =	stream.linear.gather [hbm4b:s10+s25], $0x2000, $0x38;
	v63 =	vld [tilespmem:$0x0]  }
0xbd: {  	_ =	swait.ge [sflag:s15], $0x2000  }
0xbe: {  	[sflag:s15] =	ssyncset.done $0x0  }
0xbf: {  	[sflag:s15] =	ssyncadd.s32 $0xFFFFE000  }
0xc0: {  	[tilespmem:s16], [sflag:$0x5] =	stream.linear.gather [hbm4b:s11+s25], $0x2000, $0x38;
	v63 =	vld [tilespmem:$0x0]  }
0xc1: {  	_ =	swait.ge [sflag:s15], $0x2000  }
0xc2: {  	[sflag:s15] =	ssyncset.done $0x0  }
.Ltmp3:
0xc3: {  	[sflag:s15] =	ssyncadd.s32 $0xFFFFE000;
	(pc) =	sbr.rel @p0 .LBB2_7-.Ltmp3, $4  }
0xc4: {  	[bflag:$0x0] =	sbarrier.arrive $0xFFFF  }
0xc5: {  	[tilespmem:s14], [sflag:$0x1] =	stream.indirect.gather [hbm4b:s4+s17], $0x80, s25, s17, $0xb8;
	v63 =	vld [tilespmem:$0x0]  }
0xc6: {  	_ = 	snop  }
0xc7: {  	[tilespmem:s18], [sflag:$0x2] =	stream.indirect.gather [hbm4b:s4+s17], $0x80, s17, s17, $0xb8;
	v63 =	vld [tilespmem:$0x0]  }
0xc8: {  	_ =	swait.ge [sflag:s19], $0x4000  }
0xc9: {  	[sflag:s19] =	ssyncset.done $0x0  }
0xca: {  	s23 =	simm.s32 $0x2000;
	[sflag:s19] =	ssyncadd.s32 $0xFFFFC000  }
0xcb: {  	[spmem:s1] =	stream.indirect.scatter.add.f32 [tilespmem:s14], [sflag:$0x3], $0x80, s23, s17, $0xb8;
	v63 =	vld [tilespmem:$0x0]  }
0xcc: {  	_ =	swait.ge [sflag:s20], $0x4000  }
0xcd: {  	[sflag:s20] =	ssyncset.done $0x0  }
0xce: {  	s24 =	simm.s32 $0x2080;
	[sflag:s20] =	ssyncadd.s32 $0xFFFFC000  }
0xcf: {  	[spmem:s1] =	stream.indirect.scatter.add.f32 [tilespmem:s18], [sflag:$0x4], $0x80, s24, s17, $0xb8;
	v63 =	vld [tilespmem:$0x0]  }
0xd0: {  	_ =	swait.ge [sflag:s21], $0x4000  }
0xd1: {  	p1 =	por $0x0, $0x0;
	[sflag:s21] =	ssyncset.done $0x0  }
.Ltmp4:
0xd2: {  	s25 =	simm.s32 $0x100;
	[sflag:s21] =	ssyncadd.s32 $0xFFFFC000;
	(pc) =	sbr.rel @p1 .LBB2_6-.Ltmp4, $4  }
0xd3: {  	[tilespmem:s14], [sflag:$0x1] =	stream.indirect.gather [hbm4b:s4+s17], $0x80, s25, s17, $0xb8;
	v63 =	vld [tilespmem:$0x0]  }
0xd4: {  	_ =	swait.ge [sflag:s22], $0x4000  }
0xd5: {  	[sflag:s22] =	ssyncset.done $0x0  }
0xd6: {  	s23 =	simm.s32 $0x400;
	s24 =	simm.s32 $0x180;
	[sflag:s22] =	ssyncadd.s32 $0xFFFFC000  }
.LBB2_5:
0xd7: {  	[tilespmem:s18], [sflag:$0x2] =	stream.indirect.gather [hbm4b:s4+s17], $0x80, s24, s17, $0xb8;
	v63 =	vld [tilespmem:$0x0]  }
0xd8: {  	s24 =	smov.u32 s23  }
0xd9: {  	p1 =	seq.s32 s23, $0x7800;
	s23 =	sadd.s32 $0x400, s23;
	_ =	swait.ge [sflag:s19], $0x4000  }
0xda: {  	s24 =	sshra.s32 s24, $0x2;
	[sflag:s19] =	ssyncset.done $0x0  }
0xdb: {  	s25 =	sadd.s32 $0x2000, s24;
	[sflag:s19] =	ssyncadd.s32 $0xFFFFC000  }
0xdc: {  	[spmem:s1] =	stream.indirect.scatter.add.f32 [tilespmem:s14], [sflag:$0x3], $0x80, s25, s17, $0xb8;
	v63 =	vld [tilespmem:$0x0]  }
0xdd: {  	_ =	swait.ge [sflag:s20], $0x4000  }
0xde: {  	[sflag:s20] =	ssyncset.done $0x0  }
0xdf: {  	s25 =	sadd.s32 $0x2080, s24;
	[sflag:s20] =	ssyncadd.s32 $0xFFFFC000  }
0xe0: {  	[spmem:s1] =	stream.indirect.scatter.add.f32 [tilespmem:s18], [sflag:$0x4], $0x80, s25, s17, $0xb8;
	v63 =	vld [tilespmem:$0x0]  }
0xe1: {  	_ =	swait.ge [sflag:s21], $0x4000  }
0xe2: {  	[sflag:s21] =	ssyncset.done $0x0  }
.Ltmp5:
0xe3: {  	s25 =	sadd.s32 $0x100, s24;
	[sflag:s21] =	ssyncadd.s32 $0xFFFFC000;
	(pc) =	sbr.rel @!p1 .LBB2_5-.Ltmp5, $4  }
0xe4: {  	[tilespmem:s14], [sflag:$0x1] =	stream.indirect.gather [hbm4b:s4+s17], $0x80, s25, s17, $0xb8;
	v63 =	vld [tilespmem:$0x0]  }
0xe5: {  	_ =	swait.ge [sflag:s22], $0x4000  }
0xe6: {  	[sflag:s22] =	ssyncset.done $0x0  }
0xe7: {  	s24 =	sadd.s32 $0x180, s24;
	[sflag:s22] =	ssyncadd.s32 $0xFFFFC000  }
.LBB2_6:
.Ltmp6:
0xe8: {  	(pc) =	sbr.rel .LBB2_8-.Ltmp6, $3  }
0xe9: {  	_ =	sdelay $0x1  }
0xea: {  	[tilespmem:s18], [sflag:$0x2] =	stream.indirect.gather [hbm4b:s4+s17], $0x80, s24, s17, $0xb8;
	v63 =	vld [tilespmem:$0x0]  }
0xeb: {  	s23 =	simm.s32 $0x3F80;
	s24 =	simm.s32 $0x3F00  }
.LBB2_9:
0xec: {  	_ =	sfence.sel $0x180000  }
0xed: {  	[bflag:$0x0] =	sbarrier.arrive $0xFFFF  }
0xee: {  	_ =	strace $0x9000004A  }
0xef: {  	[bflag:$0x2] =	sbarrier.arrive $0xFFFF  }
0xf0: {  	p0 =	sne.s32 s2, $0x0;
	s0 =	rddreg [dreg:$0x3]  }
0xf1: {  	s0 =	sadd.s32 @!p0 $0x100000, s0  }
0xf2: {  	[sflag:s0] =	ssyncadd.tile.s32 @!p0 $0x1;
	_ =	shalt  }
.Lfunc_end2:
_tile_overlayer_lowered:
.L_overlay_start_2:
0xf3: {  	(tag) =	ssettag $0x2  }
0xf4: {  	s0 =	rddreg [dreg:$0x0];
	s2 =	stileid.u32  }
0xf5: {  	s1 =	rddreg [dreg:$0x1];
	p0 =	sne.s32 s2, $0x0  }
0xf6: {  	s3 =	rddreg [dreg:$0x2];
	[bflag:$0x3] =	sbarrier.arrive $0xFFFF;
	s2 =	simm.s32 @!p0 $0x1C05  }
0xf7: {  	[timem:s3], [sflag:s2] =	dma.local @!p0 [hbm:s0], s1  }
0xf8: {  	s0 =	simm.s32 @!p0 $0x5  }
0xf9: {  	_ =	swait.ge @!p0 [sflag:s0], s1  }
0xfa: {  	s1 =	ssub.s32 @!p0 $0x0, s1;
	[sflag:s0] =	ssyncset.done @!p0 $0x0  }
0xfb: {  	[sflag:s0] =	ssyncadd.s32 @!p0 s1  }
0xfc: {  	[bflag:$0x3] =	sbarrier.arrive $0xFFFF  }
0xfd: {  	_ =	shalt  }

// kernel: kernel.14.cloned.1.call-start
scs
__scs_entry_jumppad:
0x0: {  	(pc) =	sbr.rel $0x88, $3  }
0x1: {  	(tag) =	ssettag $0x0;
	lr =	simm.s32 $0x1  }
0x2: {  	[smem:$0x3F91] =	sst lr;
	_ =	strace $0xD0000000  }
0x3: {  	_ = 	snop  }
0x4: {  	_ = 	snop  }
0x5: {  	_ = 	snop  }
0x6: {  	_ = 	snop  }
0x7: {  	_ = 	snop  }
__scs_overlays_trampoline_lowered:
0x8: {  	[smem:$0x3FA0] =	sst s0  }
0x9: {  	[smem:$0x3FA1] =	sst s1  }
0xa: {  	[smem:$0x3FA2] =	sst s2  }
0xb: {  	[smem:$0x3FA3] =	sst s3  }
0xc: {  	[smem:$0x3FA4] =	sst s4  }
0xd: {  	[smem:$0x3FA5] =	sst s5  }
0xe: {  	[smem:$0x3FA6] =	sst s6  }
0xf: {  	[smem:$0x3FA7] =	sst s7  }
0x10: {  	[smem:$0x3FA8] =	sst s8  }
0x11: {  	[smem:$0x3FA9] =	sst s9;
	s0 =	simm.s32 @!p0 $0x0  }
0x12: {  	s1 =	sld [smem:$0x3F8F];
	s0 =	simm.s32 @p0 $0x1  }
0x13: {  	[smem:$0x3FAA] =	sst s0;
	s0 =	simm.s32 @!p1 $0x0  }
0x14: {  	s2 =	sld [smem:$0x3F8E];
	s0 =	simm.s32 @p1 $0x1  }
0x15: {  	[smem:$0x3FAB] =	sst s0;
	s0 =	simm.s32 @!p2 $0x0  }
0x16: {  	s3 =	sld [smem:$0x3FDB];
	s0 =	simm.s32 @p2 $0x1  }
0x17: {  	s4 =	simm.s32 $0x1BF5;
	[smem:$0x3FAD] =	sst s0  }
0x18: {  	s0 =	sld [smem:$0x3F90];
	_ =	swait.ge [sflag:s4], $0x0  }
0x19: {  	s7 =	sld [smem:$0x3F91]  }
0x1a: {  	s8 =	sadd.s32 $0xFFFFE003, lr  }
0x1b: {  	s9 =	sadd.s32 $0xFFFFFEF7, lr;
	s5 =	simm.s32 $0xFFFFFFFF;
	p2 =	slt.u32 s8, $0xFFFFF086  }
0x1c: {  	p1 =	slt.u32 s9, $0xF7A;
	s5 =	simm.s32 @!p2 $0x0  }
0x1d: {  	s5 =	simm.s32 @p1 $0x1;
	p0 =	seq.s32 s7, s2  }
0x1e: {  	s7 =	smul.u32 @!p0 $0xF7A, s2;
	p2 =	seq.s32 @!p0 s5, $0x0  }
0x1f: {  	s9 =	smul.u32 $0xF7A, s1;
	s8 =	simm.s32 @!p0 $0x1BF5;
	p2 =	por !p2, p0  }
0x20: {  	[sflag:s8] =	ssyncset.s32 @!p0 $0xFFFFF086;
	s6 =	sadd.s32 @!p0 s3, s7;
	s7 =	simm.s32 @!p0 $0x108  }
0x21: {  	s3 =	sadd.s32 s3, s9;
	s6 =	sadd.s32 @!p0 $0x88, s6;
	s7 =	simm.s32 @p2 $0x1082  }
0x22: {  	[simem:s7], [sflag:s8] =	dma.local @!p0 [hbm:s6], $0xF7A  }
0x23: {  	s9 =	sor.u32 $0xD0000000, s2;
	s6 =	simm.s32 $0x108;
	_ =	swait.ge @!p0 [sflag:s8], $0x0  }
0x24: {  	s3 =	sadd.s32 $0x88, s3;
	s6 =	simm.s32 @!p1 $0x1082;
	[sflag:s4] =	ssyncset.s32 $0xFFFFF086  }
0x25: {  	[simem:s6], [sflag:s4] =	dma.local [hbm:s3], $0xF7A  }
0x26: {  	[smem:$0x3F91] =	sst s1;
	(tag) =	ssettag s2;
	_ =	strace s9  }
0x27: {  	s1 =	sld [smem:$0x3FA1]  }
0x28: {  	s2 =	sld [smem:$0x3FA2]  }
0x29: {  	s4 =	sld [smem:$0x3FA4]  }
0x2a: {  	p0 =	seq.s32 s5, $0x0;
	s5 =	sld [smem:$0x3FA5]  }
0x2b: {  	s6 =	sld [smem:$0x3FA6]  }
0x2c: {  	s7 =	sld [smem:$0x3FA7]  }
0x2d: {  	s3 =	simm.s32 $0x108;
	s8 =	sld [smem:$0x3FA8]  }
0x2e: {  	s3 =	simm.s32 @!p0 $0x1082;
	s9 =	sld [smem:$0x3FA9]  }
0x2f: {  	lr =	sadd.s32 s0, s3;
	s0 =	sld [smem:$0x3FA0]  }
0x30: {  	s3 =	sld [smem:$0x3FA3]  }
0x31: {  	[smem:$0x3FAC] =	sst s10  }
0x32: {  	s10 =	sld [smem:$0x3FAA];
	_ =	sdelay $0x3  }
0x33: {  	p0 =	seq.s32 s10, $0x1;
	s10 =	sld [smem:$0x3FAC];
	_ =	sdelay $0x3  }
0x34: {  	[smem:$0x3FAC] =	sst s10  }
0x35: {  	s10 =	sld [smem:$0x3FAB];
	_ =	sdelay $0x3  }
0x36: {  	p1 =	seq.s32 s10, $0x1;
	s10 =	sld [smem:$0x3FAC];
	_ =	sdelay $0x3  }
0x37: {  	[smem:$0x3FAC] =	sst s10  }
0x38: {  	s10 =	sld [smem:$0x3FAD]  }
0x39: {  	_ = 	snop;
	(pc) =	sbr.ind lr, $3  }
0x3a: {  	_ = 	snop  }
0x3b: {  	_ = 	snop  }
0x3c: {  	p2 =	seq.s32 s10, $0x1;
	s10 =	sld [smem:$0x3FAC]  }
0x3d: {  	_ =	shalt  }
0x3e: {  	_ =	shalt  }
0x3f: {  	_ =	shalt  }
0x40: {  	_ =	shalt  }
0x41: {  	_ =	shalt  }
0x42: {  	_ =	shalt  }
0x43: {  	_ =	shalt  }
0x44: {  	_ =	shalt  }
0x45: {  	_ =	shalt  }
0x46: {  	_ =	shalt  }
0x47: {  	_ =	shalt  }
0x48: {  	_ =	shalt  }
0x49: {  	_ =	shalt  }
0x4a: {  	_ =	shalt  }
0x4b: {  	_ =	shalt  }
0x4c: {  	_ =	shalt  }
0x4d: {  	_ =	shalt  }
0x4e: {  	_ =	shalt  }
0x4f: {  	_ =	shalt  }
0x50: {  	_ =	shalt  }
0x51: {  	_ =	shalt  }
0x52: {  	_ =	shalt  }
0x53: {  	_ =	shalt  }
0x54: {  	_ =	shalt  }
0x55: {  	_ =	shalt  }
0x56: {  	_ =	shalt  }
0x57: {  	_ =	shalt  }
0x58: {  	_ =	shalt  }
0x59: {  	_ =	shalt  }
0x5a: {  	_ =	shalt  }
0x5b: {  	_ =	shalt  }
0x5c: {  	_ =	shalt  }
0x5d: {  	_ =	shalt  }
0x5e: {  	_ =	shalt  }
0x5f: {  	_ =	shalt  }
0x60: {  	_ =	shalt  }
0x61: {  	_ =	shalt  }
0x62: {  	_ =	shalt  }
0x63: {  	_ =	shalt  }
0x64: {  	_ =	shalt  }
0x65: {  	_ =	shalt  }
0x66: {  	_ =	shalt  }
0x67: {  	_ =	shalt  }
0x68: {  	_ =	shalt  }
0x69: {  	_ =	shalt  }
0x6a: {  	_ =	shalt  }
0x6b: {  	_ =	shalt  }
0x6c: {  	_ =	shalt  }
0x6d: {  	_ =	shalt  }
0x6e: {  	_ =	shalt  }
0x6f: {  	_ =	shalt  }
0x70: {  	_ =	shalt  }
0x71: {  	_ =	shalt  }
0x72: {  	_ =	shalt  }
0x73: {  	_ =	shalt  }
0x74: {  	_ =	shalt  }
0x75: {  	_ =	shalt  }
0x76: {  	_ =	shalt  }
0x77: {  	_ =	shalt  }
0x78: {  	_ =	shalt  }
0x79: {  	_ =	shalt  }
0x7a: {  	_ =	shalt  }
0x7b: {  	_ =	shalt  }
0x7c: {  	_ =	shalt  }
0x7d: {  	_ =	shalt  }
0x7e: {  	_ =	shalt  }
0x7f: {  	_ =	shalt  }
0x80: {  	_ =	shalt  }
0x81: {  	_ =	shalt  }
0x82: {  	_ =	shalt  }
0x83: {  	_ =	shalt  }
0x84: {  	_ =	shalt  }
0x85: {  	_ =	shalt  }
0x86: {  	_ =	shalt  }
0x87: {  	_ =	shalt  }
.Lfunc_end0:
.L_simem_size_0:
called_computation.2_lowered:
.L_overlay_start_0:
0x88: {  	s2 =	sld [smem:$0x3FD9]  }
0x89: {  	s3 =	sld [smem:$0x3FFE];
	_ =	sdelay $0x1  }
0x8a: {  	s1 =	srdreg.scid  }
0x8b: {  	s0 =	sand.u32 $0x1, s1  }
0x8c: {  	s17 =	sshll.u32 s0, $0xA;
	s2 =	sadd.s32 s3, s2  }
0x8d: {  	s2 =	sadd.s32 s2, s17  }
0x8e: {  	[smem:$0x3FB8] =	sst s2  }
0x8f: {  	_ = 	snop  }
0x90: {  	s2 =	sld [smem:$0x3FD0];
	(tm) =	ssettm $0x1  }
0x91: {  	s18 =	sld [smem:$0x3FFB];
	_ =	sdelay $0x3  }
0x92: {  	_ =	strace s18  }
0x93: {  	s3 =	sld [smem:$0x3FFC];
	_ =	sdelay $0x3  }
0x94: {  	_ =	strace s3  }
0x95: {  	s3 =	sld [smem:$0x3FFD];
	_ =	sdelay $0x3  }
0x96: {  	_ =	strace s3  }
0x97: {  	_ =	strace $0x8FFFFFFF  }
0x98: {  	s19 =	sld [smem:$0x3FDB];
	_ =	sdelay $0x1  }
0x99: {  	s4 =	simm.s32 $_scs_section_size  }
0x9a: {  	s5 =	simm.s32 $_size__tile_overlayer_lowered;
	s6 =	simm.s32 $_tile_overlayer_lowered  }
0x9b: {  	s22 =	simm.s32 $0x1BFF;
	s21 =	sshll.u32 s6, $0x1;
	s3 =	sadd.s32 s4, s19  }
0x9c: {  	s7 =	simm.s32 $0x0;
	s20 =	sshll.u32 s5, $0x1;
	s5 =	sadd.s32 s21, s3  }
0x9d: {  	[timem:s7], [sflag:s22] =	dma.local [hbm:s5], s20  }
0x9e: {  	_ =	swait.ge [sflag:s22], s20  }
0x9f: {  	s4 =	ssub.s32 $0x0, s20;
	[sflag:s22] =	ssyncset.done $0x0  }
0xa0: {  	[sflag:s22] =	ssyncadd.s32 s4;
	_ =	sdelay $0x1  }
0xa1: {  	s23 =	simm.s32 $0x1B8B  }
0xa2: {  	_ =	swait.ge [sflag:s23], $0x1  }
0xa3: {  	[sflag:s23] =	ssyncset.done $0x0  }
0xa4: {  	s25 =	simm.s32 $0x1B8E;
	s24 =	sld [smem:$0x3FFE];
	[sflag:s23] =	ssyncadd.s32 $0xFFFFFFFF  }
0xa5: {  	s26 =	simm.s32 $execute0_lowered;
	[smem:$0x3FD2] =	sst s25  }
0xa6: {  	s5 =	sshll.u32 s26, $0x1;
	_ =	strace $0x8000004C;
	[dreg:$0x1] =	wrdreg $0xFFFFFFFF  }
0xa7: {  	s28 =	simm.s32 $_size_execute0_lowered;
	s3 =	sadd.s32 s3, s5;
	[dreg:$0x0] =	wrdreg $0x0  }
0xa8: {  	s5 =	sshll.u32 s28, $0x1;
	[dreg:$0x2] =	wrdreg s3  }
0xa9: {  	[dreg:$0x3] =	wrdreg s5  }
0xaa: {  	[dreg:$0x4] =	wrdreg $0xC0  }
0xab: {  	_ =	task [dreg:s7], $0x5FFFF  }
0xac: {  	[dreg:$0x1] =	wrdreg $0xFFFFFFFF  }
0xad: {  	[dreg:$0x0] =	wrdreg $0x60  }
0xae: {  	[dreg:$0x2] =	wrdreg s24  }
0xaf: {  	[dreg:$0x3] =	wrdreg s2  }
0xb0: {  	[dreg:$0x4] =	wrdreg $0xC0000  }
0xb1: {  	[dreg:$0x5] =	wrdreg $0x9  }
0xb2: {  	_ =	task.clear_ibuf [dreg:s7], $0x6FFFF;
	_ =	strace $0x9000004C  }
0xb3: {  	s29 =	simm.s32 $0x9;
	_ =	strace $0x8000004E  }
0xb4: {  	_ =	swait.ge [sflag:s29], $0x1  }
0xb5: {  	[sflag:s29] =	ssyncadd.s32 $0xFFFFFFFF  }
0xb6: {  	_ =	strace $0x9000004E  }
0xb7: {  	_ =	sfence  }
0xb8: {  	s30 =	sld [smem:$0x0];
	_ =	sdelay $0x2  }
0xb9: {  	s31 =	sshll.u32 s1, $0xD;
	s1 =	sshrl.u32 s1, $0x2  }
0xba: {  	s3 =	sand.u32 $0x4000, s31;
	s1 =	sadd.s32 s1, s30  }
0xbb: {  	s0 =	sor.u32 s3, s0;
	s1 =	sshll.u32 s1, $0x11  }
0xbc: {  	s0 =	sor.u32 s1, s0  }
0xbd: {  	s0 =	sadd.s32 $0x8F2B, s0  }
0xbe: {  	[sflag:s0] =	ssyncadd.remote.s32 $0x1  }
0xbf: {  	_ =	sfence.sel $0xFFFF  }
0xc0: {  	[dreg:$0x0] =	wrdreg $0xFFFFFFFF;
	(pc) =	sbr.abs _section_cstart, $3  }
0xc1: {  	[dreg:$0x1] =	wrdreg $0xFFFFFFFF  }
0xc2: {  	_ =	task.clear_ibuf [dreg:s7], $0x2FFFF;
	_ =	strace $0x9FFFFFFF  }
0xc3: {  	(tm) =	ssettm $0x7FFFFFFF  }
tec
execute0_lowered:
.L_overlay_start_1:
0x0: {  	(tag) =	ssettag $0x1  }
0x1: {  	s0 =	rddreg [dreg:$0x0]  }
0x2: {  	s10 =	rddreg [dreg:$0x1]  }
0x3: {  	s1 =	rddreg [dreg:$0x2];
	s3 =	simm.s32 $0x0  }
0x4: {  	s4 =	srdreg.scid;
	s2 =	stileid.u32;
	s15 =	simm.s32 $0x5  }
0x5: {  	s16 =	simm.s32 $0x2000;
	s17 =	simm.s32 $0x80;
	s18 =	simm.s32 $0x8000  }
0x6: {  	s19 =	simm.s32 $0x1;
	s20 =	simm.s32 $0x2;
	s21 =	simm.s32 $0x3  }
0x7: {  	s22 =	simm.s32 $0x4;
	s28 =	simm.s32 $0x680;
	s29 =	simm.s32 $0x2600  }
0x8: {  	s30 =	simm.s32 $0x2680;
	s31 =	simm.s32 $0x700;
	[smem:$0x7FF] =	sst s3  }
0x9: {  	s14 =	sand.u32 $0x1, s4;
	s24 =	sshll.u32 s2, $0x8;
	s7 =	smul.u32 $0x14000, s2  }
0xa: {  	s6 =	sshll.u32 s2, $0xA;
	s4 =	sadd.s32 $0x8800, s0;
	s25 =	smul.u32 $0x50000, s2  }
0xb: {  	_ =	strace $0x8000004D;
	p0 =	seq.s32 s14, $0x0;
	s11 =	sor.u32 $0x4000, s24  }
0xc: {  	s5 =	smul.u32 $0x140000, s14;
	s26 =	ssub.s32 $0x2, s14;
	s11 =	smov.u32 @p0 s6  }
0xd: {  	s8 =	sshrl.u32 s26, $0x1;
	s6 =	sshrl.u32 s25, $0x2;
	p0 =	sne.s32 s14, $0x0  }
0xe: {  	s14 =	simm.s32 $0x4000;
	s12 =	sadd.s32 s11, s0;
	s5 =	sadd.s32 s7, s5  }
.Ltmp0:
0xf: {  	s13 =	ssub.s32 s26, s8;
	s10 =	sadd.s32 s10, s11;
	(pc) =	sbr.rel .LBB2_1-.Ltmp0, $4  }
0x10: {  	s26 =	simm.s32 $0x600;
	s5 =	sshrl.u32 s5, $0x3;
	s11 =	sadd.s32 $0x3400, s12  }
0x11: {  	s13 =	smax.u32 s13, $0x1;
	s0 =	sadd.s32 s5, s0;
	s5 =	sadd.s32 s6, s1  }
0x12: {  	s6 =	sadd.s32 $0x4000, s5;
	s7 =	sadd.s32 $0x8000, s5;
	s8 =	sadd.s32 $0xC000, s5  }
0x13: {  	v0 =	vimm.f32 $0.0e+00;
	s9 =	sadd.s32 $0x10000, s5;
	s12 =	sadd.s32 $0x80800, s0;
	s0 =	simm.s32 $0x780  }
.LBB2_7:
0x14: {  	_ =	swait.ge [sflag:s19], $0x4000  }
0x15: {  	[sflag:s19] =	ssyncset.done $0x0  }
0x16: {  	[sflag:s19] =	ssyncadd.s32 $0xFFFFC000  }
0x17: {  	[spmem:s1] =	stream.indirect.scatter.add.f32 [tilespmem:s14], [sflag:$0x3], $0x80, s16, s17, $0xb8;
	v63 =	vld [tilespmem:$0x0]  }
0x18: {  	_ =	swait.ge [sflag:s20], $0x4000  }
0x19: {  	[sflag:s20] =	ssyncset.done $0x0  }
0x1a: {  	s23 =	simm.s32 $0x2080;
	[sflag:s20] =	ssyncadd.s32 $0xFFFFC000  }
0x1b: {  	[spmem:s1] =	stream.indirect.scatter.add.f32 [tilespmem:s18], [sflag:$0x4], $0x80, s23, s17, $0xb8;
	v63 =	vld [tilespmem:$0x0]  }
0x1c: {  	_ =	swait.ge [sflag:s21], $0x4000  }
0x1d: {  	[sflag:s21] =	ssyncset.done $0x0  }
0x1e: {  	s24 =	simm.s32 $0x100;
	[sflag:s21] =	ssyncadd.s32 $0xFFFFC000  }
0x1f: {  	[tilespmem:s14], [sflag:$0x1] =	stream.indirect.gather [hbm4b:s4+s17], $0x80, s24, s17, $0xb8;
	v63 =	vld [tilespmem:$0x0]  }
0x20: {  	_ =	swait.ge [sflag:s22], $0x4000  }
0x21: {  	[sflag:s22] =	ssyncset.done $0x0  }
0x22: {  	s25 =	simm.s32 $0x180;
	[sflag:s22] =	ssyncadd.s32 $0xFFFFC000  }
0x23: {  	[tilespmem:s18], [sflag:$0x2] =	stream.indirect.gather [hbm4b:s4+s17], $0x80, s25, s17, $0xb8;
	v63 =	vld [tilespmem:$0x0]  }
0x24: {  	_ =	swait.ge [sflag:s19], $0x4000  }
0x25: {  	[sflag:s19] =	ssyncset.done $0x0  }
0x26: {  	s24 =	simm.s32 $0x2100;
	[sflag:s19] =	ssyncadd.s32 $0xFFFFC000  }
0x27: {  	[spmem:s1] =	stream.indirect.scatter.add.f32 [tilespmem:s14], [sflag:$0x3], $0x80, s24, s17, $0xb8;
	v63 =	vld [tilespmem:$0x0]  }
0x28: {  	_ =	swait.ge [sflag:s20], $0x4000  }
0x29: {  	[sflag:s20] =	ssyncset.done $0x0  }
0x2a: {  	s25 =	simm.s32 $0x2180;
	[sflag:s20] =	ssyncadd.s32 $0xFFFFC000  }
0x2b: {  	[spmem:s1] =	stream.indirect.scatter.add.f32 [tilespmem:s18], [sflag:$0x4], $0x80, s25, s17, $0xb8;
	v63 =	vld [tilespmem:$0x0]  }
0x2c: {  	_ =	swait.ge [sflag:s21], $0x4000  }
0x2d: {  	[sflag:s21] =	ssyncset.done $0x0  }
0x2e: {  	s24 =	simm.s32 $0x200;
	[sflag:s21] =	ssyncadd.s32 $0xFFFFC000  }
0x2f: {  	[tilespmem:s14], [sflag:$0x1] =	stream.indirect.gather [hbm4b:s4+s17], $0x80, s24, s17, $0xb8;
	v63 =	vld [tilespmem:$0x0]  }
0x30: {  	_ =	swait.ge [sflag:s22], $0x4000  }
0x31: {  	[sflag:s22] =	ssyncset.done $0x0  }
0x32: {  	s25 =	simm.s32 $0x280;
	[sflag:s22] =	ssyncadd.s32 $0xFFFFC000  }
0x33: {  	[tilespmem:s18], [sflag:$0x2] =	stream.indirect.gather [hbm4b:s4+s17], $0x80, s25, s17, $0xb8;
	v63 =	vld [tilespmem:$0x0]  }
0x34: {  	_ =	swait.ge [sflag:s19], $0x4000  }
0x35: {  	[sflag:s19] =	ssyncset.done $0x0  }
0x36: {  	s24 =	simm.s32 $0x2200;
	[sflag:s19] =	ssyncadd.s32 $0xFFFFC000  }
0x37: {  	[spmem:s1] =	stream.indirect.scatter.add.f32 [tilespmem:s14], [sflag:$0x3], $0x80, s24, s17, $0xb8;
	v63 =	vld [tilespmem:$0x0]  }
0x38: {  	_ =	swait.ge [sflag:s20], $0x4000  }
0x39: {  	[sflag:s20] =	ssyncset.done $0x0  }
0x3a: {  	s25 =	simm.s32 $0x2280;
	[sflag:s20] =	ssyncadd.s32 $0xFFFFC000  }
0x3b: {  	[spmem:s1] =	stream.indirect.scatter.add.f32 [tilespmem:s18], [sflag:$0x4], $0x80, s25, s17, $0xb8;
	v63 =	vld [tilespmem:$0x0]  }
0x3c: {  	_ =	swait.ge [sflag:s21], $0x4000  }
0x3d: {  	[sflag:s21] =	ssyncset.done $0x0  }
0x3e: {  	s24 =	simm.s32 $0x300;
	[sflag:s21] =	ssyncadd.s32 $0xFFFFC000  }
0x3f: {  	[tilespmem:s14], [sflag:$0x1] =	stream.indirect.gather [hbm4b:s4+s17], $0x80, s24, s17, $0xb8;
	v63 =	vld [tilespmem:$0x0]  }
0x40: {  	_ =	swait.ge [sflag:s22], $0x4000  }
0x41: {  	[sflag:s22] =	ssyncset.done $0x0  }
0x42: {  	s25 =	simm.s32 $0x380;
	[sflag:s22] =	ssyncadd.s32 $0xFFFFC000  }
0x43: {  	[tilespmem:s18], [sflag:$0x2] =	stream.indirect.gather [hbm4b:s4+s17], $0x80, s25, s17, $0xb8;
	v63 =	vld [tilespmem:$0x0]  }
0x44: {  	_ =	swait.ge [sflag:s19], $0x4000  }
0x45: {  	[sflag:s19] =	ssyncset.done $0x0  }
0x46: {  	s24 =	simm.s32 $0x2300;
	[sflag:s19] =	ssyncadd.s32 $0xFFFFC000  }
0x47: {  	[spmem:s1] =	stream.indirect.scatter.add.f32 [tilespmem:s14], [sflag:$0x3], $0x80, s24, s17, $0xb8;
	v63 =	vld [tilespmem:$0x0]  }
0x48: {  	_ =	swait.ge [sflag:s20], $0x4000  }
0x49: {  	[sflag:s20] =	ssyncset.done $0x0  }
0x4a: {  	s25 =	simm.s32 $0x2380;
	[sflag:s20] =	ssyncadd.s32 $0xFFFFC000  }
0x4b: {  	[spmem:s1] =	stream.indirect.scatter.add.f32 [tilespmem:s18], [sflag:$0x4], $0x80, s25, s17, $0xb8;
	v63 =	vld [tilespmem:$0x0]  }
0x4c: {  	_ =	swait.ge [sflag:s21], $0x4000  }
0x4d: {  	[sflag:s21] =	ssyncset.done $0x0  }
0x4e: {  	s24 =	simm.s32 $0x400;
	[sflag:s21] =	ssyncadd.s32 $0xFFFFC000  }
0x4f: {  	[tilespmem:s14], [sflag:$0x1] =	stream.indirect.gather [hbm4b:s4+s17], $0x80, s24, s17, $0xb8;
	v63 =	vld [tilespmem:$0x0]  }
0x50: {  	_ =	swait.ge [sflag:s22], $0x4000  }
0x51: {  	[sflag:s22] =	ssyncset.done $0x0  }
0x52: {  	s25 =	simm.s32 $0x480;
	[sflag:s22] =	ssyncadd.s32 $0xFFFFC000  }
0x53: {  	[tilespmem:s18], [sflag:$0x2] =	stream.indirect.gather [hbm4b:s4+s17], $0x80, s25, s17, $0xb8;
	v63 =	vld [tilespmem:$0x0]  }
0x54: {  	_ =	swait.ge [sflag:s19], $0x4000  }
0x55: {  	[sflag:s19] =	ssyncset.done $0x0  }
0x56: {  	s24 =	simm.s32 $0x2400;
	[sflag:s19] =	ssyncadd.s32 $0xFFFFC000  }
0x57: {  	[spmem:s1] =	stream.indirect.scatter.add.f32 [tilespmem:s14], [sflag:$0x3], $0x80, s24, s17, $0xb8;
	v63 =	vld [tilespmem:$0x0]  }
0x58: {  	_ =	swait.ge [sflag:s20], $0x4000  }
0x59: {  	[sflag:s20] =	ssyncset.done $0x0  }
0x5a: {  	s25 =	simm.s32 $0x2480;
	[sflag:s20] =	ssyncadd.s32 $0xFFFFC000  }
0x5b: {  	[spmem:s1] =	stream.indirect.scatter.add.f32 [tilespmem:s18], [sflag:$0x4], $0x80, s25, s17, $0xb8;
	v63 =	vld [tilespmem:$0x0]  }
0x5c: {  	_ =	swait.ge [sflag:s21], $0x4000  }
0x5d: {  	[sflag:s21] =	ssyncset.done $0x0  }
0x5e: {  	s24 =	simm.s32 $0x500;
	[sflag:s21] =	ssyncadd.s32 $0xFFFFC000  }
0x5f: {  	[tilespmem:s14], [sflag:$0x1] =	stream.indirect.gather [hbm4b:s4+s17], $0x80, s24, s17, $0xb8;
	v63 =	vld [tilespmem:$0x0]  }
0x60: {  	_ =	swait.ge [sflag:s22], $0x4000  }
0x61: {  	[sflag:s22] =	ssyncset.done $0x0  }
0x62: {  	s25 =	simm.s32 $0x580;
	[sflag:s22] =	ssyncadd.s32 $0xFFFFC000  }
0x63: {  	[tilespmem:s18], [sflag:$0x2] =	stream.indirect.gather [hbm4b:s4+s17], $0x80, s25, s17, $0xb8;
	v63 =	vld [tilespmem:$0x0]  }
0x64: {  	_ =	swait.ge [sflag:s19], $0x4000  }
0x65: {  	[sflag:s19] =	ssyncset.done $0x0  }
0x66: {  	s24 =	simm.s32 $0x2500;
	[sflag:s19] =	ssyncadd.s32 $0xFFFFC000  }
0x67: {  	[spmem:s1] =	stream.indirect.scatter.add.f32 [tilespmem:s14], [sflag:$0x3], $0x80, s24, s17, $0xb8;
	v63 =	vld [tilespmem:$0x0]  }
0x68: {  	_ =	swait.ge [sflag:s20], $0x4000  }
0x69: {  	[sflag:s20] =	ssyncset.done $0x0  }
0x6a: {  	s25 =	simm.s32 $0x2580;
	[sflag:s20] =	ssyncadd.s32 $0xFFFFC000  }
0x6b: {  	[spmem:s1] =	stream.indirect.scatter.add.f32 [tilespmem:s18], [sflag:$0x4], $0x80, s25, s17, $0xb8;
	v63 =	vld [tilespmem:$0x0]  }
0x6c: {  	_ =	swait.ge [sflag:s21], $0x4000  }
0x6d: {  	[sflag:s21] =	ssyncset.done $0x0  }
0x6e: {  	[sflag:s21] =	ssyncadd.s32 $0xFFFFC000  }
0x6f: {  	[tilespmem:s14], [sflag:$0x1] =	stream.indirect.gather [hbm4b:s4+s17], $0x80, s26, s17, $0xb8;
	v63 =	vld [tilespmem:$0x0]  }
0x70: {  	_ =	swait.ge [sflag:s22], $0x4000  }
0x71: {  	[sflag:s22] =	ssyncset.done $0x0  }
0x72: {  	[sflag:s22] =	ssyncadd.s32 $0xFFFFC000  }
0x73: {  	[tilespmem:s18], [sflag:$0x2] =	stream.indirect.gather [hbm4b:s4+s17], $0x80, s28, s17, $0xb8;
	v63 =	vld [tilespmem:$0x0]  }
0x74: {  	_ =	swait.ge [sflag:s19], $0x4000  }
0x75: {  	[sflag:s19] =	ssyncset.done $0x0  }
0x76: {  	[sflag:s19] =	ssyncadd.s32 $0xFFFFC000  }
0x77: {  	[spmem:s1] =	stream.indirect.scatter.add.f32 [tilespmem:s14], [sflag:$0x3], $0x80, s29, s17, $0xb8;
	v63 =	vld [tilespmem:$0x0]  }
0x78: {  	_ =	swait.ge [sflag:s20], $0x4000  }
0x79: {  	[sflag:s20] =	ssyncset.done $0x0  }
0x7a: {  	[sflag:s20] =	ssyncadd.s32 $0xFFFFC000  }
0x7b: {  	[spmem:s1] =	stream.indirect.scatter.add.f32 [tilespmem:s18], [sflag:$0x4], $0x80, s30, s17, $0xb8;
	v63 =	vld [tilespmem:$0x0]  }
0x7c: {  	_ =	swait.ge [sflag:s21], $0x4000  }
0x7d: {  	[sflag:s21] =	ssyncset.done $0x0  }
0x7e: {  	[sflag:s21] =	ssyncadd.s32 $0xFFFFC000  }
0x7f: {  	[tilespmem:s14], [sflag:$0x1] =	stream.indirect.gather [hbm4b:s4+s17], $0x80, s31, s17, $0xb8;
	v63 =	vld [tilespmem:$0x0]  }
0x80: {  	_ =	swait.ge [sflag:s22], $0x4000  }
0x81: {  	[sflag:s22] =	ssyncset.done $0x0  }
0x82: {  	s23 =	simm.s32 $0x2780;
	s24 =	simm.s32 $0x2700;
	[sflag:s22] =	ssyncadd.s32 $0xFFFFC000  }
0x83: {  	[tilespmem:s18], [sflag:$0x2] =	stream.indirect.gather [hbm4b:s4+s17], $0x80, s0, s17, $0xb8;
	v63 =	vld [tilespmem:$0x0]  }
.LBB2_8:
0x84: {  	_ =	swait.ge [sflag:s19], $0x4000  }
0x85: {  	[sflag:s19] =	ssyncset.done $0x0  }
0x86: {  	[sflag:s19] =	ssyncadd.s32 $0xFFFFC000  }
0x87: {  	[spmem:s1] =	stream.indirect.scatter.add.f32 [tilespmem:s14], [sflag:$0x3], $0x80, s24, s17, $0xb8;
	v63 =	vld [tilespmem:$0x0]  }
0x88: {  	_ =	swait.ge [sflag:s20], $0x4000  }
0x89: {  	[sflag:s20] =	ssyncset.done $0x0  }
0x8a: {  	[sflag:s20] =	ssyncadd.s32 $0xFFFFC000  }
0x8b: {  	[spmem:s1] =	stream.indirect.scatter.add.f32 [tilespmem:s18], [sflag:$0x4], $0x80, s23, s17, $0xb8;
	v63 =	vld [tilespmem:$0x0]  }
0x8c: {  	_ =	swait.ge [sflag:s21], $0x4000  }
0x8d: {  	[sflag:s21] =	ssyncset.done $0x0  }
0x8e: {  	[sflag:s21] =	ssyncadd.s32 $0xFFFFC000  }
0x8f: {  	_ =	swait.ge [sflag:s22], $0x4000  }
0x90: {  	s25 =	sshrl.u32 s5, $0x3;
	s3 =	sadd.s32 $0x1, s3;
	[sflag:s22] =	ssyncset.done $0x0  }
0x91: {  	p1 =	sne.s32 s3, s13;
	s24 =	sshll.u32 s2, $0x6;
	[sflag:s22] =	ssyncadd.s32 $0xFFFFC000  }
.Ltmp1:
0x92: {  	s23 =	sor.u32 $0x1C05, s24;
	[bflag:$0x0] =	sbarrier.arrive $0xFFFF;
	(pc) =	sbr.rel @!p1 .LBB2_9-.Ltmp1, $4  }
0x93: {  	[hbm:s12], [sflag:s23] =	dma.local [spmem:s25], $0x2800  }
0x94: {  	_ =	swait.ge [sflag:s15], $0x2800  }
0x95: {  	[sflag:s15] =	ssyncset.done $0x0  }
0x96: {  	[sflag:s15] =	ssyncadd.s32 $0xFFFFD800  }
.LBB2_1:
0x97: {  	s23 =	simm.s32 $0x0;
	s24 =	simm.s32 $0x200  }
.LBB2_2:
0x98: {  	p1 =	sne.s32 s24, $0xFE00;
	[tilespmem:s23+$0x4070] =	vst v0  }
0x99: {  	[tilespmem:s23+$0x4000] =	vst v0  }
0x9a: {  	[tilespmem:s23+$0x4010] =	vst v0  }
.Ltmp2:
0x9b: {  	[tilespmem:s23+$0x4020] =	vst v0;
	(pc) =	sbr.rel @p1 .LBB2_2-.Ltmp2, $4  }
0x9c: {  	[tilespmem:s23+$0x4030] =	vst v0  }
0x9d: {  	[tilespmem:s23+$0x4040] =	vst v0  }
0x9e: {  	[tilespmem:s23+$0x4050] =	vst v0  }
0x9f: {  	[tilespmem:s23+$0x4060] =	vst v0;
	s23 =	sshra.s32 s24, $0x2;
	s24 =	sadd.s32 $0x200, s24  }
0xa0: {  	[tilespmem:s23+$0x4070] =	vst v0  }
0xa1: {  	[tilespmem:s23+$0x4000] =	vst v0  }
0xa2: {  	[tilespmem:s23+$0x4010] =	vst v0  }
0xa3: {  	[tilespmem:s23+$0x4020] =	vst v0  }
0xa4: {  	[tilespmem:s23+$0x4030] =	vst v0  }
0xa5: {  	[tilespmem:s23+$0x4040] =	vst v0  }
0xa6: {  	[tilespmem:s23+$0x4050] =	vst v0  }
0xa7: {  	[tilespmem:s23+$0x4060] =	vst v0  }
0xa8: {  	[spmem:s5] =	stream.linear.scatter [tilespmem:s14], [sflag:$0x5], $0x4000, $0x38;
	v63 =	vld [tilespmem:$0x0]  }
0xa9: {  	_ =	swait.ge [sflag:s15], $0x4000  }
0xaa: {  	[sflag:s15] =	ssyncset.done $0x0  }
0xab: {  	[sflag:s15] =	ssyncadd.s32 $0xFFFFC000  }
0xac: {  	[spmem:s6] =	stream.linear.scatter [tilespmem:s14], [sflag:$0x5], $0x4000, $0x38;
	v63 =	vld [tilespmem:$0x0]  }
0xad: {  	_ =	swait.ge [sflag:s15], $0x4000  }
0xae: {  	[sflag:s15] =	ssyncset.done $0x0  }
0xaf: {  	[sflag:s15] =	ssyncadd.s32 $0xFFFFC000  }
0xb0: {  	[spmem:s7] =	stream.linear.scatter [tilespmem:s14], [sflag:$0x5], $0x4000, $0x38;
	v63 =	vld [tilespmem:$0x0]  }
0xb1: {  	_ =	swait.ge [sflag:s15], $0x4000  }
0xb2: {  	[sflag:s15] =	ssyncset.done $0x0  }
0xb3: {  	[sflag:s15] =	ssyncadd.s32 $0xFFFFC000  }
0xb4: {  	[spmem:s8] =	stream.linear.scatter [tilespmem:s14], [sflag:$0x5], $0x4000, $0x38;
	v63 =	vld [tilespmem:$0x0]  }
0xb5: {  	_ =	swait.ge [sflag:s15], $0x4000  }
0xb6: {  	[sflag:s15] =	ssyncset.done $0x0  }
0xb7: {  	[sflag:s15] =	ssyncadd.s32 $0xFFFFC000  }
0xb8: {  	[spmem:s9] =	stream.linear.scatter [tilespmem:s14], [sflag:$0x5], $0x4000, $0x38;
	v63 =	vld [tilespmem:$0x0]  }
0xb9: {  	_ =	swait.ge [sflag:s15], $0x4000  }
0xba: {  	[sflag:s15] =	ssyncset.done $0x0  }
0xbb: {  	s25 =	simm.s32 $0x0;
	[sflag:s15] =	ssyncadd.s32 $0xFFFFC000  }
0xbc: {  	[tilespmem:s25], [sflag:$0x5] =	stream.linear.gather [hbm4b:s10+s25], $0x2000, $0x38;
	v63 =	vld [tilespmem:$0x0]  }
0xbd: {  	_ =	swait.ge [sflag:s15], $0x2000  }
0xbe: {  	[sflag:s15] =	ssyncset.done $0x0  }
0xbf: {  	[sflag:s15] =	ssyncadd.s32 $0xFFFFE000  }
0xc0: {  	[tilespmem:s16], [sflag:$0x5] =	stream.linear.gather [hbm4b:s11+s25], $0x2000, $0x38;
	v63 =	vld [tilespmem:$0x0]  }
0xc1: {  	_ =	swait.ge [sflag:s15], $0x2000  }
0xc2: {  	[sflag:s15] =	ssyncset.done $0x0  }
.Ltmp3:
0xc3: {  	[sflag:s15] =	ssyncadd.s32 $0xFFFFE000;
	(pc) =	sbr.rel @p0 .LBB2_7-.Ltmp3, $4  }
0xc4: {  	[bflag:$0x0] =	sbarrier.arrive $0xFFFF  }
0xc5: {  	[tilespmem:s14], [sflag:$0x1] =	stream.indirect.gather [hbm4b:s4+s17], $0x80, s25, s17, $0xb8;
	v63 =	vld [tilespmem:$0x0]  }
0xc6: {  	_ = 	snop  }
0xc7: {  	[tilespmem:s18], [sflag:$0x2] =	stream.indirect.gather [hbm4b:s4+s17], $0x80, s17, s17, $0xb8;
	v63 =	vld [tilespmem:$0x0]  }
0xc8: {  	_ =	swait.ge [sflag:s19], $0x4000  }
0xc9: {  	[sflag:s19] =	ssyncset.done $0x0  }
0xca: {  	s23 =	simm.s32 $0x2000;
	[sflag:s19] =	ssyncadd.s32 $0xFFFFC000  }
0xcb: {  	[spmem:s1] =	stream.indirect.scatter.add.f32 [tilespmem:s14], [sflag:$0x3], $0x80, s23, s17, $0xb8;
	v63 =	vld [tilespmem:$0x0]  }
0xcc: {  	_ =	swait.ge [sflag:s20], $0x4000  }
0xcd: {  	[sflag:s20] =	ssyncset.done $0x0  }
0xce: {  	s24 =	simm.s32 $0x2080;
	[sflag:s20] =	ssyncadd.s32 $0xFFFFC000  }
0xcf: {  	[spmem:s1] =	stream.indirect.scatter.add.f32 [tilespmem:s18], [sflag:$0x4], $0x80, s24, s17, $0xb8;
	v63 =	vld [tilespmem:$0x0]  }
0xd0: {  	_ =	swait.ge [sflag:s21], $0x4000  }
0xd1: {  	p1 =	por $0x0, $0x0;
	[sflag:s21] =	ssyncset.done $0x0  }
.Ltmp4:
0xd2: {  	s25 =	simm.s32 $0x100;
	[sflag:s21] =	ssyncadd.s32 $0xFFFFC000;
	(pc) =	sbr.rel @p1 .LBB2_6-.Ltmp4, $4  }
0xd3: {  	[tilespmem:s14], [sflag:$0x1] =	stream.indirect.gather [hbm4b:s4+s17], $0x80, s25, s17, $0xb8;
	v63 =	vld [tilespmem:$0x0]  }
0xd4: {  	_ =	swait.ge [sflag:s22], $0x4000  }
0xd5: {  	[sflag:s22] =	ssyncset.done $0x0  }
0xd6: {  	s23 =	simm.s32 $0x400;
	s24 =	simm.s32 $0x180;
	[sflag:s22] =	ssyncadd.s32 $0xFFFFC000  }
.LBB2_5:
0xd7: {  	[tilespmem:s18], [sflag:$0x2] =	stream.indirect.gather [hbm4b:s4+s17], $0x80, s24, s17, $0xb8;
	v63 =	vld [tilespmem:$0x0]  }
0xd8: {  	s24 =	smov.u32 s23  }
0xd9: {  	p1 =	seq.s32 s23, $0x7800;
	s23 =	sadd.s32 $0x400, s23;
	_ =	swait.ge [sflag:s19], $0x4000  }
0xda: {  	s24 =	sshra.s32 s24, $0x2;
	[sflag:s19] =	ssyncset.done $0x0  }
0xdb: {  	s25 =	sadd.s32 $0x2000, s24;
	[sflag:s19] =	ssyncadd.s32 $0xFFFFC000  }
0xdc: {  	[spmem:s1] =	stream.indirect.scatter.add.f32 [tilespmem:s14], [sflag:$0x3], $0x80, s25, s17, $0xb8;
	v63 =	vld [tilespmem:$0x0]  }
0xdd: {  	_ =	swait.ge [sflag:s20], $0x4000  }
0xde: {  	[sflag:s20] =	ssyncset.done $0x0  }
0xdf: {  	s25 =	sadd.s32 $0x2080, s24;
	[sflag:s20] =	ssyncadd.s32 $0xFFFFC000  }
0xe0: {  	[spmem:s1] =	stream.indirect.scatter.add.f32 [tilespmem:s18], [sflag:$0x4], $0x80, s25, s17, $0xb8;
	v63 =	vld [tilespmem:$0x0]  }
0xe1: {  	_ =	swait.ge [sflag:s21], $0x4000  }
0xe2: {  	[sflag:s21] =	ssyncset.done $0x0  }
.Ltmp5:
0xe3: {  	s25 =	sadd.s32 $0x100, s24;
	[sflag:s21] =	ssyncadd.s32 $0xFFFFC000;
	(pc) =	sbr.rel @!p1 .LBB2_5-.Ltmp5, $4  }
0xe4: {  	[tilespmem:s14], [sflag:$0x1] =	stream.indirect.gather [hbm4b:s4+s17], $0x80, s25, s17, $0xb8;
	v63 =	vld [tilespmem:$0x0]  }
0xe5: {  	_ =	swait.ge [sflag:s22], $0x4000  }
0xe6: {  	[sflag:s22] =	ssyncset.done $0x0  }
0xe7: {  	s24 =	sadd.s32 $0x180, s24;
	[sflag:s22] =	ssyncadd.s32 $0xFFFFC000  }
.LBB2_6:
.Ltmp6:
0xe8: {  	(pc) =	sbr.rel .LBB2_8-.Ltmp6, $3  }
0xe9: {  	_ =	sdelay $0x1  }
0xea: {  	[tilespmem:s18], [sflag:$0x2] =	stream.indirect.gather [hbm4b:s4+s17], $0x80, s24, s17, $0xb8;
	v63 =	vld [tilespmem:$0x0]  }
0xeb: {  	s23 =	simm.s32 $0x3F80;
	s24 =	simm.s32 $0x3F00  }
.LBB2_9:
0xec: {  	_ =	sfence.sel $0x180000  }
0xed: {  	[bflag:$0x0] =	sbarrier.arrive $0xFFFF  }
0xee: {  	_ =	strace $0x9000004D  }
0xef: {  	[bflag:$0x2] =	sbarrier.arrive $0xFFFF  }
0xf0: {  	p0 =	sne.s32 s2, $0x0;
	s0 =	rddreg [dreg:$0x3]  }
0xf1: {  	s0 =	sadd.s32 @!p0 $0x100000, s0  }
0xf2: {  	[sflag:s0] =	ssyncadd.tile.s32 @!p0 $0x1;
	_ =	shalt  }
.Lfunc_end2:
_tile_overlayer_lowered:
.L_overlay_start_2:
0xf3: {  	(tag) =	ssettag $0x2  }
0xf4: {  	s0 =	rddreg [dreg:$0x0];
	s2 =	stileid.u32  }
0xf5: {  	s1 =	rddreg [dreg:$0x1];
	p0 =	sne.s32 s2, $0x0  }
0xf6: {  	s3 =	rddreg [dreg:$0x2];
	[bflag:$0x3] =	sbarrier.arrive $0xFFFF;
	s2 =	simm.s32 @!p0 $0x1C05  }
0xf7: {  	[timem:s3], [sflag:s2] =	dma.local @!p0 [hbm:s0], s1  }
0xf8: {  	s0 =	simm.s32 @!p0 $0x5  }
0xf9: {  	_ =	swait.ge @!p0 [sflag:s0], s1  }
0xfa: {  	s1 =	ssub.s32 @!p0 $0x0, s1;
	[sflag:s0] =	ssyncset.done @!p0 $0x0  }
0xfb: {  	[sflag:s0] =	ssyncadd.s32 @!p0 s1  }
0xfc: {  	[bflag:$0x3] =	sbarrier.arrive $0xFFFF  }
0xfd: {  	_ =	shalt  }

// kernel: kernel.8.cloned.1.call-start
scs
__scs_entry_jumppad:
0x0: {  	(pc) =	sbr.rel $0x88, $3  }
0x1: {  	(tag) =	ssettag $0x0;
	lr =	simm.s32 $0x1  }
0x2: {  	[smem:$0x3F91] =	sst lr;
	_ =	strace $0xD0000000  }
0x3: {  	_ = 	snop  }
0x4: {  	_ = 	snop  }
0x5: {  	_ = 	snop  }
0x6: {  	_ = 	snop  }
0x7: {  	_ = 	snop  }
__scs_overlays_trampoline_lowered:
0x8: {  	[smem:$0x3FA0] =	sst s0  }
0x9: {  	[smem:$0x3FA1] =	sst s1  }
0xa: {  	[smem:$0x3FA2] =	sst s2  }
0xb: {  	[smem:$0x3FA3] =	sst s3  }
0xc: {  	[smem:$0x3FA4] =	sst s4  }
0xd: {  	[smem:$0x3FA5] =	sst s5  }
0xe: {  	[smem:$0x3FA6] =	sst s6  }
0xf: {  	[smem:$0x3FA7] =	sst s7  }
0x10: {  	[smem:$0x3FA8] =	sst s8  }
0x11: {  	[smem:$0x3FA9] =	sst s9;
	s0 =	simm.s32 @!p0 $0x0  }
0x12: {  	s1 =	sld [smem:$0x3F8F];
	s0 =	simm.s32 @p0 $0x1  }
0x13: {  	[smem:$0x3FAA] =	sst s0;
	s0 =	simm.s32 @!p1 $0x0  }
0x14: {  	s2 =	sld [smem:$0x3F8E];
	s0 =	simm.s32 @p1 $0x1  }
0x15: {  	[smem:$0x3FAB] =	sst s0;
	s0 =	simm.s32 @!p2 $0x0  }
0x16: {  	s3 =	sld [smem:$0x3FDB];
	s0 =	simm.s32 @p2 $0x1  }
0x17: {  	s4 =	simm.s32 $0x1BF5;
	[smem:$0x3FAD] =	sst s0  }
0x18: {  	s0 =	sld [smem:$0x3F90];
	_ =	swait.ge [sflag:s4], $0x0  }
0x19: {  	s7 =	sld [smem:$0x3F91]  }
0x1a: {  	s8 =	sadd.s32 $0xFFFFE003, lr  }
0x1b: {  	s9 =	sadd.s32 $0xFFFFFEF7, lr;
	s5 =	simm.s32 $0xFFFFFFFF;
	p2 =	slt.u32 s8, $0xFFFFF086  }
0x1c: {  	p1 =	slt.u32 s9, $0xF7A;
	s5 =	simm.s32 @!p2 $0x0  }
0x1d: {  	s5 =	simm.s32 @p1 $0x1;
	p0 =	seq.s32 s7, s2  }
0x1e: {  	s7 =	smul.u32 @!p0 $0xF7A, s2;
	p2 =	seq.s32 @!p0 s5, $0x0  }
0x1f: {  	s9 =	smul.u32 $0xF7A, s1;
	s8 =	simm.s32 @!p0 $0x1BF5;
	p2 =	por !p2, p0  }
0x20: {  	[sflag:s8] =	ssyncset.s32 @!p0 $0xFFFFF086;
	s6 =	sadd.s32 @!p0 s3, s7;
	s7 =	simm.s32 @!p0 $0x108  }
0x21: {  	s3 =	sadd.s32 s3, s9;
	s6 =	sadd.s32 @!p0 $0x88, s6;
	s7 =	simm.s32 @p2 $0x1082  }
0x22: {  	[simem:s7], [sflag:s8] =	dma.local @!p0 [hbm:s6], $0xF7A  }
0x23: {  	s9 =	sor.u32 $0xD0000000, s2;
	s6 =	simm.s32 $0x108;
	_ =	swait.ge @!p0 [sflag:s8], $0x0  }
0x24: {  	s3 =	sadd.s32 $0x88, s3;
	s6 =	simm.s32 @!p1 $0x1082;
	[sflag:s4] =	ssyncset.s32 $0xFFFFF086  }
0x25: {  	[simem:s6], [sflag:s4] =	dma.local [hbm:s3], $0xF7A  }
0x26: {  	[smem:$0x3F91] =	sst s1;
	(tag) =	ssettag s2;
	_ =	strace s9  }
0x27: {  	s1 =	sld [smem:$0x3FA1]  }
0x28: {  	s2 =	sld [smem:$0x3FA2]  }
0x29: {  	s4 =	sld [smem:$0x3FA4]  }
0x2a: {  	p0 =	seq.s32 s5, $0x0;
	s5 =	sld [smem:$0x3FA5]  }
0x2b: {  	s6 =	sld [smem:$0x3FA6]  }
0x2c: {  	s7 =	sld [smem:$0x3FA7]  }
0x2d: {  	s3 =	simm.s32 $0x108;
	s8 =	sld [smem:$0x3FA8]  }
0x2e: {  	s3 =	simm.s32 @!p0 $0x1082;
	s9 =	sld [smem:$0x3FA9]  }
0x2f: {  	lr =	sadd.s32 s0, s3;
	s0 =	sld [smem:$0x3FA0]  }
0x30: {  	s3 =	sld [smem:$0x3FA3]  }
0x31: {  	[smem:$0x3FAC] =	sst s10  }
0x32: {  	s10 =	sld [smem:$0x3FAA];
	_ =	sdelay $0x3  }
0x33: {  	p0 =	seq.s32 s10, $0x1;
	s10 =	sld [smem:$0x3FAC];
	_ =	sdelay $0x3  }
0x34: {  	[smem:$0x3FAC] =	sst s10  }
0x35: {  	s10 =	sld [smem:$0x3FAB];
	_ =	sdelay $0x3  }
0x36: {  	p1 =	seq.s32 s10, $0x1;
	s10 =	sld [smem:$0x3FAC];
	_ =	sdelay $0x3  }
0x37: {  	[smem:$0x3FAC] =	sst s10  }
0x38: {  	s10 =	sld [smem:$0x3FAD]  }
0x39: {  	_ = 	snop;
	(pc) =	sbr.ind lr, $3  }
0x3a: {  	_ = 	snop  }
0x3b: {  	_ = 	snop  }
0x3c: {  	p2 =	seq.s32 s10, $0x1;
	s10 =	sld [smem:$0x3FAC]  }
0x3d: {  	_ =	shalt  }
0x3e: {  	_ =	shalt  }
0x3f: {  	_ =	shalt  }
0x40: {  	_ =	shalt  }
0x41: {  	_ =	shalt  }
0x42: {  	_ =	shalt  }
0x43: {  	_ =	shalt  }
0x44: {  	_ =	shalt  }
0x45: {  	_ =	shalt  }
0x46: {  	_ =	shalt  }
0x47: {  	_ =	shalt  }
0x48: {  	_ =	shalt  }
0x49: {  	_ =	shalt  }
0x4a: {  	_ =	shalt  }
0x4b: {  	_ =	shalt  }
0x4c: {  	_ =	shalt  }
0x4d: {  	_ =	shalt  }
0x4e: {  	_ =	shalt  }
0x4f: {  	_ =	shalt  }
0x50: {  	_ =	shalt  }
0x51: {  	_ =	shalt  }
0x52: {  	_ =	shalt  }
0x53: {  	_ =	shalt  }
0x54: {  	_ =	shalt  }
0x55: {  	_ =	shalt  }
0x56: {  	_ =	shalt  }
0x57: {  	_ =	shalt  }
0x58: {  	_ =	shalt  }
0x59: {  	_ =	shalt  }
0x5a: {  	_ =	shalt  }
0x5b: {  	_ =	shalt  }
0x5c: {  	_ =	shalt  }
0x5d: {  	_ =	shalt  }
0x5e: {  	_ =	shalt  }
0x5f: {  	_ =	shalt  }
0x60: {  	_ =	shalt  }
0x61: {  	_ =	shalt  }
0x62: {  	_ =	shalt  }
0x63: {  	_ =	shalt  }
0x64: {  	_ =	shalt  }
0x65: {  	_ =	shalt  }
0x66: {  	_ =	shalt  }
0x67: {  	_ =	shalt  }
0x68: {  	_ =	shalt  }
0x69: {  	_ =	shalt  }
0x6a: {  	_ =	shalt  }
0x6b: {  	_ =	shalt  }
0x6c: {  	_ =	shalt  }
0x6d: {  	_ =	shalt  }
0x6e: {  	_ =	shalt  }
0x6f: {  	_ =	shalt  }
0x70: {  	_ =	shalt  }
0x71: {  	_ =	shalt  }
0x72: {  	_ =	shalt  }
0x73: {  	_ =	shalt  }
0x74: {  	_ =	shalt  }
0x75: {  	_ =	shalt  }
0x76: {  	_ =	shalt  }
0x77: {  	_ =	shalt  }
0x78: {  	_ =	shalt  }
0x79: {  	_ =	shalt  }
0x7a: {  	_ =	shalt  }
0x7b: {  	_ =	shalt  }
0x7c: {  	_ =	shalt  }
0x7d: {  	_ =	shalt  }
0x7e: {  	_ =	shalt  }
0x7f: {  	_ =	shalt  }
0x80: {  	_ =	shalt  }
0x81: {  	_ =	shalt  }
0x82: {  	_ =	shalt  }
0x83: {  	_ =	shalt  }
0x84: {  	_ =	shalt  }
0x85: {  	_ =	shalt  }
0x86: {  	_ =	shalt  }
0x87: {  	_ =	shalt  }
.Lfunc_end0:
.L_simem_size_0:
called_computation_lowered:
.L_overlay_start_0:
0x88: {  	s2 =	sld [smem:$0x3FD9]  }
0x89: {  	s3 =	sld [smem:$0x3FFE];
	_ =	sdelay $0x1  }
0x8a: {  	s1 =	srdreg.scid  }
0x8b: {  	s0 =	sand.u32 $0x1, s1  }
0x8c: {  	s16 =	sshll.u32 s0, $0xA;
	s2 =	sadd.s32 s3, s2  }
0x8d: {  	s2 =	sadd.s32 s2, s16  }
0x8e: {  	[smem:$0x3FB8] =	sst s2  }
0x8f: {  	_ = 	snop  }
0x90: {  	(tm) =	ssettm $0x1  }
0x91: {  	s17 =	sld [smem:$0x3FFB];
	_ =	sdelay $0x3  }
0x92: {  	_ =	strace s17  }
0x93: {  	s2 =	sld [smem:$0x3FFC];
	_ =	sdelay $0x3  }
0x94: {  	_ =	strace s2  }
0x95: {  	s2 =	sld [smem:$0x3FFD];
	_ =	sdelay $0x3  }
0x96: {  	_ =	strace s2  }
0x97: {  	_ =	strace $0x8FFFFFFF  }
0x98: {  	s18 =	sld [smem:$0x3FDB];
	_ =	sdelay $0x1  }
0x99: {  	s19 =	simm.s32 $_scs_section_size  }
0x9a: {  	s4 =	simm.s32 $_size__tile_overlayer_lowered;
	s5 =	simm.s32 $_tile_overlayer_lowered  }
0x9b: {  	s22 =	simm.s32 $0x1BFF;
	s21 =	sshll.u32 s5, $0x1;
	s2 =	sadd.s32 s19, s18  }
0x9c: {  	s6 =	simm.s32 $0x0;
	s20 =	sshll.u32 s4, $0x1;
	s4 =	sadd.s32 s21, s2  }
0x9d: {  	[timem:s6], [sflag:s22] =	dma.local [hbm:s4], s20  }
0x9e: {  	_ =	swait.ge [sflag:s22], s20  }
0x9f: {  	s3 =	ssub.s32 $0x0, s20;
	[sflag:s22] =	ssyncset.done $0x0  }
0xa0: {  	[sflag:s22] =	ssyncadd.s32 s3;
	_ =	sdelay $0x1  }
0xa1: {  	s23 =	simm.s32 $0x1B8B  }
0xa2: {  	_ =	swait.ge [sflag:s23], $0x1  }
0xa3: {  	[sflag:s23] =	ssyncset.done $0x0  }
0xa4: {  	s25 =	simm.s32 $0x1B8E;
	s24 =	sld [smem:$0x3FFE];
	[sflag:s23] =	ssyncadd.s32 $0xFFFFFFFF  }
0xa5: {  	s26 =	simm.s32 $execute0_lowered;
	[smem:$0x3FD2] =	sst s25  }
0xa6: {  	s4 =	sshll.u32 s26, $0x1;
	_ =	strace $0x80000046;
	[dreg:$0x1] =	wrdreg $0xFFFFFFFF  }
0xa7: {  	s28 =	simm.s32 $_size_execute0_lowered;
	s2 =	sadd.s32 s2, s4;
	[dreg:$0x0] =	wrdreg $0x0  }
0xa8: {  	s4 =	sshll.u32 s28, $0x1;
	[dreg:$0x2] =	wrdreg s2  }
0xa9: {  	[dreg:$0x3] =	wrdreg s4  }
0xaa: {  	[dreg:$0x4] =	wrdreg $0xC0  }
0xab: {  	_ =	task [dreg:s6], $0x5FFFF  }
0xac: {  	[dreg:$0x1] =	wrdreg $0xFFFFFFFF  }
0xad: {  	[dreg:$0x0] =	wrdreg $0x60  }
0xae: {  	[dreg:$0x2] =	wrdreg s24  }
0xaf: {  	[dreg:$0x3] =	wrdreg $0x14800  }
0xb0: {  	[dreg:$0x4] =	wrdreg $0x9  }
0xb1: {  	_ =	task.clear_ibuf [dreg:s6], $0x5FFFF;
	_ =	strace $0x90000046  }
0xb2: {  	s29 =	simm.s32 $0x9;
	_ =	strace $0x80000048  }
0xb3: {  	_ =	swait.ge [sflag:s29], $0x1  }
0xb4: {  	[sflag:s29] =	ssyncadd.s32 $0xFFFFFFFF  }
0xb5: {  	_ =	strace $0x90000048  }
0xb6: {  	_ =	sfence  }
0xb7: {  	s30 =	sld [smem:$0x0];
	_ =	sdelay $0x2  }
0xb8: {  	s31 =	sshll.u32 s1, $0xD;
	s1 =	sshrl.u32 s1, $0x2  }
0xb9: {  	s3 =	sand.u32 $0x4000, s31;
	s1 =	sadd.s32 s1, s30  }
0xba: {  	s0 =	sor.u32 s3, s0;
	s1 =	sshll.u32 s1, $0x11  }
0xbb: {  	s0 =	sor.u32 s1, s0  }
0xbc: {  	s0 =	sadd.s32 $0x8F2B, s0  }
0xbd: {  	[sflag:s0] =	ssyncadd.remote.s32 $0x1  }
0xbe: {  	_ =	sfence.sel $0xFFFF  }
0xbf: {  	[dreg:$0x0] =	wrdreg $0xFFFFFFFF;
	(pc) =	sbr.abs _section_cstart, $3  }
0xc0: {  	[dreg:$0x1] =	wrdreg $0xFFFFFFFF  }
0xc1: {  	_ =	task.clear_ibuf [dreg:s6], $0x2FFFF;
	_ =	strace $0x9FFFFFFF  }
0xc2: {  	(tm) =	ssettm $0x7FFFFFFF  }
0xc3: {  	_ =	shalt  }
tec
execute0_lowered:
.L_overlay_start_1:
0x0: {  	(tag) =	ssettag $0x1  }
0x1: {  	s0 =	srdreg.scid;
	s6 =	rddreg [dreg:$0x0]  }
0x2: {  	s2 =	rddreg [dreg:$0x1];
	s3 =	simm.s32 $0x0;
	s13 =	simm.s32 $0x80  }
0x3: {  	s14 =	simm.s32 $0x20;
	s15 =	simm.s32 $0x10;
	s16 =	simm.s32 $0x0  }
0x4: {  	s5 =	sand.u32 $0x1, s0;
	s0 =	stileid.u32;
	[smem:$0x7FF] =	sst s3  }
0x5: {  	s1 =	sshll.u32 s5, $0x4;
	s7 =	smul.u32 $0x500, s0;
	s8 =	sshll.u32 s5, $0x7  }
0x6: {  	s28 =	ssub.s32 $0x2, s5;
	s10 =	smul.u32 $0xA00, s0;
	s5 =	sadd.s32 $0x8A00, s6  }
0x7: {  	s31 =	sshll.u32 s0, $0x6;
	s4 =	sor.u32 s0, s1;
	s1 =	rddreg [dreg:$0x2]  }
0x8: {  	_ =	strace $0x80000047;
	s29 =	sshrl.u32 s28, $0x1;
	s4 =	smul.u32 $0x280, s4  }
0x9: {  	s7 =	sor.u32 s8, s7;
	s12 =	ssub.s32 s28, s29;
	s30 =	sshrl.u32 s10, $0x2  }
0xa: {  	s7 =	sshrl.u32 s7, $0x3;
	s10 =	sadd.s32 s30, s2;
	s9 =	sadd.s32 s4, s6  }
0xb: {  	s4 =	sadd.s32 $0x8800, s6;
	s11 =	sadd.s32 s7, s6;
	s6 =	sor.u32 $0x1C01, s31  }
0xc: {  	s10 =	sshrl.u32 s10, $0x3;
	s7 =	sadd.s32 $0x3400, s9;
	s8 =	sadd.s32 $0x8C00, s11  }
0xd: {  	s9 =	smax.u32 s12, $0x1;
	s11 =	simm.s32 $0x1;
	s12 =	simm.s32 $0x1400  }
.LBB2_1:
0xe: {  	[spmem:s10], [sflag:s6] =	dma.local [hbm:s4], $0x50  }
0xf: {  	_ =	swait.ge [sflag:s11], $0x50  }
0x10: {  	[sflag:s11] =	ssyncset.done $0x0  }
0x11: {  	[sflag:s11] =	ssyncadd.s32 $0xFFFFFFB0  }
0x12: {  	[tilespmem:s3], [sflag:$0x1] =	stream.linear.gather [hbm4b:s7+s3], $0x1400, $0x38;
	[tilespmem:$0x1700] =	vst v63  }
0x13: {  	_ =	swait.ge [sflag:s11], $0x1400  }
0x14: {  	[sflag:s11] =	ssyncset.done $0x0  }
0x15: {  	[sflag:s11] =	ssyncadd.s32 $0xFFFFEC00  }
0x16: {  	[tilespmem:s12], [sflag:$0x1] =	stream.linear.gather [hbm4b:s5+s3], $0x80, $0x38;
	[tilespmem:$0x1700] =	vst v63  }
0x17: {  	_ =	swait.ge [sflag:s11], $0x80  }
0x18: {  	[sflag:s11] =	ssyncset.done $0x0  }
0x19: {  	[sflag:s11] =	ssyncadd.s32 $0xFFFFFF80  }
0x1a: {  	s17 =	simm.s32 $0x0;
	[bflag:$0x0] =	sbarrier.arrive $0xFFFF  }
0x1b: {  	[spmem:s2] =	stream.indirect.scatter.add.f32 [tilespmem:s12], [sflag:$0x1], $0x1, s17, s13, $0xb8;
	[tilespmem:$0x1700] =	vst v63  }
0x1c: {  	_ =	swait.ge [sflag:s11], $0x80  }
0x1d: {  	s17 =	simm.s32 $0x200;
	[sflag:s11] =	ssyncset.done $0x0  }
.LBB2_2:
0x1e: {  	s18 =	sshra.s32 s17, $0x2;
	[sflag:s11] =	ssyncadd.s32 $0xFFFFFF80;
	p0 =	sne.s32 s17, $0x4E00  }
0x1f: {  	[spmem:s2] =	stream.indirect.scatter.add.f32 [tilespmem:s12], [sflag:$0x1], $0x1, s18, s13, $0xb8;
	[tilespmem:$0x1700] =	vst v63  }
.Ltmp0:
0x20: {  	_ = 	snop;
	(pc) =	sbr.rel @p0 .LBB2_2-.Ltmp0, $4  }
0x21: {  	_ = 	snop  }
0x22: {  	s17 =	sadd.s32 $0x200, s17  }
0x23: {  	_ =	swait.ge [sflag:s11], $0x80  }
0x24: {  	[sflag:s11] =	ssyncset.done $0x0  }
0x25: {  	s16 =	sadd.s32 $0x1, s16  }
0x26: {  	[sflag:s11] =	ssyncadd.s32 $0xFFFFFF80;
	p0 =	sne.s32 s16, s9  }
.Ltmp1:
0x27: {  	[bflag:$0x0] =	sbarrier.arrive $0xFFFF;
	(pc) =	sbr.rel @p0 .LBB2_1-.Ltmp1, $4  }
0x28: {  	[hbm:s8@s14], [sflag:s6] =	dma.strided [spmem:s10@s15], $0x50, s11, $0x10   }
0x29: {  	_ =	swait.ge [sflag:s11], $0x50  }
0x2a: {  	[sflag:s11] =	ssyncset.done $0x0  }
0x2b: {  	[sflag:s11] =	ssyncadd.s32 $0xFFFFFFB0  }
0x2c: {  	_ =	sfence.sel $0x180000  }
0x2d: {  	[bflag:$0x0] =	sbarrier.arrive $0xFFFF  }
0x2e: {  	p0 =	sne.s32 s0, $0x0;
	_ =	strace $0x90000047  }
0x2f: {  	s0 =	sadd.s32 @!p0 $0x100000, s1;
	[bflag:$0x2] =	sbarrier.arrive $0xFFFF  }
0x30: {  	[sflag:s0] =	ssyncadd.tile.s32 @!p0 $0x1;
	_ =	shalt  }
.Lfunc_end2:
_tile_overlayer_lowered:
.L_overlay_start_2:
0x31: {  	(tag) =	ssettag $0x2  }
0x32: {  	s0 =	rddreg [dreg:$0x0];
	s2 =	stileid.u32  }
0x33: {  	s1 =	rddreg [dreg:$0x1];
	p0 =	sne.s32 s2, $0x0  }
0x34: {  	s3 =	rddreg [dreg:$0x2];
	[bflag:$0x3] =	sbarrier.arrive $0xFFFF;
	s2 =	simm.s32 @!p0 $0x1C01  }
0x35: {  	[timem:s3], [sflag:s2] =	dma.local @!p0 [hbm:s0], s1  }
0x36: {  	s0 =	simm.s32 @!p0 $0x1  }
0x37: {  	_ =	swait.ge @!p0 [sflag:s0], s1  }
0x38: {  	s1 =	ssub.s32 @!p0 $0x0, s1;
	[sflag:s0] =	ssyncset.done @!p0 $0x0  }
0x39: {  	[sflag:s0] =	ssyncadd.s32 @!p0 s1  }
0x3a: {  	[bflag:$0x3] =	sbarrier.arrive $0xFFFF  }
0x3b: {  	_ =	shalt  }

</sc_bundles>
